<compile_context>
chip_gen: v7x
topology: tpu7x:2x2x1
jax: 0.10.2.dev20260603
libtpu: 0.0.44.dev20260713+nightly
codegen_flags: <defaults>
</compile_context>

<pallas_src>
import functools

import jax
import jax.numpy as jnp
from jax import lax
from jax.experimental import pallas as pl
from jax.experimental.pallas import tpu as pltpu
from jax.experimental.pallas import tpu_sc as plsc

_B, _C, _H, _W = 16, 768, 14, 14
_M, _R = 32, 64
_D = 1024
_H1, _H2 = 1024, 512
_HW = _H * _W

_NW = 32

_PPS = 8


def _pool_kernel(feat_ref, bbox_ref, pooled_ref, ctx_ref):
    for k in range(_PPS):
        f = feat_ref[k]
        bb = bbox_ref[k]
        x0 = jnp.minimum(bb[:, 0:1], bb[:, 2:3])
        x1 = jnp.maximum(bb[:, 0:1], bb[:, 2:3])
        y0 = jnp.minimum(bb[:, 1:2], bb[:, 3:4])
        y1 = jnp.maximum(bb[:, 1:2], bb[:, 3:4])
        p = lax.broadcasted_iota(jnp.int32, (1, _HW), 1)
        xw = ((p % _W).astype(jnp.float32) + 0.5) / _W
        yh = ((p // _W).astype(jnp.float32) + 0.5) / _H
        mask = ((xw >= x0) & (xw <= x1) & (yh >= y0) & (yh <= y1))
        cnt = jnp.maximum(jnp.sum(mask.astype(jnp.float32), axis=1,
                                  keepdims=True), 1.0)
        row = lax.broadcasted_iota(jnp.int32, (8, _HW), 0)
        mext = jnp.concatenate([mask, row == 0], axis=0).astype(jnp.bfloat16)
        pooled = lax.dot_general(mext, f, (((1,), (1,)), ((), ())),
                                 preferred_element_type=jnp.float32)
        pooled_ref[k] = pooled[:_M] / cnt
        ctx_ref[k] = pooled[_M:] * (1.0 / _HW)


def _dense_kernel(pooled_ref, ctx8_ref, wobj_ref, bobj_ref, wctx_ref, bctx_ref,
                  w1_ref, obj_ref, y_ref, z_ref):
    obj = jnp.maximum(
        jnp.dot(pooled_ref[...], wobj_ref[...], preferred_element_type=jnp.float32)
        + bobj_ref[...], 0.0)
    obj_ref[...] = obj
    y_ref[...] = jnp.dot(obj, w1_ref[:_D], preferred_element_type=jnp.float32)
    ctx = jnp.maximum(
        jnp.dot(ctx8_ref[:, 0, :], wctx_ref[...],
                preferred_element_type=jnp.float32) + bctx_ref[...], 0.0)
    z_ref[...] = jnp.dot(ctx, w1_ref[_D:], preferred_element_type=jnp.float32)


_OUT = _B * _R
_OPW = _OUT // _NW


def _pair_gather_sum(y, idx):
    @functools.partial(
        pl.kernel,
        mesh=plsc.VectorSubcoreMesh(core_axis_name="c", subcore_axis_name="s"),
        out_type=jax.ShapeDtypeStruct((_OUT, _D), jnp.float32),
        scratch_types=[
            pltpu.VMEM((_OPW,), jnp.int32),
            pltpu.VMEM((_OPW,), jnp.int32),
            pltpu.VMEM((_OPW, _D), jnp.float32),
            pltpu.VMEM((_OPW, _D), jnp.float32),
            pltpu.SemaphoreType.DMA,
        ],
    )
    def k(table_hbm, idx_hbm, out_hbm, idx0_v, idx1_v, buf0, buf1, sem):
        wid = lax.axis_index("s") * 2 + lax.axis_index("c")
        base = wid * _OPW
        pltpu.sync_copy(idx_hbm.at[pl.ds(base, _OPW)], idx0_v)
        pltpu.sync_copy(idx_hbm.at[pl.ds(_OUT + base, _OPW)], idx1_v)
        off = (wid // (_NW // _B)) * _M
        for j in range(_OPW // 16):
            s = pl.ds(j * 16, 16)
            idx0_v[s] = idx0_v[s] + off
            idx1_v[s] = idx1_v[s] + off
        cp0 = pltpu.async_copy(table_hbm.at[idx0_v], buf0, sem)
        cp1 = pltpu.async_copy(table_hbm.at[idx1_v], buf1, sem)
        cp0.wait()
        cp1.wait()

        def body(r, carry):
            for c in range(_D // 16):
                s = pl.ds(c * 16, 16)
                buf0[r, s] = buf0[r, s] + buf1[r, s]
            return carry

        lax.fori_loop(0, _OPW, body, 0)
        pltpu.sync_copy(buf0, out_hbm.at[pl.ds(base, _OPW)])

    return k(y, idx)


_BPS = 8


def _mlp_kernel(g_ref, z_ref, nrel_ref, b1_ref, w2_ref, b2_ref, out_ref):
    i = pl.program_id(0)
    for k in range(_BPS):
        b = i * _BPS + k
        nr = nrel_ref[b]
        valid = (lax.broadcasted_iota(jnp.int32, (_R, 1), 0) < nr).astype(jnp.float32)
        rows = g_ref[pl.ds(k * _R, _R), :]
        zrow = z_ref[pl.ds(b, 1), :]
        h = jnp.maximum(valid * (0.5 * rows + zrow) + b1_ref[...], 0.0)
        out_ref[pl.ds(k * _R, _R), :] = jnp.maximum(
            jnp.dot(h, w2_ref[...], preferred_element_type=jnp.float32)
            + b2_ref[...], 0.0)


def kernel(frame_deep_features, bboxes, num_obj, obj_pairs, num_rel,
           W_obj, b_obj, W_ctx, b_ctx, W1, b1, W2, b2):
    feat = frame_deep_features.reshape(_B, _C, _HW).astype(jnp.bfloat16)
    pooled, ctx8 = pl.pallas_call(
        _pool_kernel,
        grid=(_B // _PPS,),
        in_specs=[pl.BlockSpec((_PPS, _C, _HW), lambda b: (b, 0, 0)),
                  pl.BlockSpec((_PPS, _M, 4), lambda b: (b, 0, 0))],
        out_specs=[pl.BlockSpec((_PPS, _M, _C), lambda b: (b, 0, 0)),
                   pl.BlockSpec((_PPS, 8, _C), lambda b: (b, 0, 0))],
        out_shape=[jax.ShapeDtypeStruct((_B, _M, _C), jnp.float32),
                   jax.ShapeDtypeStruct((_B, 8, _C), jnp.float32)],
        compiler_params=pltpu.CompilerParams(
            dimension_semantics=("parallel",)),
    )(feat, bboxes)

    obj_flat, y, z = pl.pallas_call(
        _dense_kernel,
        out_shape=[jax.ShapeDtypeStruct((_B * _M, _D), jnp.float32),
                   jax.ShapeDtypeStruct((_B * _M, _D), jnp.float32),
                   jax.ShapeDtypeStruct((_B, _D), jnp.float32)],
    )(pooled.reshape(_B * _M, _C), ctx8,
      W_obj, b_obj.reshape(1, _D), W_ctx, b_ctx.reshape(1, _D), W1)

    op = obj_pairs.astype(jnp.int32)
    idx = jnp.concatenate([op[..., 0].reshape(-1), op[..., 1].reshape(-1)])
    g = _pair_gather_sum(y, idx)

    f3 = pl.pallas_call(
        _mlp_kernel,
        grid=(_B // _BPS,),
        in_specs=[pl.BlockSpec((_BPS * _R, _D), lambda i: (i, 0)),
                  pl.BlockSpec((_B, _D), lambda i: (0, 0)),
                  pl.BlockSpec(memory_space=pltpu.SMEM),
                  pl.BlockSpec((1, _H1), lambda i: (0, 0)),
                  pl.BlockSpec((_H1, _H2), lambda i: (0, 0)),
                  pl.BlockSpec((1, _H2), lambda i: (0, 0))],
        out_specs=pl.BlockSpec((_BPS * _R, _H2), lambda i: (i, 0)),
        out_shape=jax.ShapeDtypeStruct((_B * _R, _H2), jnp.float32),
    )(g, z, num_rel, b1.reshape(1, _H1), W2, b2.reshape(1, _H2))

    return obj_flat, f3

# --- scband reference (transcript-rebuilt; emitter-appended) ---
"""Pipeline reference for scband-visual-branch-vsgnet-87162066305839 (READ-ONLY COPY).

The authoritative reference and input builder live on the scoring server;
editing this copy changes nothing except your own understanding.
"""

import jax, jax.numpy as jnp
import numpy as np

B, C, H, W = 16, 768, 14, 14
M, R = 32, 64
D = 1024
MLP_DIMS = [2048, 1024, 512]


def setup_inputs(seed: int = 0) -> dict:
    key = jax.random.key(seed)
    ks = jax.random.split(key, 16)
    inp = {}
    inp["frame_deep_features"] = jax.random.normal(ks[0], (B, C, H, W), dtype=jnp.float32)
    inp["bboxes"] = jax.random.uniform(ks[1], (B, M, 4), dtype=jnp.float32)
    inp["num_obj"] = jax.random.randint(ks[2], (B,), 1, M + 1).astype(jnp.int32)
    inp["obj_pairs"] = jax.random.randint(ks[3], (B, R, 2), 0, M).astype(jnp.int64)
    inp["num_rel"] = jax.random.randint(ks[4], (B,), 1, R + 1).astype(jnp.int32)
    # learned parameters
    inp["W_obj"] = jax.random.normal(ks[5], (C, D), dtype=jnp.float32) / np.sqrt(C)
    inp["b_obj"] = jnp.zeros((D,), dtype=jnp.float32)
    inp["W_ctx"] = jax.random.normal(ks[6], (C, D), dtype=jnp.float32) / np.sqrt(C)
    inp["b_ctx"] = jnp.zeros((D,), dtype=jnp.float32)
    inp["W1"] = jax.random.normal(ks[7], (MLP_DIMS[0], MLP_DIMS[1]), dtype=jnp.float32) / np.sqrt(MLP_DIMS[0])
    inp["b1"] = jnp.zeros((MLP_DIMS[1],), dtype=jnp.float32)
    inp["W2"] = jax.random.normal(ks[8], (MLP_DIMS[1], MLP_DIMS[2]), dtype=jnp.float32) / np.sqrt(MLP_DIMS[1])
    inp["b2"] = jnp.zeros((MLP_DIMS[2],), dtype=jnp.float32)
    return inp


def _object_branch(feat, bboxes, W_obj, b_obj):
    # ROI mask-average pooling over the feature map, then FC + ReLU
    x0 = jnp.minimum(bboxes[..., 0], bboxes[..., 2])
    x1 = jnp.maximum(bboxes[..., 0], bboxes[..., 2])
    y0 = jnp.minimum(bboxes[..., 1], bboxes[..., 3])
    y1 = jnp.maximum(bboxes[..., 1], bboxes[..., 3])
    xs = (jnp.arange(W, dtype=jnp.float32) + 0.5) / W  # [W]
    ys = (jnp.arange(H, dtype=jnp.float32) + 0.5) / H  # [H]
    mx = (xs[None, None, :] >= x0[..., None]) & (xs[None, None, :] <= x1[..., None])  # [B,M,W]
    my = (ys[None, None, :] >= y0[..., None]) & (ys[None, None, :] <= y1[..., None])  # [B,M,H]
    mask = (my[:, :, :, None] & mx[:, :, None, :]).astype(jnp.float32)  # [B,M,H,W]
    count = jnp.maximum(mask.sum(axis=(2, 3)), 1.0)  # [B,M]
    pooled = jnp.einsum('bchw,bmhw->bmc', feat, mask) / count[..., None]  # [B,M,C]
    return jax.nn.relu(pooled @ W_obj + b_obj)  # [B,M,D]


def _context_branch(feat, W_ctx, b_ctx):
    ctx = feat.mean(axis=(2, 3))  # [B,C]
    return jax.nn.relu(ctx @ W_ctx + b_ctx)  # [B,D]


def reference(frame_deep_features, bboxes, num_obj, obj_pairs, num_rel,
              W_obj, b_obj, W_ctx, b_ctx, W1, b1, W2, b2):
    obj_out = _object_branch(frame_deep_features, bboxes, W_obj, b_obj)  # [B,M,D]
    ctx_out = _context_branch(frame_deep_features, W_ctx, b_ctx)        # [B,D]
    obj_flat = obj_out.reshape(B * M, D)
    # per-batch object index offsets (ragged -> padded flat indexing)
    offsets = (jnp.arange(B, dtype=jnp.int64) * M)[:, None, None]
    pair_idx = obj_pairs + offsets  # [B,R,2]
    v0 = jnp.take(obj_flat, pair_idx[..., 0].reshape(-1), axis=0).reshape(B, R, D)
    v1 = jnp.take(obj_flat, pair_idx[..., 1].reshape(-1), axis=0).reshape(B, R, D)
    obj_vec = 0.5 * (v0 + v1)  # mean aggregate
    ctx_vec = jnp.broadcast_to(ctx_out[:, None, :], (B, R, D))
    inp = jnp.concatenate([obj_vec, ctx_vec], axis=-1)  # [B,R,2D]
    valid = (jnp.arange(R)[None, :] < num_rel[:, None]).astype(jnp.float32)  # [B,R]
    inp = inp * valid[..., None]
    flat = inp.reshape(B * R, 2 * D)
    h = jax.nn.relu(flat @ W1 + b1)
    f_oo = jax.nn.relu(h @ W2 + b2)  # [B*R, 512]
    return obj_flat, f_oo

if __name__ == "__main__":
    import jax
    _d = setup_inputs()
    print(jax.jit(kernel)(*tuple(_d.values())))

</pallas_src>

<mosaic_0001>
#map = affine_map<(d0, d1) -> (0, 0)>
#map1 = affine_map<(d0, d1) -> (0)>
module attributes {stable_mosaic.version = 14 : i64} {
  func.func @k(%arg0: i32, %arg1: i32, %arg2: memref<512x1024xf32, #tpu.memory_space<hbm>>, %arg3: memref<2048xi32, #tpu.memory_space<hbm>>, %arg4: memref<1024x1024xf32, #tpu.memory_space<hbm>>, %arg5: memref<32xi32, #tpu.memory_space<vmem>>, %arg6: memref<32xi32, #tpu.memory_space<vmem>>, %arg7: memref<32x1024xf32, #tpu.memory_space<vmem>>, %arg8: memref<32x1024xf32, #tpu.memory_space<vmem>>, %arg9: memref<!tpu.dma_semaphore, #tpu.memory_space<semaphore_mem>>) attributes {dimension_semantics = [#tpu.dimension_semantics<core_parallel>, #tpu.dimension_semantics<subcore_parallel>], iteration_bounds = array<i64: 2, 16>, scalar_prefetch = 0 : i64, scratch_operands = 5 : i64, tpu.core_type = #tpu.core_type<sc_vector_subcore>, window_params = [{transform_indices = #map}, {transform_indices = #map1}, {transform_indices = #map}]} {
    %mul3A = arith.constant 2 : i32
    %mul3A_0 = arith.muli %arg1, %mul3A : i32
    %add3A = arith.addi %mul3A_0, %arg0 : i32
    %mul3A_1 = arith.constant 32 : i32
    %mul3A_2 = arith.muli %add3A, %mul3A_1 : i32
    "tpu.region"() ({
      %run_scoped3A = tpu.sem_alloc : memref<!tpu.dma_semaphore, #tpu.memory_space<semaphore_mem>>
      %dma_start3A_72 = tpu.memref_slice %arg3[%mul3A_2] : memref<2048xi32, #tpu.memory_space<hbm>> -> memref<32xi32, #tpu.memory_space<hbm>>
      %dma_start3A_73 = tpu.memref_slice %arg3[%mul3A_2] : memref<2048xi32, #tpu.memory_space<hbm>> -> memref<32xi32, #tpu.memory_space<hbm>>
      tpu.enqueue_dma source(%dma_start3A_73 : memref<32xi32, #tpu.memory_space<hbm>>) target(%arg5 : memref<32xi32, #tpu.memory_space<vmem>>) target_semaphore(%run_scoped3A : memref<!tpu.dma_semaphore, #tpu.memory_space<semaphore_mem>>)
      %dma_wait3A_74 = tpu.memref_slice %arg3[%mul3A_2] : memref<2048xi32, #tpu.memory_space<hbm>> -> memref<32xi32, #tpu.memory_space<hbm>>
      %dma_wait3A_75 = tpu.memref_slice %arg3[%mul3A_2] : memref<2048xi32, #tpu.memory_space<hbm>> -> memref<32xi32, #tpu.memory_space<hbm>>
      tpu.wait_dma2 semaphore(%run_scoped3A : memref<!tpu.dma_semaphore, #tpu.memory_space<semaphore_mem>>) src(%dma_wait3A_75 : memref<32xi32, #tpu.memory_space<hbm>>) dst(%arg5 : memref<32xi32, #tpu.memory_space<vmem>>)
      tpu.yield
    }) : () -> ()
    %add3A_3 = arith.constant 1024 : i32
    %add3A_4 = arith.addi %add3A_3, %mul3A_2 : i32
    "tpu.region"() ({
      %run_scoped3A = tpu.sem_alloc : memref<!tpu.dma_semaphore, #tpu.memory_space<semaphore_mem>>
      %dma_start3A_72 = tpu.memref_slice %arg3[%add3A_4] : memref<2048xi32, #tpu.memory_space<hbm>> -> memref<32xi32, #tpu.memory_space<hbm>>
      %dma_start3A_73 = tpu.memref_slice %arg3[%add3A_4] : memref<2048xi32, #tpu.memory_space<hbm>> -> memref<32xi32, #tpu.memory_space<hbm>>
      tpu.enqueue_dma source(%dma_start3A_73 : memref<32xi32, #tpu.memory_space<hbm>>) target(%arg6 : memref<32xi32, #tpu.memory_space<vmem>>) target_semaphore(%run_scoped3A : memref<!tpu.dma_semaphore, #tpu.memory_space<semaphore_mem>>)
      %dma_wait3A_74 = tpu.memref_slice %arg3[%add3A_4] : memref<2048xi32, #tpu.memory_space<hbm>> -> memref<32xi32, #tpu.memory_space<hbm>>
      %dma_wait3A_75 = tpu.memref_slice %arg3[%add3A_4] : memref<2048xi32, #tpu.memory_space<hbm>> -> memref<32xi32, #tpu.memory_space<hbm>>
      tpu.wait_dma2 semaphore(%run_scoped3A : memref<!tpu.dma_semaphore, #tpu.memory_space<semaphore_mem>>) src(%dma_wait3A_75 : memref<32xi32, #tpu.memory_space<hbm>>) dst(%arg6 : memref<32xi32, #tpu.memory_space<vmem>>)
      tpu.yield
    }) : () -> ()
    %jit3A = arith.constant 2 : i32
    %div3A = arith.divsi %add3A, %jit3A : i32
    %sign3A = arith.constant 0 : i32
    %sign3A_5 = arith.cmpi sgt, %add3A, %sign3A : i32
    %sign3A_6 = arith.extui %sign3A_5 : i1 to i32
    %sign3A_7 = arith.constant 0 : i32
    %sign3A_8 = arith.cmpi slt, %add3A, %sign3A_7 : i32
    %sign3A_9 = arith.extui %sign3A_8 : i1 to i32
    %sign3A_10 = arith.subi %sign3A_6, %sign3A_9 : i32
    %sign3A_11 = arith.constant 0 : i32
    %sign3A_12 = arith.cmpi sgt, %jit3A, %sign3A_11 : i32
    %sign3A_13 = arith.extui %sign3A_12 : i1 to i32
    %sign3A_14 = arith.constant 0 : i32
    %sign3A_15 = arith.cmpi slt, %jit3A, %sign3A_14 : i32
    %sign3A_16 = arith.extui %sign3A_15 : i1 to i32
    %sign3A_17 = arith.subi %sign3A_13, %sign3A_16 : i32
    %ne3A = arith.cmpi ne, %sign3A_10, %sign3A_17 : i32
    %rem3A = arith.remsi %add3A, %jit3A : i32
    %ne3A_18 = arith.constant 0 : i32
    %ne3A_19 = arith.cmpi ne, %rem3A, %ne3A_18 : i32
    %and3A = arith.andi %ne3A, %ne3A_19 : i1
    %sub3A = arith.constant 1 : i32
    %sub3A_20 = arith.subi %div3A, %sub3A : i32
    %select_n3A = arith.select %and3A, %sub3A_20, %div3A : i32
    %mul3A_21 = arith.constant 32 : i32
    %mul3A_22 = arith.muli %select_n3A, %mul3A_21 : i32
    %get3A = arith.constant 0 : index
    %get3A_23 = tpu.vector_load %arg5[%get3A] {strides = array<i32>} : memref<32xi32, #tpu.memory_space<vmem>>, vector<16xi32>,
    %get3A_24 = vector.shape_cast %get3A_23 : vector<16xi32> to vector<16xi32>
    %add3A_25 = vector.broadcast %mul3A_22 : i32 to vector<16xi32>
    %add3A_26 = arith.addi %get3A_24, %add3A_25 : vector<16xi32>
    %swap3A = arith.constant 0 : index
    %swap3A_27 = tpu.vector_load %arg5[%swap3A] {strides = array<i32>} : memref<32xi32, #tpu.memory_space<vmem>>, vector<16xi32>,
    %swap3A_28 = vector.shape_cast %swap3A_27 : vector<16xi32> to vector<16xi32>
    %swap3A_29 = vector.shape_cast %add3A_26 : vector<16xi32> to vector<16xi32>
    tpu.vector_store %arg5[%swap3A], %swap3A_29 {strides = array<i32>} : memref<32xi32, #tpu.memory_space<vmem>>, vector<16xi32>,
    %get3A_30 = arith.constant 0 : index
    %get3A_31 = tpu.vector_load %arg6[%get3A_30] {strides = array<i32>} : memref<32xi32, #tpu.memory_space<vmem>>, vector<16xi32>,
    %get3A_32 = vector.shape_cast %get3A_31 : vector<16xi32> to vector<16xi32>
    %add3A_33 = vector.broadcast %mul3A_22 : i32 to vector<16xi32>
    %add3A_34 = arith.addi %get3A_32, %add3A_33 : vector<16xi32>
    %swap3A_35 = arith.constant 0 : index
    %swap3A_36 = tpu.vector_load %arg6[%swap3A_35] {strides = array<i32>} : memref<32xi32, #tpu.memory_space<vmem>>, vector<16xi32>,
    %swap3A_37 = vector.shape_cast %swap3A_36 : vector<16xi32> to vector<16xi32>
    %swap3A_38 = vector.shape_cast %add3A_34 : vector<16xi32> to vector<16xi32>
    tpu.vector_store %arg6[%swap3A_35], %swap3A_38 {strides = array<i32>} : memref<32xi32, #tpu.memory_space<vmem>>, vector<16xi32>,
    %get3A_39 = arith.constant 16 : index
    %get3A_40 = tpu.vector_load %arg5[%get3A_39] {strides = array<i32>} : memref<32xi32, #tpu.memory_space<vmem>>, vector<16xi32>,
    %get3A_41 = vector.shape_cast %get3A_40 : vector<16xi32> to vector<16xi32>
    %add3A_42 = vector.broadcast %mul3A_22 : i32 to vector<16xi32>
    %add3A_43 = arith.addi %get3A_41, %add3A_42 : vector<16xi32>
    %swap3A_44 = arith.constant 16 : index
    %swap3A_45 = tpu.vector_load %arg5[%swap3A_44] {strides = array<i32>} : memref<32xi32, #tpu.memory_space<vmem>>, vector<16xi32>,
    %swap3A_46 = vector.shape_cast %swap3A_45 : vector<16xi32> to vector<16xi32>
    %swap3A_47 = vector.shape_cast %add3A_43 : vector<16xi32> to vector<16xi32>
    tpu.vector_store %arg5[%swap3A_44], %swap3A_47 {strides = array<i32>} : memref<32xi32, #tpu.memory_space<vmem>>, vector<16xi32>,
    %get3A_48 = arith.constant 16 : index
    %get3A_49 = tpu.vector_load %arg6[%get3A_48] {strides = array<i32>} : memref<32xi32, #tpu.memory_space<vmem>>, vector<16xi32>,
    %get3A_50 = vector.shape_cast %get3A_49 : vector<16xi32> to vector<16xi32>
    %add3A_51 = vector.broadcast %mul3A_22 : i32 to vector<16xi32>
    %add3A_52 = arith.addi %get3A_50, %add3A_51 : vector<16xi32>
    %swap3A_53 = arith.constant 16 : index
    %swap3A_54 = tpu.vector_load %arg6[%swap3A_53] {strides = array<i32>} : memref<32xi32, #tpu.memory_space<vmem>>, vector<16xi32>,
    %swap3A_55 = vector.shape_cast %swap3A_54 : vector<16xi32> to vector<16xi32>
    %swap3A_56 = vector.shape_cast %add3A_52 : vector<16xi32> to vector<16xi32>
    tpu.vector_store %arg6[%swap3A_53], %swap3A_56 {strides = array<i32>} : memref<32xi32, #tpu.memory_space<vmem>>, vector<16xi32>,
    %dma_start3A = arith.constant 0 : i32
    %dma_start3A_57 = arith.constant 0 : i32
    %dma_start3A_58 = tpu.memref_slice %arg2[%dma_start3A, %dma_start3A_57] : memref<512x1024xf32, #tpu.memory_space<hbm>> -> memref<512x1024xf32, #tpu.memory_space<hbm>>
    tpu.enqueue_indirect_dma source(%dma_start3A_58 : memref<512x1024xf32, #tpu.memory_space<hbm>>) target(%arg7 : memref<32x1024xf32, #tpu.memory_space<vmem>>) offsets(%arg5 : memref<32xi32, #tpu.memory_space<vmem>>) semaphore(%arg9 : memref<!tpu.dma_semaphore, #tpu.memory_space<semaphore_mem>>)
    %dma_start3A_59 = arith.constant 0 : i32
    %dma_start3A_60 = arith.constant 0 : i32
    %dma_start3A_61 = tpu.memref_slice %arg2[%dma_start3A_59, %dma_start3A_60] : memref<512x1024xf32, #tpu.memory_space<hbm>> -> memref<512x1024xf32, #tpu.memory_space<hbm>>
    tpu.enqueue_indirect_dma source(%dma_start3A_61 : memref<512x1024xf32, #tpu.memory_space<hbm>>) target(%arg8 : memref<32x1024xf32, #tpu.memory_space<vmem>>) offsets(%arg6 : memref<32xi32, #tpu.memory_space<vmem>>) semaphore(%arg9 : memref<!tpu.dma_semaphore, #tpu.memory_space<semaphore_mem>>)
    %dma_wait3A = arith.constant 0 : i32
    %dma_wait3A_62 = arith.constant 0 : i32
    %dma_wait3A_63 = tpu.memref_slice %arg2[%dma_wait3A, %dma_wait3A_62] : memref<512x1024xf32, #tpu.memory_space<hbm>> -> memref<512x1024xf32, #tpu.memory_space<hbm>>
    tpu.wait_indirect_dma semaphore(%arg9 : memref<!tpu.dma_semaphore, #tpu.memory_space<semaphore_mem>>) src(%dma_wait3A_63 : memref<512x1024xf32, #tpu.memory_space<hbm>>) dst(%arg7 : memref<32x1024xf32, #tpu.memory_space<vmem>>)
    %dma_wait3A_64 = arith.constant 0 : i32
    %dma_wait3A_65 = arith.constant 0 : i32
    %dma_wait3A_66 = tpu.memref_slice %arg2[%dma_wait3A_64, %dma_wait3A_65] : memref<512x1024xf32, #tpu.memory_space<hbm>> -> memref<512x1024xf32, #tpu.memory_space<hbm>>
    tpu.wait_indirect_dma semaphore(%arg9 : memref<!tpu.dma_semaphore, #tpu.memory_space<semaphore_mem>>) src(%dma_wait3A_66 : memref<512x1024xf32, #tpu.memory_space<hbm>>) dst(%arg8 : memref<32x1024xf32, #tpu.memory_space<vmem>>)
    %scan3A = arith.constant 0 : i32
    %scan3A_67 = arith.constant 0 : i32
    %scan3A_68 = arith.constant 32 : i32
    %scan3A_69 = arith.addi %scan3A_67, %scan3A_68 : i32
    %scan3A_70 = arith.constant 1 : i32
    scf.for %scan3A_72 = %scan3A_67 to %scan3A_69 step %scan3A_70  : i32 {
      %get3A_73 = arith.index_cast %scan3A_72 : i32 to index
      %get3A_74 = arith.constant 0 : index
      %get3A_75 = tpu.vector_load %arg7[%get3A_73, %get3A_74] {strides = array<i32>} : memref<32x1024xf32, #tpu.memory_space<vmem>>, vector<1x16xf32>,
      %get3A_76 = vector.shape_cast %get3A_75 : vector<1x16xf32> to vector<16xf32>
      %get3A_77 = arith.index_cast %scan3A_72 : i32 to index
      %get3A_78 = arith.constant 0 : index
      %get3A_79 = tpu.vector_load %arg8[%get3A_77, %get3A_78] {strides = array<i32>} : memref<32x1024xf32, #tpu.memory_space<vmem>>, vector<1x16xf32>,
      %get3A_80 = vector.shape_cast %get3A_79 : vector<1x16xf32> to vector<16xf32>
      %add3A_81 = arith.addf %get3A_76, %get3A_80 : vector<16xf32>
      %swap3A_82 = arith.index_cast %scan3A_72 : i32 to index
      %swap3A_83 = arith.constant 0 : index
      %swap3A_84 = tpu.vector_load %arg7[%swap3A_82, %swap3A_83] {strides = array<i32>} : memref<32x1024xf32, #tpu.memory_space<vmem>>, vector<1x16xf32>,
      %swap3A_85 = vector.shape_cast %swap3A_84 : vector<1x16xf32> to vector<16xf32>
      %swap3A_86 = vector.shape_cast %add3A_81 : vector<16xf32> to vector<1x16xf32>
      tpu.vector_store %arg7[%swap3A_82, %swap3A_83], %swap3A_86 {strides = array<i32>} : memref<32x1024xf32, #tpu.memory_space<vmem>>, vector<1x16xf32>,
      %get3A_87 = arith.index_cast %scan3A_72 : i32 to index
      %get3A_88 = arith.constant 16 : index
      %get3A_89 = tpu.vector_load %arg7[%get3A_87, %get3A_88] {strides = array<i32>} : memref<32x1024xf32, #tpu.memory_space<vmem>>, vector<1x16xf32>,
      %get3A_90 = vector.shape_cast %get3A_89 : vector<1x16xf32> to vector<16xf32>
      %get3A_91 = arith.index_cast %scan3A_72 : i32 to index
      %get3A_92 = arith.constant 16 : index
      %get3A_93 = tpu.vector_load %arg8[%get3A_91, %get3A_92] {strides = array<i32>} : memref<32x1024xf32, #tpu.memory_space<vmem>>, vector<1x16xf32>,
      %get3A_94 = vector.shape_cast %get3A_93 : vector<1x16xf32> to vector<16xf32>
      %add3A_95 = arith.addf %get3A_90, %get3A_94 : vector<16xf32>
      %swap3A_96 = arith.index_cast %scan3A_72 : i32 to index
      %swap3A_97 = arith.constant 16 : index
      %swap3A_98 = tpu.vector_load %arg7[%swap3A_96, %swap3A_97] {strides = array<i32>} : memref<32x1024xf32, #tpu.memory_space<vmem>>, vector<1x16xf32>,
      %swap3A_99 = vector.shape_cast %swap3A_98 : vector<1x16xf32> to vector<16xf32>
      %swap3A_100 = vector.shape_cast %add3A_95 : vector<16xf32> to vector<1x16xf32>
      tpu.vector_store %arg7[%swap3A_96, %swap3A_97], %swap3A_100 {strides = array<i32>} : memref<32x1024xf32, #tpu.memory_space<vmem>>, vector<1x16xf32>,
      %get3A_101 = arith.index_cast %scan3A_72 : i32 to index
      %get3A_102 = arith.constant 32 : index
      %get3A_103 = tpu.vector_load %arg7[%get3A_101, %get3A_102] {strides = array<i32>} : memref<32x1024xf32, #tpu.memory_space<vmem>>, vector<1x16xf32>,
      %get3A_104 = vector.shape_cast %get3A_103 : vector<1x16xf32> to vector<16xf32>
      %get3A_105 = arith.index_cast %scan3A_72 : i32 to index
      %get3A_106 = arith.constant 32 : index
      %get3A_107 = tpu.vector_load %arg8[%get3A_105, %get3A_106] {strides = array<i32>} : memref<32x1024xf32, #tpu.memory_space<vmem>>, vector<1x16xf32>,
      %get3A_108 = vector.shape_cast %get3A_107 : vector<1x16xf32> to vector<16xf32>
      %add3A_109 = arith.addf %get3A_104, %get3A_108 : vector<16xf32>
      %swap3A_110 = arith.index_cast %scan3A_72 : i32 to index
      %swap3A_111 = arith.constant 32 : index
      %swap3A_112 = tpu.vector_load %arg7[%swap3A_110, %swap3A_111] {strides = array<i32>} : memref<32x1024xf32, #tpu.memory_space<vmem>>, vector<1x16xf32>,
      %swap3A_113 = vector.shape_cast %swap3A_112 : vector<1x16xf32> to vector<16xf32>
      %swap3A_114 = vector.shape_cast %add3A_109 : vector<16xf32> to vector<1x16xf32>
      tpu.vector_store %arg7[%swap3A_110, %swap3A_111], %swap3A_114 {strides = array<i32>} : memref<32x1024xf32, #tpu.memory_space<vmem>>, vector<1x16xf32>,
      %get3A_115 = arith.index_cast %scan3A_72 : i32 to index
      %get3A_116 = arith.constant 48 : index
      %get3A_117 = tpu.vector_load %arg7[%get3A_115, %get3A_116] {strides = array<i32>} : memref<32x1024xf32, #tpu.memory_space<vmem>>, vector<1x16xf32>,
      %get3A_118 = vector.shape_cast %get3A_117 : vector<1x16xf32> to vector<16xf32>
      %get3A_119 = arith.index_cast %scan3A_72 : i32 to index
      %get3A_120 = arith.constant 48 : index
      %get3A_121 = tpu.vector_load %arg8[%get3A_119, %get3A_120] {strides = array<i32>} : memref<32x1024xf32, #tpu.memory_space<vmem>>, vector<1x16xf32>,
      %get3A_122 = vector.shape_cast %get3A_121 : vector<1x16xf32> to vector<16xf32>
      %add3A_123 = arith.addf %get3A_118, %get3A_122 : vector<16xf32>
      %swap3A_124 = arith.index_cast %scan3A_72 : i32 to index
      %swap3A_125 = arith.constant 48 : index
      %swap3A_126 = tpu.vector_load %arg7[%swap3A_124, %swap3A_125] {strides = array<i32>} : memref<32x1024xf32, #tpu.memory_space<vmem>>, vector<1x16xf32>,
      %swap3A_127 = vector.shape_cast %swap3A_126 : vector<1x16xf32> to vector<16xf32>
      %swap3A_128 = vector.shape_cast %add3A_123 : vector<16xf32> to vector<1x16xf32>
      tpu.vector_store %arg7[%swap3A_124, %swap3A_125], %swap3A_128 {strides = array<i32>} : memref<32x1024xf32, #tpu.memory_space<vmem>>, vector<1x16xf32>,
      %get3A_129 = arith.index_cast %scan3A_72 : i32 to index
      %get3A_130 = arith.constant 64 : index
      %get3A_131 = tpu.vector_load %arg7[%get3A_129, %get3A_130] {strides = array<i32>} : memref<32x1024xf32, #tpu.memory_space<vmem>>, vector<1x16xf32>,
      %get3A_132 = vector.shape_cast %get3A_131 : vector<1x16xf32> to vector<16xf32>
      %get3A_133 = arith.index_cast %scan3A_72 : i32 to index
      %get3A_134 = arith.constant 64 : index
      %get3A_135 = tpu.vector_load %arg8[%get3A_133, %get3A_134] {strides = array<i32>} : memref<32x1024xf32, #tpu.memory_space<vmem>>, vector<1x16xf32>,
      %get3A_136 = vector.shape_cast %get3A_135 : vector<1x16xf32> to vector<16xf32>
      %add3A_137 = arith.addf %get3A_132, %get3A_136 : vector<16xf32>
      %swap3A_138 = arith.index_cast %scan3A_72 : i32 to index
      %swap3A_139 = arith.constant 64 : index
      %swap3A_140 = tpu.vector_load %arg7[%swap3A_138, %swap3A_139] {strides = array<i32>} : memref<32x1024xf32, #tpu.memory_space<vmem>>, vector<1x16xf32>,
      %swap3A_141 = vector.shape_cast %swap3A_140 : vector<1x16xf32> to vector<16xf32>
      %swap3A_142 = vector.shape_cast %add3A_137 : vector<16xf32> to vector<1x16xf32>
      tpu.vector_store %arg7[%swap3A_138, %swap3A_139], %swap3A_142 {strides = array<i32>} : memref<32x1024xf32, #tpu.memory_space<vmem>>, vector<1x16xf32>,
      %get3A_143 = arith.index_cast %scan3A_72 : i32 to index
      %get3A_144 = arith.constant 80 : index
      %get3A_145 = tpu.vector_load %arg7[%get3A_143, %get3A_144] {strides = array<i32>} : memref<32x1024xf32, #tpu.memory_space<vmem>>, vector<1x16xf32>,
      %get3A_146 = vector.shape_cast %get3A_145 : vector<1x16xf32> to vector<16xf32>
      %get3A_147 = arith.index_cast %scan3A_72 : i32 to index
      %get3A_148 = arith.constant 80 : index
      %get3A_149 = tpu.vector_load %arg8[%get3A_147, %get3A_148] {strides = array<i32>} : memref<32x1024xf32, #tpu.memory_space<vmem>>, vector<1x16xf32>,
      %get3A_150 = vector.shape_cast %get3A_149 : vector<1x16xf32> to vector<16xf32>
      %add3A_151 = arith.addf %get3A_146, %get3A_150 : vector<16xf32>
      %swap3A_152 = arith.index_cast %scan3A_72 : i32 to index
      %swap3A_153 = arith.constant 80 : index
      %swap3A_154 = tpu.vector_load %arg7[%swap3A_152, %swap3A_153] {strides = array<i32>} : memref<32x1024xf32, #tpu.memory_space<vmem>>, vector<1x16xf32>,
      %swap3A_155 = vector.shape_cast %swap3A_154 : vector<1x16xf32> to vector<16xf32>
      %swap3A_156 = vector.shape_cast %add3A_151 : vector<16xf32> to vector<1x16xf32>
      tpu.vector_store %arg7[%swap3A_152, %swap3A_153], %swap3A_156 {strides = array<i32>} : memref<32x1024xf32, #tpu.memory_space<vmem>>, vector<1x16xf32>,
      %get3A_157 = arith.index_cast %scan3A_72 : i32 to index
      %get3A_158 = arith.constant 96 : index
      %get3A_159 = tpu.vector_load %arg7[%get3A_157, %get3A_158] {strides = array<i32>} : memref<32x1024xf32, #tpu.memory_space<vmem>>, vector<1x16xf32>,
      %get3A_160 = vector.shape_cast %get3A_159 : vector<1x16xf32> to vector<16xf32>
      %get3A_161 = arith.index_cast %scan3A_72 : i32 to index
      %get3A_162 = arith.constant 96 : index
      %get3A_163 = tpu.vector_load %arg8[%get3A_161, %get3A_162] {strides = array<i32>} : memref<32x1024xf32, #tpu.memory_space<vmem>>, vector<1x16xf32>,
      %get3A_164 = vector.shape_cast %get3A_163 : vector<1x16xf32> to vector<16xf32>
      %add3A_165 = arith.addf %get3A_160, %get3A_164 : vector<16xf32>
      %swap3A_166 = arith.index_cast %scan3A_72 : i32 to index
      %swap3A_167 = arith.constant 96 : index
      %swap3A_168 = tpu.vector_load %arg7[%swap3A_166, %swap3A_167] {strides = array<i32>} : memref<32x1024xf32, #tpu.memory_space<vmem>>, vector<1x16xf32>,
      %swap3A_169 = vector.shape_cast %swap3A_168 : vector<1x16xf32> to vector<16xf32>
      %swap3A_170 = vector.shape_cast %add3A_165 : vector<16xf32> to vector<1x16xf32>
      tpu.vector_store %arg7[%swap3A_166, %swap3A_167], %swap3A_170 {strides = array<i32>} : memref<32x1024xf32, #tpu.memory_space<vmem>>, vector<1x16xf32>,
      %get3A_171 = arith.index_cast %scan3A_72 : i32 to index
      %get3A_172 = arith.constant 112 : index
      %get3A_173 = tpu.vector_load %arg7[%get3A_171, %get3A_172] {strides = array<i32>} : memref<32x1024xf32, #tpu.memory_space<vmem>>, vector<1x16xf32>,
      %get3A_174 = vector.shape_cast %get3A_173 : vector<1x16xf32> to vector<16xf32>
      %get3A_175 = arith.index_cast %scan3A_72 : i32 to index
      %get3A_176 = arith.constant 112 : index
      %get3A_177 = tpu.vector_load %arg8[%get3A_175, %get3A_176] {strides = array<i32>} : memref<32x1024xf32, #tpu.memory_space<vmem>>, vector<1x16xf32>,
      %get3A_178 = vector.shape_cast %get3A_177 : vector<1x16xf32> to vector<16xf32>
      %add3A_179 = arith.addf %get3A_174, %get3A_178 : vector<16xf32>
      %swap3A_180 = arith.index_cast %scan3A_72 : i32 to index
      %swap3A_181 = arith.constant 112 : index
      %swap3A_182 = tpu.vector_load %arg7[%swap3A_180, %swap3A_181] {strides = array<i32>} : memref<32x1024xf32, #tpu.memory_space<vmem>>, vector<1x16xf32>,
      %swap3A_183 = vector.shape_cast %swap3A_182 : vector<1x16xf32> to vector<16xf32>
      %swap3A_184 = vector.shape_cast %add3A_179 : vector<16xf32> to vector<1x16xf32>
      tpu.vector_store %arg7[%swap3A_180, %swap3A_181], %swap3A_184 {strides = array<i32>} : memref<32x1024xf32, #tpu.memory_space<vmem>>, vector<1x16xf32>,
      %get3A_185 = arith.index_cast %scan3A_72 : i32 to index
      %get3A_186 = arith.constant 128 : index
      %get3A_187 = tpu.vector_load %arg7[%get3A_185, %get3A_186] {strides = array<i32>} : memref<32x1024xf32, #tpu.memory_space<vmem>>, vector<1x16xf32>,
      %get3A_188 = vector.shape_cast %get3A_187 : vector<1x16xf32> to vector<16xf32>
      %get3A_189 = arith.index_cast %scan3A_72 : i32 to index
      %get3A_190 = arith.constant 128 : index
      %get3A_191 = tpu.vector_load %arg8[%get3A_189, %get3A_190] {strides = array<i32>} : memref<32x1024xf32, #tpu.memory_space<vmem>>, vector<1x16xf32>,
      %get3A_192 = vector.shape_cast %get3A_191 : vector<1x16xf32> to vector<16xf32>
      %add3A_193 = arith.addf %get3A_188, %get3A_192 : vector<16xf32>
      %swap3A_194 = arith.index_cast %scan3A_72 : i32 to index
      %swap3A_195 = arith.constant 128 : index
      %swap3A_196 = tpu.vector_load %arg7[%swap3A_194, %swap3A_195] {strides = array<i32>} : memref<32x1024xf32, #tpu.memory_space<vmem>>, vector<1x16xf32>,
      %swap3A_197 = vector.shape_cast %swap3A_196 : vector<1x16xf32> to vector<16xf32>
      %swap3A_198 = vector.shape_cast %add3A_193 : vector<16xf32> to vector<1x16xf32>
      tpu.vector_store %arg7[%swap3A_194, %swap3A_195], %swap3A_198 {strides = array<i32>} : memref<32x1024xf32, #tpu.memory_space<vmem>>, vector<1x16xf32>,
      %get3A_199 = arith.index_cast %scan3A_72 : i32 to index
      %get3A_200 = arith.constant 144 : index
      %get3A_201 = tpu.vector_load %arg7[%get3A_199, %get3A_200] {strides = array<i32>} : memref<32x1024xf32, #tpu.memory_space<vmem>>, vector<1x16xf32>,
      %get3A_202 = vector.shape_cast %get3A_201 : vector<1x16xf32> to vector<16xf32>
      %get3A_203 = arith.index_cast %scan3A_72 : i32 to index
      %get3A_204 = arith.constant 144 : index
      %get3A_205 = tpu.vector_load %arg8[%get3A_203, %get3A_204] {strides = array<i32>} : memref<32x1024xf32, #tpu.memory_space<vmem>>, vector<1x16xf32>,
      %get3A_206 = vector.shape_cast %get3A_205 : vector<1x16xf32> to vector<16xf32>
      %add3A_207 = arith.addf %get3A_202, %get3A_206 : vector<16xf32>
      %swap3A_208 = arith.index_cast %scan3A_72 : i32 to index
      %swap3A_209 = arith.constant 144 : index
      %swap3A_210 = tpu.vector_load %arg7[%swap3A_208, %swap3A_209] {strides = array<i32>} : memref<32x1024xf32, #tpu.memory_space<vmem>>, vector<1x16xf32>,
      %swap3A_211 = vector.shape_cast %swap3A_210 : vector<1x16xf32> to vector<16xf32>
      %swap3A_212 = vector.shape_cast %add3A_207 : vector<16xf32> to vector<1x16xf32>
      tpu.vector_store %arg7[%swap3A_208, %swap3A_209], %swap3A_212 {strides = array<i32>} : memref<32x1024xf32, #tpu.memory_space<vmem>>, vector<1x16xf32>,
      %get3A_213 = arith.index_cast %scan3A_72 : i32 to index
      %get3A_214 = arith.constant 160 : index
      %get3A_215 = tpu.vector_load %arg7[%get3A_213, %get3A_214] {strides = array<i32>} : memref<32x1024xf32, #tpu.memory_space<vmem>>, vector<1x16xf32>,
      %get3A_216 = vector.shape_cast %get3A_215 : vector<1x16xf32> to vector<16xf32>
      %get3A_217 = arith.index_cast %scan3A_72 : i32 to index
      %get3A_218 = arith.constant 160 : index
      %get3A_219 = tpu.vector_load %arg8[%get3A_217, %get3A_218] {strides = array<i32>} : memref<32x1024xf32, #tpu.memory_space<vmem>>, vector<1x16xf32>,
      %get3A_220 = vector.shape_cast %get3A_219 : vector<1x16xf32> to vector<16xf32>
      %add3A_221 = arith.addf %get3A_216, %get3A_220 : vector<16xf32>
      %swap3A_222 = arith.index_cast %scan3A_72 : i32 to index
      %swap3A_223 = arith.constant 160 : index
      %swap3A_224 = tpu.vector_load %arg7[%swap3A_222, %swap3A_223] {strides = array<i32>} : memref<32x1024xf32, #tpu.memory_space<vmem>>, vector<1x16xf32>,
      %swap3A_225 = vector.shape_cast %swap3A_224 : vector<1x16xf32> to vector<16xf32>
      %swap3A_226 = vector.shape_cast %add3A_221 : vector<16xf32> to vector<1x16xf32>
      tpu.vector_store %arg7[%swap3A_222, %swap3A_223], %swap3A_226 {strides = array<i32>} : memref<32x1024xf32, #tpu.memory_space<vmem>>, vector<1x16xf32>,
      %get3A_227 = arith.index_cast %scan3A_72 : i32 to index
      %get3A_228 = arith.constant 176 : index
      %get3A_229 = tpu.vector_load %arg7[%get3A_227, %get3A_228] {strides = array<i32>} : memref<32x1024xf32, #tpu.memory_space<vmem>>, vector<1x16xf32>,
      %get3A_230 = vector.shape_cast %get3A_229 : vector<1x16xf32> to vector<16xf32>
      %get3A_231 = arith.index_cast %scan3A_72 : i32 to index
      %get3A_232 = arith.constant 176 : index
      %get3A_233 = tpu.vector_load %arg8[%get3A_231, %get3A_232] {strides = array<i32>} : memref<32x1024xf32, #tpu.memory_space<vmem>>, vector<1x16xf32>,
      %get3A_234 = vector.shape_cast %get3A_233 : vector<1x16xf32> to vector<16xf32>
      %add3A_235 = arith.addf %get3A_230, %get3A_234 : vector<16xf32>
      %swap3A_236 = arith.index_cast %scan3A_72 : i32 to index
      %swap3A_237 = arith.constant 176 : index
      %swap3A_238 = tpu.vector_load %arg7[%swap3A_236, %swap3A_237] {strides = array<i32>} : memref<32x1024xf32, #tpu.memory_space<vmem>>, vector<1x16xf32>,
      %swap3A_239 = vector.shape_cast %swap3A_238 : vector<1x16xf32> to vector<16xf32>
      %swap3A_240 = vector.shape_cast %add3A_235 : vector<16xf32> to vector<1x16xf32>
      tpu.vector_store %arg7[%swap3A_236, %swap3A_237], %swap3A_240 {strides = array<i32>} : memref<32x1024xf32, #tpu.memory_space<vmem>>, vector<1x16xf32>,
      %get3A_241 = arith.index_cast %scan3A_72 : i32 to index
      %get3A_242 = arith.constant 192 : index
      %get3A_243 = tpu.vector_load %arg7[%get3A_241, %get3A_242] {strides = array<i32>} : memref<32x1024xf32, #tpu.memory_space<vmem>>, vector<1x16xf32>,
      %get3A_244 = vector.shape_cast %get3A_243 : vector<1x16xf32> to vector<16xf32>
      %get3A_245 = arith.index_cast %scan3A_72 : i32 to index
      %get3A_246 = arith.constant 192 : index
      %get3A_247 = tpu.vector_load %arg8[%get3A_245, %get3A_246] {strides = array<i32>} : memref<32x1024xf32, #tpu.memory_space<vmem>>, vector<1x16xf32>,
      %get3A_248 = vector.shape_cast %get3A_247 : vector<1x16xf32> to vector<16xf32>
      %add3A_249 = arith.addf %get3A_244, %get3A_248 : vector<16xf32>
      %swap3A_250 = arith.index_cast %scan3A_72 : i32 to index
      %swap3A_251 = arith.constant 192 : index
      %swap3A_252 = tpu.vector_load %arg7[%swap3A_250, %swap3A_251] {strides = array<i32>} : memref<32x1024xf32, #tpu.memory_space<vmem>>, vector<1x16xf32>,
      %swap3A_253 = vector.shape_cast %swap3A_252 : vector<1x16xf32> to vector<16xf32>
      %swap3A_254 = vector.shape_cast %add3A_249 : vector<16xf32> to vector<1x16xf32>
      tpu.vector_store %arg7[%swap3A_250, %swap3A_251], %swap3A_254 {strides = array<i32>} : memref<32x1024xf32, #tpu.memory_space<vmem>>, vector<1x16xf32>,
      %get3A_255 = arith.index_cast %scan3A_72 : i32 to index
      %get3A_256 = arith.constant 208 : index
      %get3A_257 = tpu.vector_load %arg7[%get3A_255, %get3A_256] {strides = array<i32>} : memref<32x1024xf32, #tpu.memory_space<vmem>>, vector<1x16xf32>,
      %get3A_258 = vector.shape_cast %get3A_257 : vector<1x16xf32> to vector<16xf32>
      %get3A_259 = arith.index_cast %scan3A_72 : i32 to index
      %get3A_260 = arith.constant 208 : index
      %get3A_261 = tpu.vector_load %arg8[%get3A_259, %get3A_260] {strides = array<i32>} : memref<32x1024xf32, #tpu.memory_space<vmem>>, vector<1x16xf32>,
      %get3A_262 = vector.shape_cast %get3A_261 : vector<1x16xf32> to vector<16xf32>
      %add3A_263 = arith.addf %get3A_258, %get3A_262 : vector<16xf32>
      %swap3A_264 = arith.index_cast %scan3A_72 : i32 to index
      %swap3A_265 = arith.constant 208 : index
      %swap3A_266 = tpu.vector_load %arg7[%swap3A_264, %swap3A_265] {strides = array<i32>} : memref<32x1024xf32, #tpu.memory_space<vmem>>, vector<1x16xf32>,
      %swap3A_267 = vector.shape_cast %swap3A_266 : vector<1x16xf32> to vector<16xf32>
      %swap3A_268 = vector.shape_cast %add3A_263 : vector<16xf32> to vector<1x16xf32>
      tpu.vector_store %arg7[%swap3A_264, %swap3A_265], %swap3A_268 {strides = array<i32>} : memref<32x1024xf32, #tpu.memory_space<vmem>>, vector<1x16xf32>,
      %get3A_269 = arith.index_cast %scan3A_72 : i32 to index
      %get3A_270 = arith.constant 224 : index
      %get3A_271 = tpu.vector_load %arg7[%get3A_269, %get3A_270] {strides = array<i32>} : memref<32x1024xf32, #tpu.memory_space<vmem>>, vector<1x16xf32>,
      %get3A_272 = vector.shape_cast %get3A_271 : vector<1x16xf32> to vector<16xf32>
      %get3A_273 = arith.index_cast %scan3A_72 : i32 to index
      %get3A_274 = arith.constant 224 : index
      %get3A_275 = tpu.vector_load %arg8[%get3A_273, %get3A_274] {strides = array<i32>} : memref<32x1024xf32, #tpu.memory_space<vmem>>, vector<1x16xf32>,
      %get3A_276 = vector.shape_cast %get3A_275 : vector<1x16xf32> to vector<16xf32>
      %add3A_277 = arith.addf %get3A_272, %get3A_276 : vector<16xf32>
      %swap3A_278 = arith.index_cast %scan3A_72 : i32 to index
      %swap3A_279 = arith.constant 224 : index
      %swap3A_280 = tpu.vector_load %arg7[%swap3A_278, %swap3A_279] {strides = array<i32>} : memref<32x1024xf32, #tpu.memory_space<vmem>>, vector<1x16xf32>,
      %swap3A_281 = vector.shape_cast %swap3A_280 : vector<1x16xf32> to vector<16xf32>
      %swap3A_282 = vector.shape_cast %add3A_277 : vector<16xf32> to vector<1x16xf32>
      tpu.vector_store %arg7[%swap3A_278, %swap3A_279], %swap3A_282 {strides = array<i32>} : memref<32x1024xf32, #tpu.memory_space<vmem>>, vector<1x16xf32>,
      %get3A_283 = arith.index_cast %scan3A_72 : i32 to index
      %get3A_284 = arith.constant 240 : index
      %get3A_285 = tpu.vector_load %arg7[%get3A_283, %get3A_284] {strides = array<i32>} : memref<32x1024xf32, #tpu.memory_space<vmem>>, vector<1x16xf32>,
      %get3A_286 = vector.shape_cast %get3A_285 : vector<1x16xf32> to vector<16xf32>
      %get3A_287 = arith.index_cast %scan3A_72 : i32 to index
      %get3A_288 = arith.constant 240 : index
      %get3A_289 = tpu.vector_load %arg8[%get3A_287, %get3A_288] {strides = array<i32>} : memref<32x1024xf32, #tpu.memory_space<vmem>>, vector<1x16xf32>,
      %get3A_290 = vector.shape_cast %get3A_289 : vector<1x16xf32> to vector<16xf32>
      %add3A_291 = arith.addf %get3A_286, %get3A_290 : vector<16xf32>
      %swap3A_292 = arith.index_cast %scan3A_72 : i32 to index
      %swap3A_293 = arith.constant 240 : index
      %swap3A_294 = tpu.vector_load %arg7[%swap3A_292, %swap3A_293] {strides = array<i32>} : memref<32x1024xf32, #tpu.memory_space<vmem>>, vector<1x16xf32>,
      %swap3A_295 = vector.shape_cast %swap3A_294 : vector<1x16xf32> to vector<16xf32>
      %swap3A_296 = vector.shape_cast %add3A_291 : vector<16xf32> to vector<1x16xf32>
      tpu.vector_store %arg7[%swap3A_292, %swap3A_293], %swap3A_296 {strides = array<i32>} : memref<32x1024xf32, #tpu.memory_space<vmem>>, vector<1x16xf32>,
      %get3A_297 = arith.index_cast %scan3A_72 : i32 to index
      %get3A_298 = arith.constant 256 : index
      %get3A_299 = tpu.vector_load %arg7[%get3A_297, %get3A_298] {strides = array<i32>} : memref<32x1024xf32, #tpu.memory_space<vmem>>, vector<1x16xf32>,
      %get3A_300 = vector.shape_cast %get3A_299 : vector<1x16xf32> to vector<16xf32>
      %get3A_301 = arith.index_cast %scan3A_72 : i32 to index
      %get3A_302 = arith.constant 256 : index
      %get3A_303 = tpu.vector_load %arg8[%get3A_301, %get3A_302] {strides = array<i32>} : memref<32x1024xf32, #tpu.memory_space<vmem>>, vector<1x16xf32>,
      %get3A_304 = vector.shape_cast %get3A_303 : vector<1x16xf32> to vector<16xf32>
      %add3A_305 = arith.addf %get3A_300, %get3A_304 : vector<16xf32>
      %swap3A_306 = arith.index_cast %scan3A_72 : i32 to index
      %swap3A_307 = arith.constant 256 : index
      %swap3A_308 = tpu.vector_load %arg7[%swap3A_306, %swap3A_307] {strides = array<i32>} : memref<32x1024xf32, #tpu.memory_space<vmem>>, vector<1x16xf32>,
      %swap3A_309 = vector.shape_cast %swap3A_308 : vector<1x16xf32> to vector<16xf32>
      %swap3A_310 = vector.shape_cast %add3A_305 : vector<16xf32> to vector<1x16xf32>
      tpu.vector_store %arg7[%swap3A_306, %swap3A_307], %swap3A_310 {strides = array<i32>} : memref<32x1024xf32, #tpu.memory_space<vmem>>, vector<1x16xf32>,
      %get3A_311 = arith.index_cast %scan3A_72 : i32 to index
      %get3A_312 = arith.constant 272 : index
      %get3A_313 = tpu.vector_load %arg7[%get3A_311, %get3A_312] {strides = array<i32>} : memref<32x1024xf32, #tpu.memory_space<vmem>>, vector<1x16xf32>,
      %get3A_314 = vector.shape_cast %get3A_313 : vector<1x16xf32> to vector<16xf32>
      %get3A_315 = arith.index_cast %scan3A_72 : i32 to index
      %get3A_316 = arith.constant 272 : index
      %get3A_317 = tpu.vector_load %arg8[%get3A_315, %get3A_316] {strides = array<i32>} : memref<32x1024xf32, #tpu.memory_space<vmem>>, vector<1x16xf32>,
      %get3A_318 = vector.shape_cast %get3A_317 : vector<1x16xf32> to vector<16xf32>
      %add3A_319 = arith.addf %get3A_314, %get3A_318 : vector<16xf32>
      %swap3A_320 = arith.index_cast %scan3A_72 : i32 to index
      %swap3A_321 = arith.constant 272 : index
      %swap3A_322 = tpu.vector_load %arg7[%swap3A_320, %swap3A_321] {strides = array<i32>} : memref<32x1024xf32, #tpu.memory_space<vmem>>, vector<1x16xf32>,
      %swap3A_323 = vector.shape_cast %swap3A_322 : vector<1x16xf32> to vector<16xf32>
      %swap3A_324 = vector.shape_cast %add3A_319 : vector<16xf32> to vector<1x16xf32>
      tpu.vector_store %arg7[%swap3A_320, %swap3A_321], %swap3A_324 {strides = array<i32>} : memref<32x1024xf32, #tpu.memory_space<vmem>>, vector<1x16xf32>,
      %get3A_325 = arith.index_cast %scan3A_72 : i32 to index
      %get3A_326 = arith.constant 288 : index
      %get3A_327 = tpu.vector_load %arg7[%get3A_325, %get3A_326] {strides = array<i32>} : memref<32x1024xf32, #tpu.memory_space<vmem>>, vector<1x16xf32>,
      %get3A_328 = vector.shape_cast %get3A_327 : vector<1x16xf32> to vector<16xf32>
      %get3A_329 = arith.index_cast %scan3A_72 : i32 to index
      %get3A_330 = arith.constant 288 : index
      %get3A_331 = tpu.vector_load %arg8[%get3A_329, %get3A_330] {strides = array<i32>} : memref<32x1024xf32, #tpu.memory_space<vmem>>, vector<1x16xf32>,
      %get3A_332 = vector.shape_cast %get3A_331 : vector<1x16xf32> to vector<16xf32>
      %add3A_333 = arith.addf %get3A_328, %get3A_332 : vector<16xf32>
      %swap3A_334 = arith.index_cast %scan3A_72 : i32 to index
      %swap3A_335 = arith.constant 288 : index
      %swap3A_336 = tpu.vector_load %arg7[%swap3A_334, %swap3A_335] {strides = array<i32>} : memref<32x1024xf32, #tpu.memory_space<vmem>>, vector<1x16xf32>,
      %swap3A_337 = vector.shape_cast %swap3A_336 : vector<1x16xf32> to vector<16xf32>
      %swap3A_338 = vector.shape_cast %add3A_333 : vector<16xf32> to vector<1x16xf32>
      tpu.vector_store %arg7[%swap3A_334, %swap3A_335], %swap3A_338 {strides = array<i32>} : memref<32x1024xf32, #tpu.memory_space<vmem>>, vector<1x16xf32>,
      %get3A_339 = arith.index_cast %scan3A_72 : i32 to index
      %get3A_340 = arith.constant 304 : index
      %get3A_341 = tpu.vector_load %arg7[%get3A_339, %get3A_340] {strides = array<i32>} : memref<32x1024xf32, #tpu.memory_space<vmem>>, vector<1x16xf32>,
      %get3A_342 = vector.shape_cast %get3A_341 : vector<1x16xf32> to vector<16xf32>
      %get3A_343 = arith.index_cast %scan3A_72 : i32 to index
      %get3A_344 = arith.constant 304 : index
      %get3A_345 = tpu.vector_load %arg8[%get3A_343, %get3A_344] {strides = array<i32>} : memref<32x1024xf32, #tpu.memory_space<vmem>>, vector<1x16xf32>,
      %get3A_346 = vector.shape_cast %get3A_345 : vector<1x16xf32> to vector<16xf32>
      %add3A_347 = arith.addf %get3A_342, %get3A_346 : vector<16xf32>
      %swap3A_348 = arith.index_cast %scan3A_72 : i32 to index
      %swap3A_349 = arith.constant 304 : index
      %swap3A_350 = tpu.vector_load %arg7[%swap3A_348, %swap3A_349] {strides = array<i32>} : memref<32x1024xf32, #tpu.memory_space<vmem>>, vector<1x16xf32>,
      %swap3A_351 = vector.shape_cast %swap3A_350 : vector<1x16xf32> to vector<16xf32>
      %swap3A_352 = vector.shape_cast %add3A_347 : vector<16xf32> to vector<1x16xf32>
      tpu.vector_store %arg7[%swap3A_348, %swap3A_349], %swap3A_352 {strides = array<i32>} : memref<32x1024xf32, #tpu.memory_space<vmem>>, vector<1x16xf32>,
      %get3A_353 = arith.index_cast %scan3A_72 : i32 to index
      %get3A_354 = arith.constant 320 : index
      %get3A_355 = tpu.vector_load %arg7[%get3A_353, %get3A_354] {strides = array<i32>} : memref<32x1024xf32, #tpu.memory_space<vmem>>, vector<1x16xf32>,
      %get3A_356 = vector.shape_cast %get3A_355 : vector<1x16xf32> to vector<16xf32>
      %get3A_357 = arith.index_cast %scan3A_72 : i32 to index
      %get3A_358 = arith.constant 320 : index
      %get3A_359 = tpu.vector_load %arg8[%get3A_357, %get3A_358] {strides = array<i32>} : memref<32x1024xf32, #tpu.memory_space<vmem>>, vector<1x16xf32>,
      %get3A_360 = vector.shape_cast %get3A_359 : vector<1x16xf32> to vector<16xf32>
      %add3A_361 = arith.addf %get3A_356, %get3A_360 : vector<16xf32>
      %swap3A_362 = arith.index_cast %scan3A_72 : i32 to index
      %swap3A_363 = arith.constant 320 : index
      %swap3A_364 = tpu.vector_load %arg7[%swap3A_362, %swap3A_363] {strides = array<i32>} : memref<32x1024xf32, #tpu.memory_space<vmem>>, vector<1x16xf32>,
      %swap3A_365 = vector.shape_cast %swap3A_364 : vector<1x16xf32> to vector<16xf32>
      %swap3A_366 = vector.shape_cast %add3A_361 : vector<16xf32> to vector<1x16xf32>
      tpu.vector_store %arg7[%swap3A_362, %swap3A_363], %swap3A_366 {strides = array<i32>} : memref<32x1024xf32, #tpu.memory_space<vmem>>, vector<1x16xf32>,
      %get3A_367 = arith.index_cast %scan3A_72 : i32 to index
      %get3A_368 = arith.constant 336 : index
      %get3A_369 = tpu.vector_load %arg7[%get3A_367, %get3A_368] {strides = array<i32>} : memref<32x1024xf32, #tpu.memory_space<vmem>>, vector<1x16xf32>,
      %get3A_370 = vector.shape_cast %get3A_369 : vector<1x16xf32> to vector<16xf32>
      %get3A_371 = arith.index_cast %scan3A_72 : i32 to index
      %get3A_372 = arith.constant 336 : index
      %get3A_373 = tpu.vector_load %arg8[%get3A_371, %get3A_372] {strides = array<i32>} : memref<32x1024xf32, #tpu.memory_space<vmem>>, vector<1x16xf32>,
      %get3A_374 = vector.shape_cast %get3A_373 : vector<1x16xf32> to vector<16xf32>
      %add3A_375 = arith.addf %get3A_370, %get3A_374 : vector<16xf32>
      %swap3A_376 = arith.index_cast %scan3A_72 : i32 to index
      %swap3A_377 = arith.constant 336 : index
      %swap3A_378 = tpu.vector_load %arg7[%swap3A_376, %swap3A_377] {strides = array<i32>} : memref<32x1024xf32, #tpu.memory_space<vmem>>, vector<1x16xf32>,
      %swap3A_379 = vector.shape_cast %swap3A_378 : vector<1x16xf32> to vector<16xf32>
      %swap3A_380 = vector.shape_cast %add3A_375 : vector<16xf32> to vector<1x16xf32>
      tpu.vector_store %arg7[%swap3A_376, %swap3A_377], %swap3A_380 {strides = array<i32>} : memref<32x1024xf32, #tpu.memory_space<vmem>>, vector<1x16xf32>,
      %get3A_381 = arith.index_cast %scan3A_72 : i32 to index
      %get3A_382 = arith.constant 352 : index
      %get3A_383 = tpu.vector_load %arg7[%get3A_381, %get3A_382] {strides = array<i32>} : memref<32x1024xf32, #tpu.memory_space<vmem>>, vector<1x16xf32>,
      %get3A_384 = vector.shape_cast %get3A_383 : vector<1x16xf32> to vector<16xf32>
      %get3A_385 = arith.index_cast %scan3A_72 : i32 to index
      %get3A_386 = arith.constant 352 : index
      %get3A_387 = tpu.vector_load %arg8[%get3A_385, %get3A_386] {strides = array<i32>} : memref<32x1024xf32, #tpu.memory_space<vmem>>, vector<1x16xf32>,
      %get3A_388 = vector.shape_cast %get3A_387 : vector<1x16xf32> to vector<16xf32>
      %add3A_389 = arith.addf %get3A_384, %get3A_388 : vector<16xf32>
      %swap3A_390 = arith.index_cast %scan3A_72 : i32 to index
      %swap3A_391 = arith.constant 352 : index
      %swap3A_392 = tpu.vector_load %arg7[%swap3A_390, %swap3A_391] {strides = array<i32>} : memref<32x1024xf32, #tpu.memory_space<vmem>>, vector<1x16xf32>,
      %swap3A_393 = vector.shape_cast %swap3A_392 : vector<1x16xf32> to vector<16xf32>
      %swap3A_394 = vector.shape_cast %add3A_389 : vector<16xf32> to vector<1x16xf32>
      tpu.vector_store %arg7[%swap3A_390, %swap3A_391], %swap3A_394 {strides = array<i32>} : memref<32x1024xf32, #tpu.memory_space<vmem>>, vector<1x16xf32>,
      %get3A_395 = arith.index_cast %scan3A_72 : i32 to index
      %get3A_396 = arith.constant 368 : index
      %get3A_397 = tpu.vector_load %arg7[%get3A_395, %get3A_396] {strides = array<i32>} : memref<32x1024xf32, #tpu.memory_space<vmem>>, vector<1x16xf32>,
      %get3A_398 = vector.shape_cast %get3A_397 : vector<1x16xf32> to vector<16xf32>
      %get3A_399 = arith.index_cast %scan3A_72 : i32 to index
      %get3A_400 = arith.constant 368 : index
      %get3A_401 = tpu.vector_load %arg8[%get3A_399, %get3A_400] {strides = array<i32>} : memref<32x1024xf32, #tpu.memory_space<vmem>>, vector<1x16xf32>,
      %get3A_402 = vector.shape_cast %get3A_401 : vector<1x16xf32> to vector<16xf32>
      %add3A_403 = arith.addf %get3A_398, %get3A_402 : vector<16xf32>
      %swap3A_404 = arith.index_cast %scan3A_72 : i32 to index
      %swap3A_405 = arith.constant 368 : index
      %swap3A_406 = tpu.vector_load %arg7[%swap3A_404, %swap3A_405] {strides = array<i32>} : memref<32x1024xf32, #tpu.memory_space<vmem>>, vector<1x16xf32>,
      %swap3A_407 = vector.shape_cast %swap3A_406 : vector<1x16xf32> to vector<16xf32>
      %swap3A_408 = vector.shape_cast %add3A_403 : vector<16xf32> to vector<1x16xf32>
      tpu.vector_store %arg7[%swap3A_404, %swap3A_405], %swap3A_408 {strides = array<i32>} : memref<32x1024xf32, #tpu.memory_space<vmem>>, vector<1x16xf32>,
      %get3A_409 = arith.index_cast %scan3A_72 : i32 to index
      %get3A_410 = arith.constant 384 : index
      %get3A_411 = tpu.vector_load %arg7[%get3A_409, %get3A_410] {strides = array<i32>} : memref<32x1024xf32, #tpu.memory_space<vmem>>, vector<1x16xf32>,
      %get3A_412 = vector.shape_cast %get3A_411 : vector<1x16xf32> to vector<16xf32>
      %get3A_413 = arith.index_cast %scan3A_72 : i32 to index
      %get3A_414 = arith.constant 384 : index
      %get3A_415 = tpu.vector_load %arg8[%get3A_413, %get3A_414] {strides = array<i32>} : memref<32x1024xf32, #tpu.memory_space<vmem>>, vector<1x16xf32>,
      %get3A_416 = vector.shape_cast %get3A_415 : vector<1x16xf32> to vector<16xf32>
      %add3A_417 = arith.addf %get3A_412, %get3A_416 : vector<16xf32>
      %swap3A_418 = arith.index_cast %scan3A_72 : i32 to index
      %swap3A_419 = arith.constant 384 : index
      %swap3A_420 = tpu.vector_load %arg7[%swap3A_418, %swap3A_419] {strides = array<i32>} : memref<32x1024xf32, #tpu.memory_space<vmem>>, vector<1x16xf32>,
      %swap3A_421 = vector.shape_cast %swap3A_420 : vector<1x16xf32> to vector<16xf32>
      %swap3A_422 = vector.shape_cast %add3A_417 : vector<16xf32> to vector<1x16xf32>
      tpu.vector_store %arg7[%swap3A_418, %swap3A_419], %swap3A_422 {strides = array<i32>} : memref<32x1024xf32, #tpu.memory_space<vmem>>, vector<1x16xf32>,
      %get3A_423 = arith.index_cast %scan3A_72 : i32 to index
      %get3A_424 = arith.constant 400 : index
      %get3A_425 = tpu.vector_load %arg7[%get3A_423, %get3A_424] {strides = array<i32>} : memref<32x1024xf32, #tpu.memory_space<vmem>>, vector<1x16xf32>,
      %get3A_426 = vector.shape_cast %get3A_425 : vector<1x16xf32> to vector<16xf32>
      %get3A_427 = arith.index_cast %scan3A_72 : i32 to index
      %get3A_428 = arith.constant 400 : index
      %get3A_429 = tpu.vector_load %arg8[%get3A_427, %get3A_428] {strides = array<i32>} : memref<32x1024xf32, #tpu.memory_space<vmem>>, vector<1x16xf32>,
      %get3A_430 = vector.shape_cast %get3A_429 : vector<1x16xf32> to vector<16xf32>
      %add3A_431 = arith.addf %get3A_426, %get3A_430 : vector<16xf32>
      %swap3A_432 = arith.index_cast %scan3A_72 : i32 to index
      %swap3A_433 = arith.constant 400 : index
      %swap3A_434 = tpu.vector_load %arg7[%swap3A_432, %swap3A_433] {strides = array<i32>} : memref<32x1024xf32, #tpu.memory_space<vmem>>, vector<1x16xf32>,
      %swap3A_435 = vector.shape_cast %swap3A_434 : vector<1x16xf32> to vector<16xf32>
      %swap3A_436 = vector.shape_cast %add3A_431 : vector<16xf32> to vector<1x16xf32>
      tpu.vector_store %arg7[%swap3A_432, %swap3A_433], %swap3A_436 {strides = array<i32>} : memref<32x1024xf32, #tpu.memory_space<vmem>>, vector<1x16xf32>,
      %get3A_437 = arith.index_cast %scan3A_72 : i32 to index
      %get3A_438 = arith.constant 416 : index
      %get3A_439 = tpu.vector_load %arg7[%get3A_437, %get3A_438] {strides = array<i32>} : memref<32x1024xf32, #tpu.memory_space<vmem>>, vector<1x16xf32>,
      %get3A_440 = vector.shape_cast %get3A_439 : vector<1x16xf32> to vector<16xf32>
      %get3A_441 = arith.index_cast %scan3A_72 : i32 to index
      %get3A_442 = arith.constant 416 : index
      %get3A_443 = tpu.vector_load %arg8[%get3A_441, %get3A_442] {strides = array<i32>} : memref<32x1024xf32, #tpu.memory_space<vmem>>, vector<1x16xf32>,
      %get3A_444 = vector.shape_cast %get3A_443 : vector<1x16xf32> to vector<16xf32>
      %add3A_445 = arith.addf %get3A_440, %get3A_444 : vector<16xf32>
      %swap3A_446 = arith.index_cast %scan3A_72 : i32 to index
      %swap3A_447 = arith.constant 416 : index
      %swap3A_448 = tpu.vector_load %arg7[%swap3A_446, %swap3A_447] {strides = array<i32>} : memref<32x1024xf32, #tpu.memory_space<vmem>>, vector<1x16xf32>,
      %swap3A_449 = vector.shape_cast %swap3A_448 : vector<1x16xf32> to vector<16xf32>
      %swap3A_450 = vector.shape_cast %add3A_445 : vector<16xf32> to vector<1x16xf32>
      tpu.vector_store %arg7[%swap3A_446, %swap3A_447], %swap3A_450 {strides = array<i32>} : memref<32x1024xf32, #tpu.memory_space<vmem>>, vector<1x16xf32>,
      %get3A_451 = arith.index_cast %scan3A_72 : i32 to index
      %get3A_452 = arith.constant 432 : index
      %get3A_453 = tpu.vector_load %arg7[%get3A_451, %get3A_452] {strides = array<i32>} : memref<32x1024xf32, #tpu.memory_space<vmem>>, vector<1x16xf32>,
      %get3A_454 = vector.shape_cast %get3A_453 : vector<1x16xf32> to vector<16xf32>
      %get3A_455 = arith.index_cast %scan3A_72 : i32 to index
      %get3A_456 = arith.constant 432 : index
      %get3A_457 = tpu.vector_load %arg8[%get3A_455, %get3A_456] {strides = array<i32>} : memref<32x1024xf32, #tpu.memory_space<vmem>>, vector<1x16xf32>,
      %get3A_458 = vector.shape_cast %get3A_457 : vector<1x16xf32> to vector<16xf32>
      %add3A_459 = arith.addf %get3A_454, %get3A_458 : vector<16xf32>
      %swap3A_460 = arith.index_cast %scan3A_72 : i32 to index
      %swap3A_461 = arith.constant 432 : index
      %swap3A_462 = tpu.vector_load %arg7[%swap3A_460, %swap3A_461] {strides = array<i32>} : memref<32x1024xf32, #tpu.memory_space<vmem>>, vector<1x16xf32>,
      %swap3A_463 = vector.shape_cast %swap3A_462 : vector<1x16xf32> to vector<16xf32>
      %swap3A_464 = vector.shape_cast %add3A_459 : vector<16xf32> to vector<1x16xf32>
      tpu.vector_store %arg7[%swap3A_460, %swap3A_461], %swap3A_464 {strides = array<i32>} : memref<32x1024xf32, #tpu.memory_space<vmem>>, vector<1x16xf32>,
      %get3A_465 = arith.index_cast %scan3A_72 : i32 to index
      %get3A_466 = arith.constant 448 : index
      %get3A_467 = tpu.vector_load %arg7[%get3A_465, %get3A_466] {strides = array<i32>} : memref<32x1024xf32, #tpu.memory_space<vmem>>, vector<1x16xf32>,
      %get3A_468 = vector.shape_cast %get3A_467 : vector<1x16xf32> to vector<16xf32>
      %get3A_469 = arith.index_cast %scan3A_72 : i32 to index
      %get3A_470 = arith.constant 448 : index
      %get3A_471 = tpu.vector_load %arg8[%get3A_469, %get3A_470] {strides = array<i32>} : memref<32x1024xf32, #tpu.memory_space<vmem>>, vector<1x16xf32>,
      %get3A_472 = vector.shape_cast %get3A_471 : vector<1x16xf32> to vector<16xf32>
      %add3A_473 = arith.addf %get3A_468, %get3A_472 : vector<16xf32>
      %swap3A_474 = arith.index_cast %scan3A_72 : i32 to index
      %swap3A_475 = arith.constant 448 : index
      %swap3A_476 = tpu.vector_load %arg7[%swap3A_474, %swap3A_475] {strides = array<i32>} : memref<32x1024xf32, #tpu.memory_space<vmem>>, vector<1x16xf32>,
      %swap3A_477 = vector.shape_cast %swap3A_476 : vector<1x16xf32> to vector<16xf32>
      %swap3A_478 = vector.shape_cast %add3A_473 : vector<16xf32> to vector<1x16xf32>
      tpu.vector_store %arg7[%swap3A_474, %swap3A_475], %swap3A_478 {strides = array<i32>} : memref<32x1024xf32, #tpu.memory_space<vmem>>, vector<1x16xf32>,
      %get3A_479 = arith.index_cast %scan3A_72 : i32 to index
      %get3A_480 = arith.constant 464 : index
      %get3A_481 = tpu.vector_load %arg7[%get3A_479, %get3A_480] {strides = array<i32>} : memref<32x1024xf32, #tpu.memory_space<vmem>>, vector<1x16xf32>,
      %get3A_482 = vector.shape_cast %get3A_481 : vector<1x16xf32> to vector<16xf32>
      %get3A_483 = arith.index_cast %scan3A_72 : i32 to index
      %get3A_484 = arith.constant 464 : index
      %get3A_485 = tpu.vector_load %arg8[%get3A_483, %get3A_484] {strides = array<i32>} : memref<32x1024xf32, #tpu.memory_space<vmem>>, vector<1x16xf32>,
      %get3A_486 = vector.shape_cast %get3A_485 : vector<1x16xf32> to vector<16xf32>
      %add3A_487 = arith.addf %get3A_482, %get3A_486 : vector<16xf32>
      %swap3A_488 = arith.index_cast %scan3A_72 : i32 to index
      %swap3A_489 = arith.constant 464 : index
      %swap3A_490 = tpu.vector_load %arg7[%swap3A_488, %swap3A_489] {strides = array<i32>} : memref<32x1024xf32, #tpu.memory_space<vmem>>, vector<1x16xf32>,
      %swap3A_491 = vector.shape_cast %swap3A_490 : vector<1x16xf32> to vector<16xf32>
      %swap3A_492 = vector.shape_cast %add3A_487 : vector<16xf32> to vector<1x16xf32>
      tpu.vector_store %arg7[%swap3A_488, %swap3A_489], %swap3A_492 {strides = array<i32>} : memref<32x1024xf32, #tpu.memory_space<vmem>>, vector<1x16xf32>,
      %get3A_493 = arith.index_cast %scan3A_72 : i32 to index
      %get3A_494 = arith.constant 480 : index
      %get3A_495 = tpu.vector_load %arg7[%get3A_493, %get3A_494] {strides = array<i32>} : memref<32x1024xf32, #tpu.memory_space<vmem>>, vector<1x16xf32>,
      %get3A_496 = vector.shape_cast %get3A_495 : vector<1x16xf32> to vector<16xf32>
      %get3A_497 = arith.index_cast %scan3A_72 : i32 to index
      %get3A_498 = arith.constant 480 : index
      %get3A_499 = tpu.vector_load %arg8[%get3A_497, %get3A_498] {strides = array<i32>} : memref<32x1024xf32, #tpu.memory_space<vmem>>, vector<1x16xf32>,
      %get3A_500 = vector.shape_cast %get3A_499 : vector<1x16xf32> to vector<16xf32>
      %add3A_501 = arith.addf %get3A_496, %get3A_500 : vector<16xf32>
      %swap3A_502 = arith.index_cast %scan3A_72 : i32 to index
      %swap3A_503 = arith.constant 480 : index
      %swap3A_504 = tpu.vector_load %arg7[%swap3A_502, %swap3A_503] {strides = array<i32>} : memref<32x1024xf32, #tpu.memory_space<vmem>>, vector<1x16xf32>,
      %swap3A_505 = vector.shape_cast %swap3A_504 : vector<1x16xf32> to vector<16xf32>
      %swap3A_506 = vector.shape_cast %add3A_501 : vector<16xf32> to vector<1x16xf32>
      tpu.vector_store %arg7[%swap3A_502, %swap3A_503], %swap3A_506 {strides = array<i32>} : memref<32x1024xf32, #tpu.memory_space<vmem>>, vector<1x16xf32>,
      %get3A_507 = arith.index_cast %scan3A_72 : i32 to index
      %get3A_508 = arith.constant 496 : index
      %get3A_509 = tpu.vector_load %arg7[%get3A_507, %get3A_508] {strides = array<i32>} : memref<32x1024xf32, #tpu.memory_space<vmem>>, vector<1x16xf32>,
      %get3A_510 = vector.shape_cast %get3A_509 : vector<1x16xf32> to vector<16xf32>
      %get3A_511 = arith.index_cast %scan3A_72 : i32 to index
      %get3A_512 = arith.constant 496 : index
      %get3A_513 = tpu.vector_load %arg8[%get3A_511, %get3A_512] {strides = array<i32>} : memref<32x1024xf32, #tpu.memory_space<vmem>>, vector<1x16xf32>,
      %get3A_514 = vector.shape_cast %get3A_513 : vector<1x16xf32> to vector<16xf32>
      %add3A_515 = arith.addf %get3A_510, %get3A_514 : vector<16xf32>
      %swap3A_516 = arith.index_cast %scan3A_72 : i32 to index
      %swap3A_517 = arith.constant 496 : index
      %swap3A_518 = tpu.vector_load %arg7[%swap3A_516, %swap3A_517] {strides = array<i32>} : memref<32x1024xf32, #tpu.memory_space<vmem>>, vector<1x16xf32>,
      %swap3A_519 = vector.shape_cast %swap3A_518 : vector<1x16xf32> to vector<16xf32>
      %swap3A_520 = vector.shape_cast %add3A_515 : vector<16xf32> to vector<1x16xf32>
      tpu.vector_store %arg7[%swap3A_516, %swap3A_517], %swap3A_520 {strides = array<i32>} : memref<32x1024xf32, #tpu.memory_space<vmem>>, vector<1x16xf32>,
      %get3A_521 = arith.index_cast %scan3A_72 : i32 to index
      %get3A_522 = arith.constant 512 : index
      %get3A_523 = tpu.vector_load %arg7[%get3A_521, %get3A_522] {strides = array<i32>} : memref<32x1024xf32, #tpu.memory_space<vmem>>, vector<1x16xf32>,
      %get3A_524 = vector.shape_cast %get3A_523 : vector<1x16xf32> to vector<16xf32>
      %get3A_525 = arith.index_cast %scan3A_72 : i32 to index
      %get3A_526 = arith.constant 512 : index
      %get3A_527 = tpu.vector_load %arg8[%get3A_525, %get3A_526] {strides = array<i32>} : memref<32x1024xf32, #tpu.memory_space<vmem>>, vector<1x16xf32>,
      %get3A_528 = vector.shape_cast %get3A_527 : vector<1x16xf32> to vector<16xf32>
      %add3A_529 = arith.addf %get3A_524, %get3A_528 : vector<16xf32>
      %swap3A_530 = arith.index_cast %scan3A_72 : i32 to index
      %swap3A_531 = arith.constant 512 : index
      %swap3A_532 = tpu.vector_load %arg7[%swap3A_530, %swap3A_531] {strides = array<i32>} : memref<32x1024xf32, #tpu.memory_space<vmem>>, vector<1x16xf32>,
      %swap3A_533 = vector.shape_cast %swap3A_532 : vector<1x16xf32> to vector<16xf32>
      %swap3A_534 = vector.shape_cast %add3A_529 : vector<16xf32> to vector<1x16xf32>
      tpu.vector_store %arg7[%swap3A_530, %swap3A_531], %swap3A_534 {strides = array<i32>} : memref<32x1024xf32, #tpu.memory_space<vmem>>, vector<1x16xf32>,
      %get3A_535 = arith.index_cast %scan3A_72 : i32 to index
      %get3A_536 = arith.constant 528 : index
      %get3A_537 = tpu.vector_load %arg7[%get3A_535, %get3A_536] {strides = array<i32>} : memref<32x1024xf32, #tpu.memory_space<vmem>>, vector<1x16xf32>,
      %get3A_538 = vector.shape_cast %get3A_537 : vector<1x16xf32> to vector<16xf32>
      %get3A_539 = arith.index_cast %scan3A_72 : i32 to index
      %get3A_540 = arith.constant 528 : index
      %get3A_541 = tpu.vector_load %arg8[%get3A_539, %get3A_540] {strides = array<i32>} : memref<32x1024xf32, #tpu.memory_space<vmem>>, vector<1x16xf32>,
      %get3A_542 = vector.shape_cast %get3A_541 : vector<1x16xf32> to vector<16xf32>
      %add3A_543 = arith.addf %get3A_538, %get3A_542 : vector<16xf32>
      %swap3A_544 = arith.index_cast %scan3A_72 : i32 to index
      %swap3A_545 = arith.constant 528 : index
      %swap3A_546 = tpu.vector_load %arg7[%swap3A_544, %swap3A_545] {strides = array<i32>} : memref<32x1024xf32, #tpu.memory_space<vmem>>, vector<1x16xf32>,
      %swap3A_547 = vector.shape_cast %swap3A_546 : vector<1x16xf32> to vector<16xf32>
      %swap3A_548 = vector.shape_cast %add3A_543 : vector<16xf32> to vector<1x16xf32>
      tpu.vector_store %arg7[%swap3A_544, %swap3A_545], %swap3A_548 {strides = array<i32>} : memref<32x1024xf32, #tpu.memory_space<vmem>>, vector<1x16xf32>,
      %get3A_549 = arith.index_cast %scan3A_72 : i32 to index
      %get3A_550 = arith.constant 544 : index
      %get3A_551 = tpu.vector_load %arg7[%get3A_549, %get3A_550] {strides = array<i32>} : memref<32x1024xf32, #tpu.memory_space<vmem>>, vector<1x16xf32>,
      %get3A_552 = vector.shape_cast %get3A_551 : vector<1x16xf32> to vector<16xf32>
      %get3A_553 = arith.index_cast %scan3A_72 : i32 to index
      %get3A_554 = arith.constant 544 : index
      %get3A_555 = tpu.vector_load %arg8[%get3A_553, %get3A_554] {strides = array<i32>} : memref<32x1024xf32, #tpu.memory_space<vmem>>, vector<1x16xf32>,
      %get3A_556 = vector.shape_cast %get3A_555 : vector<1x16xf32> to vector<16xf32>
      %add3A_557 = arith.addf %get3A_552, %get3A_556 : vector<16xf32>
      %swap3A_558 = arith.index_cast %scan3A_72 : i32 to index
      %swap3A_559 = arith.constant 544 : index
      %swap3A_560 = tpu.vector_load %arg7[%swap3A_558, %swap3A_559] {strides = array<i32>} : memref<32x1024xf32, #tpu.memory_space<vmem>>, vector<1x16xf32>,
      %swap3A_561 = vector.shape_cast %swap3A_560 : vector<1x16xf32> to vector<16xf32>
      %swap3A_562 = vector.shape_cast %add3A_557 : vector<16xf32> to vector<1x16xf32>
      tpu.vector_store %arg7[%swap3A_558, %swap3A_559], %swap3A_562 {strides = array<i32>} : memref<32x1024xf32, #tpu.memory_space<vmem>>, vector<1x16xf32>,
      %get3A_563 = arith.index_cast %scan3A_72 : i32 to index
      %get3A_564 = arith.constant 560 : index
      %get3A_565 = tpu.vector_load %arg7[%get3A_563, %get3A_564] {strides = array<i32>} : memref<32x1024xf32, #tpu.memory_space<vmem>>, vector<1x16xf32>,
      %get3A_566 = vector.shape_cast %get3A_565 : vector<1x16xf32> to vector<16xf32>
      %get3A_567 = arith.index_cast %scan3A_72 : i32 to index
      %get3A_568 = arith.constant 560 : index
      %get3A_569 = tpu.vector_load %arg8[%get3A_567, %get3A_568] {strides = array<i32>} : memref<32x1024xf32, #tpu.memory_space<vmem>>, vector<1x16xf32>,
      %get3A_570 = vector.shape_cast %get3A_569 : vector<1x16xf32> to vector<16xf32>
      %add3A_571 = arith.addf %get3A_566, %get3A_570 : vector<16xf32>
      %swap3A_572 = arith.index_cast %scan3A_72 : i32 to index
      %swap3A_573 = arith.constant 560 : index
      %swap3A_574 = tpu.vector_load %arg7[%swap3A_572, %swap3A_573] {strides = array<i32>} : memref<32x1024xf32, #tpu.memory_space<vmem>>, vector<1x16xf32>,
      %swap3A_575 = vector.shape_cast %swap3A_574 : vector<1x16xf32> to vector<16xf32>
      %swap3A_576 = vector.shape_cast %add3A_571 : vector<16xf32> to vector<1x16xf32>
      tpu.vector_store %arg7[%swap3A_572, %swap3A_573], %swap3A_576 {strides = array<i32>} : memref<32x1024xf32, #tpu.memory_space<vmem>>, vector<1x16xf32>,
      %get3A_577 = arith.index_cast %scan3A_72 : i32 to index
      %get3A_578 = arith.constant 576 : index
      %get3A_579 = tpu.vector_load %arg7[%get3A_577, %get3A_578] {strides = array<i32>} : memref<32x1024xf32, #tpu.memory_space<vmem>>, vector<1x16xf32>,
      %get3A_580 = vector.shape_cast %get3A_579 : vector<1x16xf32> to vector<16xf32>
      %get3A_581 = arith.index_cast %scan3A_72 : i32 to index
      %get3A_582 = arith.constant 576 : index
      %get3A_583 = tpu.vector_load %arg8[%get3A_581, %get3A_582] {strides = array<i32>} : memref<32x1024xf32, #tpu.memory_space<vmem>>, vector<1x16xf32>,
      %get3A_584 = vector.shape_cast %get3A_583 : vector<1x16xf32> to vector<16xf32>
      %add3A_585 = arith.addf %get3A_580, %get3A_584 : vector<16xf32>
      %swap3A_586 = arith.index_cast %scan3A_72 : i32 to index
      %swap3A_587 = arith.constant 576 : index
      %swap3A_588 = tpu.vector_load %arg7[%swap3A_586, %swap3A_587] {strides = array<i32>} : memref<32x1024xf32, #tpu.memory_space<vmem>>, vector<1x16xf32>,
      %swap3A_589 = vector.shape_cast %swap3A_588 : vector<1x16xf32> to vector<16xf32>
      %swap3A_590 = vector.shape_cast %add3A_585 : vector<16xf32> to vector<1x16xf32>
      tpu.vector_store %arg7[%swap3A_586, %swap3A_587], %swap3A_590 {strides = array<i32>} : memref<32x1024xf32, #tpu.memory_space<vmem>>, vector<1x16xf32>,
      %get3A_591 = arith.index_cast %scan3A_72 : i32 to index
      %get3A_592 = arith.constant 592 : index
      %get3A_593 = tpu.vector_load %arg7[%get3A_591, %get3A_592] {strides = array<i32>} : memref<32x1024xf32, #tpu.memory_space<vmem>>, vector<1x16xf32>,
      %get3A_594 = vector.shape_cast %get3A_593 : vector<1x16xf32> to vector<16xf32>
      %get3A_595 = arith.index_cast %scan3A_72 : i32 to index
      %get3A_596 = arith.constant 592 : index
      %get3A_597 = tpu.vector_load %arg8[%get3A_595, %get3A_596] {strides = array<i32>} : memref<32x1024xf32, #tpu.memory_space<vmem>>, vector<1x16xf32>,
      %get3A_598 = vector.shape_cast %get3A_597 : vector<1x16xf32> to vector<16xf32>
      %add3A_599 = arith.addf %get3A_594, %get3A_598 : vector<16xf32>
      %swap3A_600 = arith.index_cast %scan3A_72 : i32 to index
      %swap3A_601 = arith.constant 592 : index
      %swap3A_602 = tpu.vector_load %arg7[%swap3A_600, %swap3A_601] {strides = array<i32>} : memref<32x1024xf32, #tpu.memory_space<vmem>>, vector<1x16xf32>,
      %swap3A_603 = vector.shape_cast %swap3A_602 : vector<1x16xf32> to vector<16xf32>
      %swap3A_604 = vector.shape_cast %add3A_599 : vector<16xf32> to vector<1x16xf32>
      tpu.vector_store %arg7[%swap3A_600, %swap3A_601], %swap3A_604 {strides = array<i32>} : memref<32x1024xf32, #tpu.memory_space<vmem>>, vector<1x16xf32>,
      %get3A_605 = arith.index_cast %scan3A_72 : i32 to index
      %get3A_606 = arith.constant 608 : index
      %get3A_607 = tpu.vector_load %arg7[%get3A_605, %get3A_606] {strides = array<i32>} : memref<32x1024xf32, #tpu.memory_space<vmem>>, vector<1x16xf32>,
      %get3A_608 = vector.shape_cast %get3A_607 : vector<1x16xf32> to vector<16xf32>
      %get3A_609 = arith.index_cast %scan3A_72 : i32 to index
      %get3A_610 = arith.constant 608 : index
      %get3A_611 = tpu.vector_load %arg8[%get3A_609, %get3A_610] {strides = array<i32>} : memref<32x1024xf32, #tpu.memory_space<vmem>>, vector<1x16xf32>,
      %get3A_612 = vector.shape_cast %get3A_611 : vector<1x16xf32> to vector<16xf32>
      %add3A_613 = arith.addf %get3A_608, %get3A_612 : vector<16xf32>
      %swap3A_614 = arith.index_cast %scan3A_72 : i32 to index
      %swap3A_615 = arith.constant 608 : index
      %swap3A_616 = tpu.vector_load %arg7[%swap3A_614, %swap3A_615] {strides = array<i32>} : memref<32x1024xf32, #tpu.memory_space<vmem>>, vector<1x16xf32>,
      %swap3A_617 = vector.shape_cast %swap3A_616 : vector<1x16xf32> to vector<16xf32>
      %swap3A_618 = vector.shape_cast %add3A_613 : vector<16xf32> to vector<1x16xf32>
      tpu.vector_store %arg7[%swap3A_614, %swap3A_615], %swap3A_618 {strides = array<i32>} : memref<32x1024xf32, #tpu.memory_space<vmem>>, vector<1x16xf32>,
      %get3A_619 = arith.index_cast %scan3A_72 : i32 to index
      %get3A_620 = arith.constant 624 : index
      %get3A_621 = tpu.vector_load %arg7[%get3A_619, %get3A_620] {strides = array<i32>} : memref<32x1024xf32, #tpu.memory_space<vmem>>, vector<1x16xf32>,
      %get3A_622 = vector.shape_cast %get3A_621 : vector<1x16xf32> to vector<16xf32>
      %get3A_623 = arith.index_cast %scan3A_72 : i32 to index
      %get3A_624 = arith.constant 624 : index
      %get3A_625 = tpu.vector_load %arg8[%get3A_623, %get3A_624] {strides = array<i32>} : memref<32x1024xf32, #tpu.memory_space<vmem>>, vector<1x16xf32>,
      %get3A_626 = vector.shape_cast %get3A_625 : vector<1x16xf32> to vector<16xf32>
      %add3A_627 = arith.addf %get3A_622, %get3A_626 : vector<16xf32>
      %swap3A_628 = arith.index_cast %scan3A_72 : i32 to index
      %swap3A_629 = arith.constant 624 : index
      %swap3A_630 = tpu.vector_load %arg7[%swap3A_628, %swap3A_629] {strides = array<i32>} : memref<32x1024xf32, #tpu.memory_space<vmem>>, vector<1x16xf32>,
      %swap3A_631 = vector.shape_cast %swap3A_630 : vector<1x16xf32> to vector<16xf32>
      %swap3A_632 = vector.shape_cast %add3A_627 : vector<16xf32> to vector<1x16xf32>
      tpu.vector_store %arg7[%swap3A_628, %swap3A_629], %swap3A_632 {strides = array<i32>} : memref<32x1024xf32, #tpu.memory_space<vmem>>, vector<1x16xf32>,
      %get3A_633 = arith.index_cast %scan3A_72 : i32 to index
      %get3A_634 = arith.constant 640 : index
      %get3A_635 = tpu.vector_load %arg7[%get3A_633, %get3A_634] {strides = array<i32>} : memref<32x1024xf32, #tpu.memory_space<vmem>>, vector<1x16xf32>,
      %get3A_636 = vector.shape_cast %get3A_635 : vector<1x16xf32> to vector<16xf32>
      %get3A_637 = arith.index_cast %scan3A_72 : i32 to index
      %get3A_638 = arith.constant 640 : index
      %get3A_639 = tpu.vector_load %arg8[%get3A_637, %get3A_638] {strides = array<i32>} : memref<32x1024xf32, #tpu.memory_space<vmem>>, vector<1x16xf32>,
      %get3A_640 = vector.shape_cast %get3A_639 : vector<1x16xf32> to vector<16xf32>
      %add3A_641 = arith.addf %get3A_636, %get3A_640 : vector<16xf32>
      %swap3A_642 = arith.index_cast %scan3A_72 : i32 to index
      %swap3A_643 = arith.constant 640 : index
      %swap3A_644 = tpu.vector_load %arg7[%swap3A_642, %swap3A_643] {strides = array<i32>} : memref<32x1024xf32, #tpu.memory_space<vmem>>, vector<1x16xf32>,
      %swap3A_645 = vector.shape_cast %swap3A_644 : vector<1x16xf32> to vector<16xf32>
      %swap3A_646 = vector.shape_cast %add3A_641 : vector<16xf32> to vector<1x16xf32>
      tpu.vector_store %arg7[%swap3A_642, %swap3A_643], %swap3A_646 {strides = array<i32>} : memref<32x1024xf32, #tpu.memory_space<vmem>>, vector<1x16xf32>,
      %get3A_647 = arith.index_cast %scan3A_72 : i32 to index
      %get3A_648 = arith.constant 656 : index
      %get3A_649 = tpu.vector_load %arg7[%get3A_647, %get3A_648] {strides = array<i32>} : memref<32x1024xf32, #tpu.memory_space<vmem>>, vector<1x16xf32>,
      %get3A_650 = vector.shape_cast %get3A_649 : vector<1x16xf32> to vector<16xf32>
      %get3A_651 = arith.index_cast %scan3A_72 : i32 to index
      %get3A_652 = arith.constant 656 : index
      %get3A_653 = tpu.vector_load %arg8[%get3A_651, %get3A_652] {strides = array<i32>} : memref<32x1024xf32, #tpu.memory_space<vmem>>, vector<1x16xf32>,
      %get3A_654 = vector.shape_cast %get3A_653 : vector<1x16xf32> to vector<16xf32>
      %add3A_655 = arith.addf %get3A_650, %get3A_654 : vector<16xf32>
      %swap3A_656 = arith.index_cast %scan3A_72 : i32 to index
      %swap3A_657 = arith.constant 656 : index
      %swap3A_658 = tpu.vector_load %arg7[%swap3A_656, %swap3A_657] {strides = array<i32>} : memref<32x1024xf32, #tpu.memory_space<vmem>>, vector<1x16xf32>,
      %swap3A_659 = vector.shape_cast %swap3A_658 : vector<1x16xf32> to vector<16xf32>
      %swap3A_660 = vector.shape_cast %add3A_655 : vector<16xf32> to vector<1x16xf32>
      tpu.vector_store %arg7[%swap3A_656, %swap3A_657], %swap3A_660 {strides = array<i32>} : memref<32x1024xf32, #tpu.memory_space<vmem>>, vector<1x16xf32>,
      %get3A_661 = arith.index_cast %scan3A_72 : i32 to index
      %get3A_662 = arith.constant 672 : index
      %get3A_663 = tpu.vector_load %arg7[%get3A_661, %get3A_662] {strides = array<i32>} : memref<32x1024xf32, #tpu.memory_space<vmem>>, vector<1x16xf32>,
      %get3A_664 = vector.shape_cast %get3A_663 : vector<1x16xf32> to vector<16xf32>
      %get3A_665 = arith.index_cast %scan3A_72 : i32 to index
      %get3A_666 = arith.constant 672 : index
      %get3A_667 = tpu.vector_load %arg8[%get3A_665, %get3A_666] {strides = array<i32>} : memref<32x1024xf32, #tpu.memory_space<vmem>>, vector<1x16xf32>,
      %get3A_668 = vector.shape_cast %get3A_667 : vector<1x16xf32> to vector<16xf32>
      %add3A_669 = arith.addf %get3A_664, %get3A_668 : vector<16xf32>
      %swap3A_670 = arith.index_cast %scan3A_72 : i32 to index
      %swap3A_671 = arith.constant 672 : index
      %swap3A_672 = tpu.vector_load %arg7[%swap3A_670, %swap3A_671] {strides = array<i32>} : memref<32x1024xf32, #tpu.memory_space<vmem>>, vector<1x16xf32>,
      %swap3A_673 = vector.shape_cast %swap3A_672 : vector<1x16xf32> to vector<16xf32>
      %swap3A_674 = vector.shape_cast %add3A_669 : vector<16xf32> to vector<1x16xf32>
      tpu.vector_store %arg7[%swap3A_670, %swap3A_671], %swap3A_674 {strides = array<i32>} : memref<32x1024xf32, #tpu.memory_space<vmem>>, vector<1x16xf32>,
      %get3A_675 = arith.index_cast %scan3A_72 : i32 to index
      %get3A_676 = arith.constant 688 : index
      %get3A_677 = tpu.vector_load %arg7[%get3A_675, %get3A_676] {strides = array<i32>} : memref<32x1024xf32, #tpu.memory_space<vmem>>, vector<1x16xf32>,
      %get3A_678 = vector.shape_cast %get3A_677 : vector<1x16xf32> to vector<16xf32>
      %get3A_679 = arith.index_cast %scan3A_72 : i32 to index
      %get3A_680 = arith.constant 688 : index
      %get3A_681 = tpu.vector_load %arg8[%get3A_679, %get3A_680] {strides = array<i32>} : memref<32x1024xf32, #tpu.memory_space<vmem>>, vector<1x16xf32>,
      %get3A_682 = vector.shape_cast %get3A_681 : vector<1x16xf32> to vector<16xf32>
      %add3A_683 = arith.addf %get3A_678, %get3A_682 : vector<16xf32>
      %swap3A_684 = arith.index_cast %scan3A_72 : i32 to index
      %swap3A_685 = arith.constant 688 : index
      %swap3A_686 = tpu.vector_load %arg7[%swap3A_684, %swap3A_685] {strides = array<i32>} : memref<32x1024xf32, #tpu.memory_space<vmem>>, vector<1x16xf32>,
      %swap3A_687 = vector.shape_cast %swap3A_686 : vector<1x16xf32> to vector<16xf32>
      %swap3A_688 = vector.shape_cast %add3A_683 : vector<16xf32> to vector<1x16xf32>
      tpu.vector_store %arg7[%swap3A_684, %swap3A_685], %swap3A_688 {strides = array<i32>} : memref<32x1024xf32, #tpu.memory_space<vmem>>, vector<1x16xf32>,
      %get3A_689 = arith.index_cast %scan3A_72 : i32 to index
      %get3A_690 = arith.constant 704 : index
      %get3A_691 = tpu.vector_load %arg7[%get3A_689, %get3A_690] {strides = array<i32>} : memref<32x1024xf32, #tpu.memory_space<vmem>>, vector<1x16xf32>,
      %get3A_692 = vector.shape_cast %get3A_691 : vector<1x16xf32> to vector<16xf32>
      %get3A_693 = arith.index_cast %scan3A_72 : i32 to index
      %get3A_694 = arith.constant 704 : index
      %get3A_695 = tpu.vector_load %arg8[%get3A_693, %get3A_694] {strides = array<i32>} : memref<32x1024xf32, #tpu.memory_space<vmem>>, vector<1x16xf32>,
      %get3A_696 = vector.shape_cast %get3A_695 : vector<1x16xf32> to vector<16xf32>
      %add3A_697 = arith.addf %get3A_692, %get3A_696 : vector<16xf32>
      %swap3A_698 = arith.index_cast %scan3A_72 : i32 to index
      %swap3A_699 = arith.constant 704 : index
      %swap3A_700 = tpu.vector_load %arg7[%swap3A_698, %swap3A_699] {strides = array<i32>} : memref<32x1024xf32, #tpu.memory_space<vmem>>, vector<1x16xf32>,
      %swap3A_701 = vector.shape_cast %swap3A_700 : vector<1x16xf32> to vector<16xf32>
      %swap3A_702 = vector.shape_cast %add3A_697 : vector<16xf32> to vector<1x16xf32>
      tpu.vector_store %arg7[%swap3A_698, %swap3A_699], %swap3A_702 {strides = array<i32>} : memref<32x1024xf32, #tpu.memory_space<vmem>>, vector<1x16xf32>,
      %get3A_703 = arith.index_cast %scan3A_72 : i32 to index
      %get3A_704 = arith.constant 720 : index
      %get3A_705 = tpu.vector_load %arg7[%get3A_703, %get3A_704] {strides = array<i32>} : memref<32x1024xf32, #tpu.memory_space<vmem>>, vector<1x16xf32>,
      %get3A_706 = vector.shape_cast %get3A_705 : vector<1x16xf32> to vector<16xf32>
      %get3A_707 = arith.index_cast %scan3A_72 : i32 to index
      %get3A_708 = arith.constant 720 : index
      %get3A_709 = tpu.vector_load %arg8[%get3A_707, %get3A_708] {strides = array<i32>} : memref<32x1024xf32, #tpu.memory_space<vmem>>, vector<1x16xf32>,
      %get3A_710 = vector.shape_cast %get3A_709 : vector<1x16xf32> to vector<16xf32>
      %add3A_711 = arith.addf %get3A_706, %get3A_710 : vector<16xf32>
      %swap3A_712 = arith.index_cast %scan3A_72 : i32 to index
      %swap3A_713 = arith.constant 720 : index
      %swap3A_714 = tpu.vector_load %arg7[%swap3A_712, %swap3A_713] {strides = array<i32>} : memref<32x1024xf32, #tpu.memory_space<vmem>>, vector<1x16xf32>,
      %swap3A_715 = vector.shape_cast %swap3A_714 : vector<1x16xf32> to vector<16xf32>
      %swap3A_716 = vector.shape_cast %add3A_711 : vector<16xf32> to vector<1x16xf32>
      tpu.vector_store %arg7[%swap3A_712, %swap3A_713], %swap3A_716 {strides = array<i32>} : memref<32x1024xf32, #tpu.memory_space<vmem>>, vector<1x16xf32>,
      %get3A_717 = arith.index_cast %scan3A_72 : i32 to index
      %get3A_718 = arith.constant 736 : index
      %get3A_719 = tpu.vector_load %arg7[%get3A_717, %get3A_718] {strides = array<i32>} : memref<32x1024xf32, #tpu.memory_space<vmem>>, vector<1x16xf32>,
      %get3A_720 = vector.shape_cast %get3A_719 : vector<1x16xf32> to vector<16xf32>
      %get3A_721 = arith.index_cast %scan3A_72 : i32 to index
      %get3A_722 = arith.constant 736 : index
      %get3A_723 = tpu.vector_load %arg8[%get3A_721, %get3A_722] {strides = array<i32>} : memref<32x1024xf32, #tpu.memory_space<vmem>>, vector<1x16xf32>,
      %get3A_724 = vector.shape_cast %get3A_723 : vector<1x16xf32> to vector<16xf32>
      %add3A_725 = arith.addf %get3A_720, %get3A_724 : vector<16xf32>
      %swap3A_726 = arith.index_cast %scan3A_72 : i32 to index
      %swap3A_727 = arith.constant 736 : index
      %swap3A_728 = tpu.vector_load %arg7[%swap3A_726, %swap3A_727] {strides = array<i32>} : memref<32x1024xf32, #tpu.memory_space<vmem>>, vector<1x16xf32>,
      %swap3A_729 = vector.shape_cast %swap3A_728 : vector<1x16xf32> to vector<16xf32>
      %swap3A_730 = vector.shape_cast %add3A_725 : vector<16xf32> to vector<1x16xf32>
      tpu.vector_store %arg7[%swap3A_726, %swap3A_727], %swap3A_730 {strides = array<i32>} : memref<32x1024xf32, #tpu.memory_space<vmem>>, vector<1x16xf32>,
      %get3A_731 = arith.index_cast %scan3A_72 : i32 to index
      %get3A_732 = arith.constant 752 : index
      %get3A_733 = tpu.vector_load %arg7[%get3A_731, %get3A_732] {strides = array<i32>} : memref<32x1024xf32, #tpu.memory_space<vmem>>, vector<1x16xf32>,
      %get3A_734 = vector.shape_cast %get3A_733 : vector<1x16xf32> to vector<16xf32>
      %get3A_735 = arith.index_cast %scan3A_72 : i32 to index
      %get3A_736 = arith.constant 752 : index
      %get3A_737 = tpu.vector_load %arg8[%get3A_735, %get3A_736] {strides = array<i32>} : memref<32x1024xf32, #tpu.memory_space<vmem>>, vector<1x16xf32>,
      %get3A_738 = vector.shape_cast %get3A_737 : vector<1x16xf32> to vector<16xf32>
      %add3A_739 = arith.addf %get3A_734, %get3A_738 : vector<16xf32>
      %swap3A_740 = arith.index_cast %scan3A_72 : i32 to index
      %swap3A_741 = arith.constant 752 : index
      %swap3A_742 = tpu.vector_load %arg7[%swap3A_740, %swap3A_741] {strides = array<i32>} : memref<32x1024xf32, #tpu.memory_space<vmem>>, vector<1x16xf32>,
      %swap3A_743 = vector.shape_cast %swap3A_742 : vector<1x16xf32> to vector<16xf32>
      %swap3A_744 = vector.shape_cast %add3A_739 : vector<16xf32> to vector<1x16xf32>
      tpu.vector_store %arg7[%swap3A_740, %swap3A_741], %swap3A_744 {strides = array<i32>} : memref<32x1024xf32, #tpu.memory_space<vmem>>, vector<1x16xf32>,
      %get3A_745 = arith.index_cast %scan3A_72 : i32 to index
      %get3A_746 = arith.constant 768 : index
      %get3A_747 = tpu.vector_load %arg7[%get3A_745, %get3A_746] {strides = array<i32>} : memref<32x1024xf32, #tpu.memory_space<vmem>>, vector<1x16xf32>,
      %get3A_748 = vector.shape_cast %get3A_747 : vector<1x16xf32> to vector<16xf32>
      %get3A_749 = arith.index_cast %scan3A_72 : i32 to index
      %get3A_750 = arith.constant 768 : index
      %get3A_751 = tpu.vector_load %arg8[%get3A_749, %get3A_750] {strides = array<i32>} : memref<32x1024xf32, #tpu.memory_space<vmem>>, vector<1x16xf32>,
      %get3A_752 = vector.shape_cast %get3A_751 : vector<1x16xf32> to vector<16xf32>
      %add3A_753 = arith.addf %get3A_748, %get3A_752 : vector<16xf32>
      %swap3A_754 = arith.index_cast %scan3A_72 : i32 to index
      %swap3A_755 = arith.constant 768 : index
      %swap3A_756 = tpu.vector_load %arg7[%swap3A_754, %swap3A_755] {strides = array<i32>} : memref<32x1024xf32, #tpu.memory_space<vmem>>, vector<1x16xf32>,
      %swap3A_757 = vector.shape_cast %swap3A_756 : vector<1x16xf32> to vector<16xf32>
      %swap3A_758 = vector.shape_cast %add3A_753 : vector<16xf32> to vector<1x16xf32>
      tpu.vector_store %arg7[%swap3A_754, %swap3A_755], %swap3A_758 {strides = array<i32>} : memref<32x1024xf32, #tpu.memory_space<vmem>>, vector<1x16xf32>,
      %get3A_759 = arith.index_cast %scan3A_72 : i32 to index
      %get3A_760 = arith.constant 784 : index
      %get3A_761 = tpu.vector_load %arg7[%get3A_759, %get3A_760] {strides = array<i32>} : memref<32x1024xf32, #tpu.memory_space<vmem>>, vector<1x16xf32>,
      %get3A_762 = vector.shape_cast %get3A_761 : vector<1x16xf32> to vector<16xf32>
      %get3A_763 = arith.index_cast %scan3A_72 : i32 to index
      %get3A_764 = arith.constant 784 : index
      %get3A_765 = tpu.vector_load %arg8[%get3A_763, %get3A_764] {strides = array<i32>} : memref<32x1024xf32, #tpu.memory_space<vmem>>, vector<1x16xf32>,
      %get3A_766 = vector.shape_cast %get3A_765 : vector<1x16xf32> to vector<16xf32>
      %add3A_767 = arith.addf %get3A_762, %get3A_766 : vector<16xf32>
      %swap3A_768 = arith.index_cast %scan3A_72 : i32 to index
      %swap3A_769 = arith.constant 784 : index
      %swap3A_770 = tpu.vector_load %arg7[%swap3A_768, %swap3A_769] {strides = array<i32>} : memref<32x1024xf32, #tpu.memory_space<vmem>>, vector<1x16xf32>,
      %swap3A_771 = vector.shape_cast %swap3A_770 : vector<1x16xf32> to vector<16xf32>
      %swap3A_772 = vector.shape_cast %add3A_767 : vector<16xf32> to vector<1x16xf32>
      tpu.vector_store %arg7[%swap3A_768, %swap3A_769], %swap3A_772 {strides = array<i32>} : memref<32x1024xf32, #tpu.memory_space<vmem>>, vector<1x16xf32>,
      %get3A_773 = arith.index_cast %scan3A_72 : i32 to index
      %get3A_774 = arith.constant 800 : index
      %get3A_775 = tpu.vector_load %arg7[%get3A_773, %get3A_774] {strides = array<i32>} : memref<32x1024xf32, #tpu.memory_space<vmem>>, vector<1x16xf32>,
      %get3A_776 = vector.shape_cast %get3A_775 : vector<1x16xf32> to vector<16xf32>
      %get3A_777 = arith.index_cast %scan3A_72 : i32 to index
      %get3A_778 = arith.constant 800 : index
      %get3A_779 = tpu.vector_load %arg8[%get3A_777, %get3A_778] {strides = array<i32>} : memref<32x1024xf32, #tpu.memory_space<vmem>>, vector<1x16xf32>,
      %get3A_780 = vector.shape_cast %get3A_779 : vector<1x16xf32> to vector<16xf32>
      %add3A_781 = arith.addf %get3A_776, %get3A_780 : vector<16xf32>
      %swap3A_782 = arith.index_cast %scan3A_72 : i32 to index
      %swap3A_783 = arith.constant 800 : index
      %swap3A_784 = tpu.vector_load %arg7[%swap3A_782, %swap3A_783] {strides = array<i32>} : memref<32x1024xf32, #tpu.memory_space<vmem>>, vector<1x16xf32>,
      %swap3A_785 = vector.shape_cast %swap3A_784 : vector<1x16xf32> to vector<16xf32>
      %swap3A_786 = vector.shape_cast %add3A_781 : vector<16xf32> to vector<1x16xf32>
      tpu.vector_store %arg7[%swap3A_782, %swap3A_783], %swap3A_786 {strides = array<i32>} : memref<32x1024xf32, #tpu.memory_space<vmem>>, vector<1x16xf32>,
      %get3A_787 = arith.index_cast %scan3A_72 : i32 to index
      %get3A_788 = arith.constant 816 : index
      %get3A_789 = tpu.vector_load %arg7[%get3A_787, %get3A_788] {strides = array<i32>} : memref<32x1024xf32, #tpu.memory_space<vmem>>, vector<1x16xf32>,
      %get3A_790 = vector.shape_cast %get3A_789 : vector<1x16xf32> to vector<16xf32>
      %get3A_791 = arith.index_cast %scan3A_72 : i32 to index
      %get3A_792 = arith.constant 816 : index
      %get3A_793 = tpu.vector_load %arg8[%get3A_791, %get3A_792] {strides = array<i32>} : memref<32x1024xf32, #tpu.memory_space<vmem>>, vector<1x16xf32>,
      %get3A_794 = vector.shape_cast %get3A_793 : vector<1x16xf32> to vector<16xf32>
      %add3A_795 = arith.addf %get3A_790, %get3A_794 : vector<16xf32>
      %swap3A_796 = arith.index_cast %scan3A_72 : i32 to index
      %swap3A_797 = arith.constant 816 : index
      %swap3A_798 = tpu.vector_load %arg7[%swap3A_796, %swap3A_797] {strides = array<i32>} : memref<32x1024xf32, #tpu.memory_space<vmem>>, vector<1x16xf32>,
      %swap3A_799 = vector.shape_cast %swap3A_798 : vector<1x16xf32> to vector<16xf32>
      %swap3A_800 = vector.shape_cast %add3A_795 : vector<16xf32> to vector<1x16xf32>
      tpu.vector_store %arg7[%swap3A_796, %swap3A_797], %swap3A_800 {strides = array<i32>} : memref<32x1024xf32, #tpu.memory_space<vmem>>, vector<1x16xf32>,
      %get3A_801 = arith.index_cast %scan3A_72 : i32 to index
      %get3A_802 = arith.constant 832 : index
      %get3A_803 = tpu.vector_load %arg7[%get3A_801, %get3A_802] {strides = array<i32>} : memref<32x1024xf32, #tpu.memory_space<vmem>>, vector<1x16xf32>,
      %get3A_804 = vector.shape_cast %get3A_803 : vector<1x16xf32> to vector<16xf32>
      %get3A_805 = arith.index_cast %scan3A_72 : i32 to index
      %get3A_806 = arith.constant 832 : index
      %get3A_807 = tpu.vector_load %arg8[%get3A_805, %get3A_806] {strides = array<i32>} : memref<32x1024xf32, #tpu.memory_space<vmem>>, vector<1x16xf32>,
      %get3A_808 = vector.shape_cast %get3A_807 : vector<1x16xf32> to vector<16xf32>
      %add3A_809 = arith.addf %get3A_804, %get3A_808 : vector<16xf32>
      %swap3A_810 = arith.index_cast %scan3A_72 : i32 to index
      %swap3A_811 = arith.constant 832 : index
      %swap3A_812 = tpu.vector_load %arg7[%swap3A_810, %swap3A_811] {strides = array<i32>} : memref<32x1024xf32, #tpu.memory_space<vmem>>, vector<1x16xf32>,
      %swap3A_813 = vector.shape_cast %swap3A_812 : vector<1x16xf32> to vector<16xf32>
      %swap3A_814 = vector.shape_cast %add3A_809 : vector<16xf32> to vector<1x16xf32>
      tpu.vector_store %arg7[%swap3A_810, %swap3A_811], %swap3A_814 {strides = array<i32>} : memref<32x1024xf32, #tpu.memory_space<vmem>>, vector<1x16xf32>,
      %get3A_815 = arith.index_cast %scan3A_72 : i32 to index
      %get3A_816 = arith.constant 848 : index
      %get3A_817 = tpu.vector_load %arg7[%get3A_815, %get3A_816] {strides = array<i32>} : memref<32x1024xf32, #tpu.memory_space<vmem>>, vector<1x16xf32>,
      %get3A_818 = vector.shape_cast %get3A_817 : vector<1x16xf32> to vector<16xf32>
      %get3A_819 = arith.index_cast %scan3A_72 : i32 to index
      %get3A_820 = arith.constant 848 : index
      %get3A_821 = tpu.vector_load %arg8[%get3A_819, %get3A_820] {strides = array<i32>} : memref<32x1024xf32, #tpu.memory_space<vmem>>, vector<1x16xf32>,
      %get3A_822 = vector.shape_cast %get3A_821 : vector<1x16xf32> to vector<16xf32>
      %add3A_823 = arith.addf %get3A_818, %get3A_822 : vector<16xf32>
      %swap3A_824 = arith.index_cast %scan3A_72 : i32 to index
      %swap3A_825 = arith.constant 848 : index
      %swap3A_826 = tpu.vector_load %arg7[%swap3A_824, %swap3A_825] {strides = array<i32>} : memref<32x1024xf32, #tpu.memory_space<vmem>>, vector<1x16xf32>,
      %swap3A_827 = vector.shape_cast %swap3A_826 : vector<1x16xf32> to vector<16xf32>
      %swap3A_828 = vector.shape_cast %add3A_823 : vector<16xf32> to vector<1x16xf32>
      tpu.vector_store %arg7[%swap3A_824, %swap3A_825], %swap3A_828 {strides = array<i32>} : memref<32x1024xf32, #tpu.memory_space<vmem>>, vector<1x16xf32>,
      %get3A_829 = arith.index_cast %scan3A_72 : i32 to index
      %get3A_830 = arith.constant 864 : index
      %get3A_831 = tpu.vector_load %arg7[%get3A_829, %get3A_830] {strides = array<i32>} : memref<32x1024xf32, #tpu.memory_space<vmem>>, vector<1x16xf32>,
      %get3A_832 = vector.shape_cast %get3A_831 : vector<1x16xf32> to vector<16xf32>
      %get3A_833 = arith.index_cast %scan3A_72 : i32 to index
      %get3A_834 = arith.constant 864 : index
      %get3A_835 = tpu.vector_load %arg8[%get3A_833, %get3A_834] {strides = array<i32>} : memref<32x1024xf32, #tpu.memory_space<vmem>>, vector<1x16xf32>,
      %get3A_836 = vector.shape_cast %get3A_835 : vector<1x16xf32> to vector<16xf32>
      %add3A_837 = arith.addf %get3A_832, %get3A_836 : vector<16xf32>
      %swap3A_838 = arith.index_cast %scan3A_72 : i32 to index
      %swap3A_839 = arith.constant 864 : index
      %swap3A_840 = tpu.vector_load %arg7[%swap3A_838, %swap3A_839] {strides = array<i32>} : memref<32x1024xf32, #tpu.memory_space<vmem>>, vector<1x16xf32>,
      %swap3A_841 = vector.shape_cast %swap3A_840 : vector<1x16xf32> to vector<16xf32>
      %swap3A_842 = vector.shape_cast %add3A_837 : vector<16xf32> to vector<1x16xf32>
      tpu.vector_store %arg7[%swap3A_838, %swap3A_839], %swap3A_842 {strides = array<i32>} : memref<32x1024xf32, #tpu.memory_space<vmem>>, vector<1x16xf32>,
      %get3A_843 = arith.index_cast %scan3A_72 : i32 to index
      %get3A_844 = arith.constant 880 : index
      %get3A_845 = tpu.vector_load %arg7[%get3A_843, %get3A_844] {strides = array<i32>} : memref<32x1024xf32, #tpu.memory_space<vmem>>, vector<1x16xf32>,
      %get3A_846 = vector.shape_cast %get3A_845 : vector<1x16xf32> to vector<16xf32>
      %get3A_847 = arith.index_cast %scan3A_72 : i32 to index
      %get3A_848 = arith.constant 880 : index
      %get3A_849 = tpu.vector_load %arg8[%get3A_847, %get3A_848] {strides = array<i32>} : memref<32x1024xf32, #tpu.memory_space<vmem>>, vector<1x16xf32>,
      %get3A_850 = vector.shape_cast %get3A_849 : vector<1x16xf32> to vector<16xf32>
      %add3A_851 = arith.addf %get3A_846, %get3A_850 : vector<16xf32>
      %swap3A_852 = arith.index_cast %scan3A_72 : i32 to index
      %swap3A_853 = arith.constant 880 : index
      %swap3A_854 = tpu.vector_load %arg7[%swap3A_852, %swap3A_853] {strides = array<i32>} : memref<32x1024xf32, #tpu.memory_space<vmem>>, vector<1x16xf32>,
      %swap3A_855 = vector.shape_cast %swap3A_854 : vector<1x16xf32> to vector<16xf32>
      %swap3A_856 = vector.shape_cast %add3A_851 : vector<16xf32> to vector<1x16xf32>
      tpu.vector_store %arg7[%swap3A_852, %swap3A_853], %swap3A_856 {strides = array<i32>} : memref<32x1024xf32, #tpu.memory_space<vmem>>, vector<1x16xf32>,
      %get3A_857 = arith.index_cast %scan3A_72 : i32 to index
      %get3A_858 = arith.constant 896 : index
      %get3A_859 = tpu.vector_load %arg7[%get3A_857, %get3A_858] {strides = array<i32>} : memref<32x1024xf32, #tpu.memory_space<vmem>>, vector<1x16xf32>,
      %get3A_860 = vector.shape_cast %get3A_859 : vector<1x16xf32> to vector<16xf32>
      %get3A_861 = arith.index_cast %scan3A_72 : i32 to index
      %get3A_862 = arith.constant 896 : index
      %get3A_863 = tpu.vector_load %arg8[%get3A_861, %get3A_862] {strides = array<i32>} : memref<32x1024xf32, #tpu.memory_space<vmem>>, vector<1x16xf32>,
      %get3A_864 = vector.shape_cast %get3A_863 : vector<1x16xf32> to vector<16xf32>
      %add3A_865 = arith.addf %get3A_860, %get3A_864 : vector<16xf32>
      %swap3A_866 = arith.index_cast %scan3A_72 : i32 to index
      %swap3A_867 = arith.constant 896 : index
      %swap3A_868 = tpu.vector_load %arg7[%swap3A_866, %swap3A_867] {strides = array<i32>} : memref<32x1024xf32, #tpu.memory_space<vmem>>, vector<1x16xf32>,
      %swap3A_869 = vector.shape_cast %swap3A_868 : vector<1x16xf32> to vector<16xf32>
      %swap3A_870 = vector.shape_cast %add3A_865 : vector<16xf32> to vector<1x16xf32>
      tpu.vector_store %arg7[%swap3A_866, %swap3A_867], %swap3A_870 {strides = array<i32>} : memref<32x1024xf32, #tpu.memory_space<vmem>>, vector<1x16xf32>,
      %get3A_871 = arith.index_cast %scan3A_72 : i32 to index
      %get3A_872 = arith.constant 912 : index
      %get3A_873 = tpu.vector_load %arg7[%get3A_871, %get3A_872] {strides = array<i32>} : memref<32x1024xf32, #tpu.memory_space<vmem>>, vector<1x16xf32>,
      %get3A_874 = vector.shape_cast %get3A_873 : vector<1x16xf32> to vector<16xf32>
      %get3A_875 = arith.index_cast %scan3A_72 : i32 to index
      %get3A_876 = arith.constant 912 : index
      %get3A_877 = tpu.vector_load %arg8[%get3A_875, %get3A_876] {strides = array<i32>} : memref<32x1024xf32, #tpu.memory_space<vmem>>, vector<1x16xf32>,
      %get3A_878 = vector.shape_cast %get3A_877 : vector<1x16xf32> to vector<16xf32>
      %add3A_879 = arith.addf %get3A_874, %get3A_878 : vector<16xf32>
      %swap3A_880 = arith.index_cast %scan3A_72 : i32 to index
      %swap3A_881 = arith.constant 912 : index
      %swap3A_882 = tpu.vector_load %arg7[%swap3A_880, %swap3A_881] {strides = array<i32>} : memref<32x1024xf32, #tpu.memory_space<vmem>>, vector<1x16xf32>,
      %swap3A_883 = vector.shape_cast %swap3A_882 : vector<1x16xf32> to vector<16xf32>
      %swap3A_884 = vector.shape_cast %add3A_879 : vector<16xf32> to vector<1x16xf32>
      tpu.vector_store %arg7[%swap3A_880, %swap3A_881], %swap3A_884 {strides = array<i32>} : memref<32x1024xf32, #tpu.memory_space<vmem>>, vector<1x16xf32>,
      %get3A_885 = arith.index_cast %scan3A_72 : i32 to index
      %get3A_886 = arith.constant 928 : index
      %get3A_887 = tpu.vector_load %arg7[%get3A_885, %get3A_886] {strides = array<i32>} : memref<32x1024xf32, #tpu.memory_space<vmem>>, vector<1x16xf32>,
      %get3A_888 = vector.shape_cast %get3A_887 : vector<1x16xf32> to vector<16xf32>
      %get3A_889 = arith.index_cast %scan3A_72 : i32 to index
      %get3A_890 = arith.constant 928 : index
      %get3A_891 = tpu.vector_load %arg8[%get3A_889, %get3A_890] {strides = array<i32>} : memref<32x1024xf32, #tpu.memory_space<vmem>>, vector<1x16xf32>,
      %get3A_892 = vector.shape_cast %get3A_891 : vector<1x16xf32> to vector<16xf32>
      %add3A_893 = arith.addf %get3A_888, %get3A_892 : vector<16xf32>
      %swap3A_894 = arith.index_cast %scan3A_72 : i32 to index
      %swap3A_895 = arith.constant 928 : index
      %swap3A_896 = tpu.vector_load %arg7[%swap3A_894, %swap3A_895] {strides = array<i32>} : memref<32x1024xf32, #tpu.memory_space<vmem>>, vector<1x16xf32>,
      %swap3A_897 = vector.shape_cast %swap3A_896 : vector<1x16xf32> to vector<16xf32>
      %swap3A_898 = vector.shape_cast %add3A_893 : vector<16xf32> to vector<1x16xf32>
      tpu.vector_store %arg7[%swap3A_894, %swap3A_895], %swap3A_898 {strides = array<i32>} : memref<32x1024xf32, #tpu.memory_space<vmem>>, vector<1x16xf32>,
      %get3A_899 = arith.index_cast %scan3A_72 : i32 to index
      %get3A_900 = arith.constant 944 : index
      %get3A_901 = tpu.vector_load %arg7[%get3A_899, %get3A_900] {strides = array<i32>} : memref<32x1024xf32, #tpu.memory_space<vmem>>, vector<1x16xf32>,
      %get3A_902 = vector.shape_cast %get3A_901 : vector<1x16xf32> to vector<16xf32>
      %get3A_903 = arith.index_cast %scan3A_72 : i32 to index
      %get3A_904 = arith.constant 944 : index
      %get3A_905 = tpu.vector_load %arg8[%get3A_903, %get3A_904] {strides = array<i32>} : memref<32x1024xf32, #tpu.memory_space<vmem>>, vector<1x16xf32>,
      %get3A_906 = vector.shape_cast %get3A_905 : vector<1x16xf32> to vector<16xf32>
      %add3A_907 = arith.addf %get3A_902, %get3A_906 : vector<16xf32>
      %swap3A_908 = arith.index_cast %scan3A_72 : i32 to index
      %swap3A_909 = arith.constant 944 : index
      %swap3A_910 = tpu.vector_load %arg7[%swap3A_908, %swap3A_909] {strides = array<i32>} : memref<32x1024xf32, #tpu.memory_space<vmem>>, vector<1x16xf32>,
      %swap3A_911 = vector.shape_cast %swap3A_910 : vector<1x16xf32> to vector<16xf32>
      %swap3A_912 = vector.shape_cast %add3A_907 : vector<16xf32> to vector<1x16xf32>
      tpu.vector_store %arg7[%swap3A_908, %swap3A_909], %swap3A_912 {strides = array<i32>} : memref<32x1024xf32, #tpu.memory_space<vmem>>, vector<1x16xf32>,
      %get3A_913 = arith.index_cast %scan3A_72 : i32 to index
      %get3A_914 = arith.constant 960 : index
      %get3A_915 = tpu.vector_load %arg7[%get3A_913, %get3A_914] {strides = array<i32>} : memref<32x1024xf32, #tpu.memory_space<vmem>>, vector<1x16xf32>,
      %get3A_916 = vector.shape_cast %get3A_915 : vector<1x16xf32> to vector<16xf32>
      %get3A_917 = arith.index_cast %scan3A_72 : i32 to index
      %get3A_918 = arith.constant 960 : index
      %get3A_919 = tpu.vector_load %arg8[%get3A_917, %get3A_918] {strides = array<i32>} : memref<32x1024xf32, #tpu.memory_space<vmem>>, vector<1x16xf32>,
      %get3A_920 = vector.shape_cast %get3A_919 : vector<1x16xf32> to vector<16xf32>
      %add3A_921 = arith.addf %get3A_916, %get3A_920 : vector<16xf32>
      %swap3A_922 = arith.index_cast %scan3A_72 : i32 to index
      %swap3A_923 = arith.constant 960 : index
      %swap3A_924 = tpu.vector_load %arg7[%swap3A_922, %swap3A_923] {strides = array<i32>} : memref<32x1024xf32, #tpu.memory_space<vmem>>, vector<1x16xf32>,
      %swap3A_925 = vector.shape_cast %swap3A_924 : vector<1x16xf32> to vector<16xf32>
      %swap3A_926 = vector.shape_cast %add3A_921 : vector<16xf32> to vector<1x16xf32>
      tpu.vector_store %arg7[%swap3A_922, %swap3A_923], %swap3A_926 {strides = array<i32>} : memref<32x1024xf32, #tpu.memory_space<vmem>>, vector<1x16xf32>,
      %get3A_927 = arith.index_cast %scan3A_72 : i32 to index
      %get3A_928 = arith.constant 976 : index
      %get3A_929 = tpu.vector_load %arg7[%get3A_927, %get3A_928] {strides = array<i32>} : memref<32x1024xf32, #tpu.memory_space<vmem>>, vector<1x16xf32>,
      %get3A_930 = vector.shape_cast %get3A_929 : vector<1x16xf32> to vector<16xf32>
      %get3A_931 = arith.index_cast %scan3A_72 : i32 to index
      %get3A_932 = arith.constant 976 : index
      %get3A_933 = tpu.vector_load %arg8[%get3A_931, %get3A_932] {strides = array<i32>} : memref<32x1024xf32, #tpu.memory_space<vmem>>, vector<1x16xf32>,
      %get3A_934 = vector.shape_cast %get3A_933 : vector<1x16xf32> to vector<16xf32>
      %add3A_935 = arith.addf %get3A_930, %get3A_934 : vector<16xf32>
      %swap3A_936 = arith.index_cast %scan3A_72 : i32 to index
      %swap3A_937 = arith.constant 976 : index
      %swap3A_938 = tpu.vector_load %arg7[%swap3A_936, %swap3A_937] {strides = array<i32>} : memref<32x1024xf32, #tpu.memory_space<vmem>>, vector<1x16xf32>,
      %swap3A_939 = vector.shape_cast %swap3A_938 : vector<1x16xf32> to vector<16xf32>
      %swap3A_940 = vector.shape_cast %add3A_935 : vector<16xf32> to vector<1x16xf32>
      tpu.vector_store %arg7[%swap3A_936, %swap3A_937], %swap3A_940 {strides = array<i32>} : memref<32x1024xf32, #tpu.memory_space<vmem>>, vector<1x16xf32>,
      %get3A_941 = arith.index_cast %scan3A_72 : i32 to index
      %get3A_942 = arith.constant 992 : index
      %get3A_943 = tpu.vector_load %arg7[%get3A_941, %get3A_942] {strides = array<i32>} : memref<32x1024xf32, #tpu.memory_space<vmem>>, vector<1x16xf32>,
      %get3A_944 = vector.shape_cast %get3A_943 : vector<1x16xf32> to vector<16xf32>
      %get3A_945 = arith.index_cast %scan3A_72 : i32 to index
      %get3A_946 = arith.constant 992 : index
      %get3A_947 = tpu.vector_load %arg8[%get3A_945, %get3A_946] {strides = array<i32>} : memref<32x1024xf32, #tpu.memory_space<vmem>>, vector<1x16xf32>,
      %get3A_948 = vector.shape_cast %get3A_947 : vector<1x16xf32> to vector<16xf32>
      %add3A_949 = arith.addf %get3A_944, %get3A_948 : vector<16xf32>
      %swap3A_950 = arith.index_cast %scan3A_72 : i32 to index
      %swap3A_951 = arith.constant 992 : index
      %swap3A_952 = tpu.vector_load %arg7[%swap3A_950, %swap3A_951] {strides = array<i32>} : memref<32x1024xf32, #tpu.memory_space<vmem>>, vector<1x16xf32>,
      %swap3A_953 = vector.shape_cast %swap3A_952 : vector<1x16xf32> to vector<16xf32>
      %swap3A_954 = vector.shape_cast %add3A_949 : vector<16xf32> to vector<1x16xf32>
      tpu.vector_store %arg7[%swap3A_950, %swap3A_951], %swap3A_954 {strides = array<i32>} : memref<32x1024xf32, #tpu.memory_space<vmem>>, vector<1x16xf32>,
      %get3A_955 = arith.index_cast %scan3A_72 : i32 to index
      %get3A_956 = arith.constant 1008 : index
      %get3A_957 = tpu.vector_load %arg7[%get3A_955, %get3A_956] {strides = array<i32>} : memref<32x1024xf32, #tpu.memory_space<vmem>>, vector<1x16xf32>,
      %get3A_958 = vector.shape_cast %get3A_957 : vector<1x16xf32> to vector<16xf32>
      %get3A_959 = arith.index_cast %scan3A_72 : i32 to index
      %get3A_960 = arith.constant 1008 : index
      %get3A_961 = tpu.vector_load %arg8[%get3A_959, %get3A_960] {strides = array<i32>} : memref<32x1024xf32, #tpu.memory_space<vmem>>, vector<1x16xf32>,
      %get3A_962 = vector.shape_cast %get3A_961 : vector<1x16xf32> to vector<16xf32>
      %add3A_963 = arith.addf %get3A_958, %get3A_962 : vector<16xf32>
      %swap3A_964 = arith.index_cast %scan3A_72 : i32 to index
      %swap3A_965 = arith.constant 1008 : index
      %swap3A_966 = tpu.vector_load %arg7[%swap3A_964, %swap3A_965] {strides = array<i32>} : memref<32x1024xf32, #tpu.memory_space<vmem>>, vector<1x16xf32>,
      %swap3A_967 = vector.shape_cast %swap3A_966 : vector<1x16xf32> to vector<16xf32>
      %swap3A_968 = vector.shape_cast %add3A_963 : vector<16xf32> to vector<1x16xf32>
      tpu.vector_store %arg7[%swap3A_964, %swap3A_965], %swap3A_968 {strides = array<i32>} : memref<32x1024xf32, #tpu.memory_space<vmem>>, vector<1x16xf32>,
    }
    %scan3A_71 = arith.constant 32 : i32
    "tpu.region"() ({
      %run_scoped3A = tpu.sem_alloc : memref<!tpu.dma_semaphore, #tpu.memory_space<semaphore_mem>>
      %dma_start3A_72 = arith.constant 0 : i32
      %dma_start3A_73 = tpu.memref_slice %arg4[%mul3A_2, %dma_start3A_72] : memref<1024x1024xf32, #tpu.memory_space<hbm>> -> memref<32x1024xf32, #tpu.memory_space<hbm>>
      %dma_start3A_74 = arith.constant 0 : i32
      %dma_start3A_75 = tpu.memref_slice %arg4[%mul3A_2, %dma_start3A_74] : memref<1024x1024xf32, #tpu.memory_space<hbm>> -> memref<32x1024xf32, #tpu.memory_space<hbm>>
      tpu.enqueue_dma source(%arg7 : memref<32x1024xf32, #tpu.memory_space<vmem>>) target(%dma_start3A_75 : memref<32x1024xf32, #tpu.memory_space<hbm>>) target_semaphore(%run_scoped3A : memref<!tpu.dma_semaphore, #tpu.memory_space<semaphore_mem>>)
      %dma_wait3A_76 = arith.constant 0 : i32
      %dma_wait3A_77 = tpu.memref_slice %arg4[%mul3A_2, %dma_wait3A_76] : memref<1024x1024xf32, #tpu.memory_space<hbm>> -> memref<32x1024xf32, #tpu.memory_space<hbm>>
      %dma_wait3A_78 = arith.constant 0 : i32
      %dma_wait3A_79 = tpu.memref_slice %arg4[%mul3A_2, %dma_wait3A_78] : memref<1024x1024xf32, #tpu.memory_space<hbm>> -> memref<32x1024xf32, #tpu.memory_space<hbm>>
      tpu.wait_dma2 semaphore(%run_scoped3A : memref<!tpu.dma_semaphore, #tpu.memory_space<semaphore_mem>>) src(%arg7 : memref<32x1024xf32, #tpu.memory_space<vmem>>) dst(%dma_wait3A_79 : memref<32x1024xf32, #tpu.memory_space<hbm>>)
      tpu.yield
    }) : () -> ()
    return
  }
}

module attributes {stable_mosaic.version = 14 : i64} {
  func.func @_pool_kernel(%arg0: i32, %arg1: memref<8x768x196xbf16, #tpu.memory_space<vmem>>, %arg2: memref<8x32x4xf32, #tpu.memory_space<vmem>>, %arg3: memref<8x32x768xf32, #tpu.memory_space<vmem>>, %arg4: memref<8x8x768xf32, #tpu.memory_space<vmem>>) attributes {dimension_semantics = [#tpu.dimension_semantics<parallel>], iteration_bounds = array<i64: 2>, scalar_prefetch = 0 : i64, scratch_operands = 0 : i64, tpu.core_type = #tpu.core_type<tc>, window_params = [{transform_indices = @transform_0, window_bounds = array<i64: 8, 768, 196>}, {transform_indices = @transform_1, window_bounds = array<i64: 8, 32, 4>}, {transform_indices = @transform_2, window_bounds = array<i64: 8, 32, 768>}, {transform_indices = @transform_3, window_bounds = array<i64: 8, 8, 768>}]} {
    %get3A = arith.constant 0 : index
    %get3A_0 = arith.constant 0 : index
    %get3A_1 = arith.constant 0 : index
    %get3A_2 = vector.load %arg1[%get3A, %get3A_0, %get3A_1] : memref<8x768x196xbf16, #tpu.memory_space<vmem>>, vector<1x768x196xbf16>
    %get3A_3 = vector.shape_cast %get3A_2 : vector<1x768x196xbf16> to vector<768x196xbf16>
    %get3A_4 = arith.constant 0 : index
    %get3A_5 = arith.constant 0 : index
    %get3A_6 = arith.constant 0 : index
    %get3A_7 = vector.load %arg2[%get3A_4, %get3A_5, %get3A_6] : memref<8x32x4xf32, #tpu.memory_space<vmem>>, vector<1x32x4xf32>
    %get3A_8 = vector.shape_cast %get3A_7 : vector<1x32x4xf32> to vector<32x4xf32>
    %slice3A = vector.extract_strided_slice %get3A_8 {offsets = [0, 0], sizes = [32, 1], strides = [1, 1]} : vector<32x4xf32> to vector<32x1xf32>
    %slice3A_9 = vector.extract_strided_slice %get3A_8 {offsets = [0, 2], sizes = [32, 1], strides = [1, 1]} : vector<32x4xf32> to vector<32x1xf32>
    %min3A = arith.minimumf %slice3A, %slice3A_9 : vector<32x1xf32>
    %slice3A_10 = vector.extract_strided_slice %get3A_8 {offsets = [0, 0], sizes = [32, 1], strides = [1, 1]} : vector<32x4xf32> to vector<32x1xf32>
    %slice3A_11 = vector.extract_strided_slice %get3A_8 {offsets = [0, 2], sizes = [32, 1], strides = [1, 1]} : vector<32x4xf32> to vector<32x1xf32>
    %max3A = arith.maximumf %slice3A_10, %slice3A_11 : vector<32x1xf32>
    %slice3A_12 = vector.extract_strided_slice %get3A_8 {offsets = [0, 1], sizes = [32, 1], strides = [1, 1]} : vector<32x4xf32> to vector<32x1xf32>
    %slice3A_13 = vector.extract_strided_slice %get3A_8 {offsets = [0, 3], sizes = [32, 1], strides = [1, 1]} : vector<32x4xf32> to vector<32x1xf32>
    %min3A_14 = arith.minimumf %slice3A_12, %slice3A_13 : vector<32x1xf32>
    %slice3A_15 = vector.extract_strided_slice %get3A_8 {offsets = [0, 1], sizes = [32, 1], strides = [1, 1]} : vector<32x4xf32> to vector<32x1xf32>
    %slice3A_16 = vector.extract_strided_slice %get3A_8 {offsets = [0, 3], sizes = [32, 1], strides = [1, 1]} : vector<32x4xf32> to vector<32x1xf32>
    %max3A_17 = arith.maximumf %slice3A_15, %slice3A_16 : vector<32x1xf32>
    %iota3A = tpu.iota {dimensions = array<i32: 1>} : vector<1x196xi32>
    %jit3A = arith.constant 14 : i32
    %eq3A = arith.constant 0 : i32
    %eq3A_18 = arith.cmpi eq, %jit3A, %eq3A : i32
    %jit3A_19 = arith.constant 1 : i32
    %select_n3A = arith.select %eq3A_18, %jit3A_19, %jit3A : i32
    %rem3A = vector.broadcast %select_n3A : i32 to vector<1x196xi32>
    %rem3A_20 = arith.remsi %iota3A, %rem3A : vector<1x196xi32>
    %ne3A = arith.constant 0 : i32
    %ne3A_21 = vector.broadcast %ne3A : i32 to vector<1x196xi32>
    %ne3A_22 = arith.cmpi ne, %rem3A_20, %ne3A_21 : vector<1x196xi32>
    %lt3A = arith.constant 0 : i32
    %lt3A_23 = vector.broadcast %lt3A : i32 to vector<1x196xi32>
    %lt3A_24 = arith.cmpi slt, %rem3A_20, %lt3A_23 : vector<1x196xi32>
    %lt3A_25 = arith.constant 0 : i32
    %lt3A_26 = arith.cmpi slt, %select_n3A, %lt3A_25 : i32
    %ne3A_27 = vector.broadcast %lt3A_26 : i1 to vector<1x196xi1>
    %ne3A_28 = vector.broadcast %ne3A_27 : vector<1x196xi1> to vector<1x196xi1>
    %ne3A_29 = arith.xori %lt3A_24, %ne3A_28 : vector<1x196xi1>
    %and3A = arith.andi %ne3A_29, %ne3A_22 : vector<1x196xi1>
    %add3A = vector.broadcast %select_n3A : i32 to vector<1x196xi32>
    %add3A_30 = arith.addi %rem3A_20, %add3A : vector<1x196xi32>
    %select_n3A_31 = arith.select %and3A, %add3A_30, %rem3A_20 : vector<1x196xi1>, vector<1x196xi32>
    %convert_element_type3A = arith.sitofp %select_n3A_31 : vector<1x196xi32> to vector<1x196xf32>
    %add3A_32 = arith.constant 5.000000e-01 : f32
    %add3A_33 = vector.broadcast %add3A_32 : f32 to vector<1x196xf32>
    %add3A_34 = arith.addf %convert_element_type3A, %add3A_33 : vector<1x196xf32>
    %div3A = arith.constant 1.400000e+01 : f32
    %div3A_35 = vector.broadcast %div3A : f32 to vector<1x196xf32>
    %div3A_36 = arith.divf %add3A_34, %div3A_35 : vector<1x196xf32>
    %jit3A_37 = arith.constant 14 : i32
    %div3A_38 = vector.broadcast %jit3A_37 : i32 to vector<1x196xi32>
    %div3A_39 = arith.divsi %iota3A, %div3A_38 : vector<1x196xi32>
    %sign3A = arith.constant 0 : i32
    %sign3A_40 = vector.broadcast %sign3A : i32 to vector<1x196xi32>
    %sign3A_41 = arith.cmpi sgt, %iota3A, %sign3A_40 : vector<1x196xi32>
    %sign3A_42 = arith.extui %sign3A_41 : vector<1x196xi1> to vector<1x196xi32>
    %sign3A_43 = arith.constant 0 : i32
    %sign3A_44 = vector.broadcast %sign3A_43 : i32 to vector<1x196xi32>
    %sign3A_45 = arith.cmpi slt, %iota3A, %sign3A_44 : vector<1x196xi32>
    %sign3A_46 = arith.extui %sign3A_45 : vector<1x196xi1> to vector<1x196xi32>
    %sign3A_47 = arith.subi %sign3A_42, %sign3A_46 : vector<1x196xi32>
    %sign3A_48 = arith.constant 0 : i32
    %sign3A_49 = arith.cmpi sgt, %jit3A_37, %sign3A_48 : i32
    %sign3A_50 = arith.extui %sign3A_49 : i1 to i32
    %sign3A_51 = arith.constant 0 : i32
    %sign3A_52 = arith.cmpi slt, %jit3A_37, %sign3A_51 : i32
    %sign3A_53 = arith.extui %sign3A_52 : i1 to i32
    %sign3A_54 = arith.subi %sign3A_50, %sign3A_53 : i32
    %ne3A_55 = vector.broadcast %sign3A_54 : i32 to vector<1x196xi32>
    %ne3A_56 = arith.cmpi ne, %sign3A_47, %ne3A_55 : vector<1x196xi32>
    %rem3A_57 = vector.broadcast %jit3A_37 : i32 to vector<1x196xi32>
    %rem3A_58 = arith.remsi %iota3A, %rem3A_57 : vector<1x196xi32>
    %ne3A_59 = arith.constant 0 : i32
    %ne3A_60 = vector.broadcast %ne3A_59 : i32 to vector<1x196xi32>
    %ne3A_61 = arith.cmpi ne, %rem3A_58, %ne3A_60 : vector<1x196xi32>
    %and3A_62 = arith.andi %ne3A_56, %ne3A_61 : vector<1x196xi1>
    %sub3A = arith.constant 1 : i32
    %sub3A_63 = vector.broadcast %sub3A : i32 to vector<1x196xi32>
    %sub3A_64 = arith.subi %div3A_39, %sub3A_63 : vector<1x196xi32>
    %select_n3A_65 = arith.select %and3A_62, %sub3A_64, %div3A_39 : vector<1x196xi1>, vector<1x196xi32>
    %convert_element_type3A_66 = arith.sitofp %select_n3A_65 : vector<1x196xi32> to vector<1x196xf32>
    %add3A_67 = arith.constant 5.000000e-01 : f32
    %add3A_68 = vector.broadcast %add3A_67 : f32 to vector<1x196xf32>
    %add3A_69 = arith.addf %convert_element_type3A_66, %add3A_68 : vector<1x196xf32>
    %div3A_70 = arith.constant 1.400000e+01 : f32
    %div3A_71 = vector.broadcast %div3A_70 : f32 to vector<1x196xf32>
    %div3A_72 = arith.divf %add3A_69, %div3A_71 : vector<1x196xf32>
    %ge3A = vector.broadcast %div3A_36 : vector<1x196xf32> to vector<32x196xf32>
    %ge3A_73 = vector.broadcast %min3A : vector<32x1xf32> to vector<32x196xf32>
    %ge3A_74 = arith.cmpf oge, %ge3A, %ge3A_73 : vector<32x196xf32>
    %le3A = vector.broadcast %div3A_36 : vector<1x196xf32> to vector<32x196xf32>
    %le3A_75 = vector.broadcast %max3A : vector<32x1xf32> to vector<32x196xf32>
    %le3A_76 = arith.cmpf ole, %le3A, %le3A_75 : vector<32x196xf32>
    %and3A_77 = arith.andi %ge3A_74, %le3A_76 : vector<32x196xi1>
    %ge3A_78 = vector.broadcast %div3A_72 : vector<1x196xf32> to vector<32x196xf32>
    %ge3A_79 = vector.broadcast %min3A_14 : vector<32x1xf32> to vector<32x196xf32>
    %ge3A_80 = arith.cmpf oge, %ge3A_78, %ge3A_79 : vector<32x196xf32>
    %and3A_81 = arith.andi %and3A_77, %ge3A_80 : vector<32x196xi1>
    %le3A_82 = vector.broadcast %div3A_72 : vector<1x196xf32> to vector<32x196xf32>
    %le3A_83 = vector.broadcast %max3A_17 : vector<32x1xf32> to vector<32x196xf32>
    %le3A_84 = arith.cmpf ole, %le3A_82, %le3A_83 : vector<32x196xf32>
    %and3A_85 = arith.andi %and3A_81, %le3A_84 : vector<32x196xi1>
    %convert_element_type3A_86 = arith.extui %and3A_85 : vector<32x196xi1> to vector<32x196xi32>
    %convert_element_type3A_87 = arith.sitofp %convert_element_type3A_86 : vector<32x196xi32> to vector<32x196xf32>
    %reduce_sum3A = arith.constant dense<0.000000e+00> : vector<32xf32>
    %reduce_sum3A_88 = vector.multi_reduction <add>, %convert_element_type3A_87, %reduce_sum3A [1] : vector<32x196xf32> to vector<32xf32>
    %broadcast_in_dim3A = vector.shape_cast %reduce_sum3A_88 : vector<32xf32> to vector<32x1xf32>
    %max3A_89 = arith.constant 1.000000e+00 : f32
    %max3A_90 = vector.broadcast %max3A_89 : f32 to vector<32x1xf32>
    %max3A_91 = arith.maximumf %broadcast_in_dim3A, %max3A_90 : vector<32x1xf32>
    %iota3A_92 = tpu.iota {dimensions = array<i32: 0>} : vector<8x196xi32>
    %eq3A_93 = arith.constant 0 : i32
    %eq3A_94 = vector.broadcast %eq3A_93 : i32 to vector<8x196xi32>
    %eq3A_95 = arith.cmpi eq, %iota3A_92, %eq3A_94 : vector<8x196xi32>
    %concatenate3A = tpu.concatenate %and3A_85, %eq3A_95 in 0 : vector<32x196xi1>, vector<8x196xi1> -> vector<40x196xi1>
    %convert_element_type3A_96 = arith.extui %concatenate3A : vector<40x196xi1> to vector<40x196xi32>
    %convert_element_type3A_97 = arith.sitofp %convert_element_type3A_96 : vector<40x196xi32> to vector<40x196xf32>
    %convert_element_type3A_98 = arith.truncf %convert_element_type3A_97 : vector<40x196xf32> to vector<40x196xbf16>
    %dot_general3A = arith.constant dense<0.000000e+00> : vector<40x768xf32>
    %dot_general3A_99 = tpu.matmul %convert_element_type3A_98, %get3A_3, %dot_general3A {dimension_numbers = #tpu.dot_dimension_numbers<[1], [1], [0], [0], [0, 0, 1, 0], [], []>, transpose_lhs_hint = false} : vector<40x196xbf16>, vector<768x196xbf16>, vector<40x768xf32> -> vector<40x768xf32>
    %slice3A_100 = vector.extract_strided_slice %dot_general3A_99 {offsets = [0, 0], sizes = [32, 768], strides = [1, 1]} : vector<40x768xf32> to vector<32x768xf32>
    %div3A_101 = vector.broadcast %max3A_91 : vector<32x1xf32> to vector<32x768xf32>
    %div3A_102 = arith.divf %slice3A_100, %div3A_101 : vector<32x768xf32>
    %swap3A = arith.constant 0 : index
    %swap3A_103 = arith.constant 0 : index
    %swap3A_104 = arith.constant 0 : index
    %swap3A_105 = vector.load %arg3[%swap3A, %swap3A_103, %swap3A_104] : memref<8x32x768xf32, #tpu.memory_space<vmem>>, vector<1x32x768xf32>
    %swap3A_106 = vector.shape_cast %swap3A_105 : vector<1x32x768xf32> to vector<32x768xf32>
    %swap3A_107 = vector.shape_cast %div3A_102 : vector<32x768xf32> to vector<1x32x768xf32>
    tpu.vector_store %arg3[%swap3A, %swap3A_103, %swap3A_104], %swap3A_107 {strides = array<i32>} : memref<8x32x768xf32, #tpu.memory_space<vmem>>, vector<1x32x768xf32>,
    %slice3A_108 = vector.extract_strided_slice %dot_general3A_99 {offsets = [32, 0], sizes = [8, 768], strides = [1, 1]} : vector<40x768xf32> to vector<8x768xf32>
    %mul3A = arith.constant 0.00510204071 : f32
    %mul3A_109 = vector.broadcast %mul3A : f32 to vector<8x768xf32>
    %mul3A_110 = arith.mulf %slice3A_108, %mul3A_109 : vector<8x768xf32>
    %swap3A_111 = arith.constant 0 : index
    %swap3A_112 = arith.constant 0 : index
    %swap3A_113 = arith.constant 0 : index
    %swap3A_114 = vector.load %arg4[%swap3A_111, %swap3A_112, %swap3A_113] : memref<8x8x768xf32, #tpu.memory_space<vmem>>, vector<1x8x768xf32>
    %swap3A_115 = vector.shape_cast %swap3A_114 : vector<1x8x768xf32> to vector<8x768xf32>
    %swap3A_116 = vector.shape_cast %mul3A_110 : vector<8x768xf32> to vector<1x8x768xf32>
    tpu.vector_store %arg4[%swap3A_111, %swap3A_112, %swap3A_113], %swap3A_116 {strides = array<i32>} : memref<8x8x768xf32, #tpu.memory_space<vmem>>, vector<1x8x768xf32>,
    %get3A_117 = arith.constant 1 : index
    %get3A_118 = arith.constant 0 : index
    %get3A_119 = arith.constant 0 : index
    %get3A_120 = vector.load %arg1[%get3A_117, %get3A_118, %get3A_119] : memref<8x768x196xbf16, #tpu.memory_space<vmem>>, vector<1x768x196xbf16>
    %get3A_121 = vector.shape_cast %get3A_120 : vector<1x768x196xbf16> to vector<768x196xbf16>
    %get3A_122 = arith.constant 1 : index
    %get3A_123 = arith.constant 0 : index
    %get3A_124 = arith.constant 0 : index
    %get3A_125 = vector.load %arg2[%get3A_122, %get3A_123, %get3A_124] : memref<8x32x4xf32, #tpu.memory_space<vmem>>, vector<1x32x4xf32>
    %get3A_126 = vector.shape_cast %get3A_125 : vector<1x32x4xf32> to vector<32x4xf32>
    %slice3A_127 = vector.extract_strided_slice %get3A_126 {offsets = [0, 0], sizes = [32, 1], strides = [1, 1]} : vector<32x4xf32> to vector<32x1xf32>
    %slice3A_128 = vector.extract_strided_slice %get3A_126 {offsets = [0, 2], sizes = [32, 1], strides = [1, 1]} : vector<32x4xf32> to vector<32x1xf32>
    %min3A_129 = arith.minimumf %slice3A_127, %slice3A_128 : vector<32x1xf32>
    %slice3A_130 = vector.extract_strided_slice %get3A_126 {offsets = [0, 0], sizes = [32, 1], strides = [1, 1]} : vector<32x4xf32> to vector<32x1xf32>
    %slice3A_131 = vector.extract_strided_slice %get3A_126 {offsets = [0, 2], sizes = [32, 1], strides = [1, 1]} : vector<32x4xf32> to vector<32x1xf32>
    %max3A_132 = arith.maximumf %slice3A_130, %slice3A_131 : vector<32x1xf32>
    %slice3A_133 = vector.extract_strided_slice %get3A_126 {offsets = [0, 1], sizes = [32, 1], strides = [1, 1]} : vector<32x4xf32> to vector<32x1xf32>
    %slice3A_134 = vector.extract_strided_slice %get3A_126 {offsets = [0, 3], sizes = [32, 1], strides = [1, 1]} : vector<32x4xf32> to vector<32x1xf32>
    %min3A_135 = arith.minimumf %slice3A_133, %slice3A_134 : vector<32x1xf32>
    %slice3A_136 = vector.extract_strided_slice %get3A_126 {offsets = [0, 1], sizes = [32, 1], strides = [1, 1]} : vector<32x4xf32> to vector<32x1xf32>
    %slice3A_137 = vector.extract_strided_slice %get3A_126 {offsets = [0, 3], sizes = [32, 1], strides = [1, 1]} : vector<32x4xf32> to vector<32x1xf32>
    %max3A_138 = arith.maximumf %slice3A_136, %slice3A_137 : vector<32x1xf32>
    %iota3A_139 = tpu.iota {dimensions = array<i32: 1>} : vector<1x196xi32>
    %jit3A_140 = arith.constant 14 : i32
    %eq3A_141 = arith.constant 0 : i32
    %eq3A_142 = arith.cmpi eq, %jit3A_140, %eq3A_141 : i32
    %jit3A_143 = arith.constant 1 : i32
    %select_n3A_144 = arith.select %eq3A_142, %jit3A_143, %jit3A_140 : i32
    %rem3A_145 = vector.broadcast %select_n3A_144 : i32 to vector<1x196xi32>
    %rem3A_146 = arith.remsi %iota3A_139, %rem3A_145 : vector<1x196xi32>
    %ne3A_147 = arith.constant 0 : i32
    %ne3A_148 = vector.broadcast %ne3A_147 : i32 to vector<1x196xi32>
    %ne3A_149 = arith.cmpi ne, %rem3A_146, %ne3A_148 : vector<1x196xi32>
    %lt3A_150 = arith.constant 0 : i32
    %lt3A_151 = vector.broadcast %lt3A_150 : i32 to vector<1x196xi32>
    %lt3A_152 = arith.cmpi slt, %rem3A_146, %lt3A_151 : vector<1x196xi32>
    %lt3A_153 = arith.constant 0 : i32
    %lt3A_154 = arith.cmpi slt, %select_n3A_144, %lt3A_153 : i32
    %ne3A_155 = vector.broadcast %lt3A_154 : i1 to vector<1x196xi1>
    %ne3A_156 = vector.broadcast %ne3A_155 : vector<1x196xi1> to vector<1x196xi1>
    %ne3A_157 = arith.xori %lt3A_152, %ne3A_156 : vector<1x196xi1>
    %and3A_158 = arith.andi %ne3A_157, %ne3A_149 : vector<1x196xi1>
    %add3A_159 = vector.broadcast %select_n3A_144 : i32 to vector<1x196xi32>
    %add3A_160 = arith.addi %rem3A_146, %add3A_159 : vector<1x196xi32>
    %select_n3A_161 = arith.select %and3A_158, %add3A_160, %rem3A_146 : vector<1x196xi1>, vector<1x196xi32>
    %convert_element_type3A_162 = arith.sitofp %select_n3A_161 : vector<1x196xi32> to vector<1x196xf32>
    %add3A_163 = arith.constant 5.000000e-01 : f32
    %add3A_164 = vector.broadcast %add3A_163 : f32 to vector<1x196xf32>
    %add3A_165 = arith.addf %convert_element_type3A_162, %add3A_164 : vector<1x196xf32>
    %div3A_166 = arith.constant 1.400000e+01 : f32
    %div3A_167 = vector.broadcast %div3A_166 : f32 to vector<1x196xf32>
    %div3A_168 = arith.divf %add3A_165, %div3A_167 : vector<1x196xf32>
    %jit3A_169 = arith.constant 14 : i32
    %div3A_170 = vector.broadcast %jit3A_169 : i32 to vector<1x196xi32>
    %div3A_171 = arith.divsi %iota3A_139, %div3A_170 : vector<1x196xi32>
    %sign3A_172 = arith.constant 0 : i32
    %sign3A_173 = vector.broadcast %sign3A_172 : i32 to vector<1x196xi32>
    %sign3A_174 = arith.cmpi sgt, %iota3A_139, %sign3A_173 : vector<1x196xi32>
    %sign3A_175 = arith.extui %sign3A_174 : vector<1x196xi1> to vector<1x196xi32>
    %sign3A_176 = arith.constant 0 : i32
    %sign3A_177 = vector.broadcast %sign3A_176 : i32 to vector<1x196xi32>
    %sign3A_178 = arith.cmpi slt, %iota3A_139, %sign3A_177 : vector<1x196xi32>
    %sign3A_179 = arith.extui %sign3A_178 : vector<1x196xi1> to vector<1x196xi32>
    %sign3A_180 = arith.subi %sign3A_175, %sign3A_179 : vector<1x196xi32>
    %sign3A_181 = arith.constant 0 : i32
    %sign3A_182 = arith.cmpi sgt, %jit3A_169, %sign3A_181 : i32
    %sign3A_183 = arith.extui %sign3A_182 : i1 to i32
    %sign3A_184 = arith.constant 0 : i32
    %sign3A_185 = arith.cmpi slt, %jit3A_169, %sign3A_184 : i32
    %sign3A_186 = arith.extui %sign3A_185 : i1 to i32
    %sign3A_187 = arith.subi %sign3A_183, %sign3A_186 : i32
    %ne3A_188 = vector.broadcast %sign3A_187 : i32 to vector<1x196xi32>
    %ne3A_189 = arith.cmpi ne, %sign3A_180, %ne3A_188 : vector<1x196xi32>
    %rem3A_190 = vector.broadcast %jit3A_169 : i32 to vector<1x196xi32>
    %rem3A_191 = arith.remsi %iota3A_139, %rem3A_190 : vector<1x196xi32>
    %ne3A_192 = arith.constant 0 : i32
    %ne3A_193 = vector.broadcast %ne3A_192 : i32 to vector<1x196xi32>
    %ne3A_194 = arith.cmpi ne, %rem3A_191, %ne3A_193 : vector<1x196xi32>
    %and3A_195 = arith.andi %ne3A_189, %ne3A_194 : vector<1x196xi1>
    %sub3A_196 = arith.constant 1 : i32
    %sub3A_197 = vector.broadcast %sub3A_196 : i32 to vector<1x196xi32>
    %sub3A_198 = arith.subi %div3A_171, %sub3A_197 : vector<1x196xi32>
    %select_n3A_199 = arith.select %and3A_195, %sub3A_198, %div3A_171 : vector<1x196xi1>, vector<1x196xi32>
    %convert_element_type3A_200 = arith.sitofp %select_n3A_199 : vector<1x196xi32> to vector<1x196xf32>
    %add3A_201 = arith.constant 5.000000e-01 : f32
    %add3A_202 = vector.broadcast %add3A_201 : f32 to vector<1x196xf32>
    %add3A_203 = arith.addf %convert_element_type3A_200, %add3A_202 : vector<1x196xf32>
    %div3A_204 = arith.constant 1.400000e+01 : f32
    %div3A_205 = vector.broadcast %div3A_204 : f32 to vector<1x196xf32>
    %div3A_206 = arith.divf %add3A_203, %div3A_205 : vector<1x196xf32>
    %ge3A_207 = vector.broadcast %div3A_168 : vector<1x196xf32> to vector<32x196xf32>
    %ge3A_208 = vector.broadcast %min3A_129 : vector<32x1xf32> to vector<32x196xf32>
    %ge3A_209 = arith.cmpf oge, %ge3A_207, %ge3A_208 : vector<32x196xf32>
    %le3A_210 = vector.broadcast %div3A_168 : vector<1x196xf32> to vector<32x196xf32>
    %le3A_211 = vector.broadcast %max3A_132 : vector<32x1xf32> to vector<32x196xf32>
    %le3A_212 = arith.cmpf ole, %le3A_210, %le3A_211 : vector<32x196xf32>
    %and3A_213 = arith.andi %ge3A_209, %le3A_212 : vector<32x196xi1>
    %ge3A_214 = vector.broadcast %div3A_206 : vector<1x196xf32> to vector<32x196xf32>
    %ge3A_215 = vector.broadcast %min3A_135 : vector<32x1xf32> to vector<32x196xf32>
    %ge3A_216 = arith.cmpf oge, %ge3A_214, %ge3A_215 : vector<32x196xf32>
    %and3A_217 = arith.andi %and3A_213, %ge3A_216 : vector<32x196xi1>
    %le3A_218 = vector.broadcast %div3A_206 : vector<1x196xf32> to vector<32x196xf32>
    %le3A_219 = vector.broadcast %max3A_138 : vector<32x1xf32> to vector<32x196xf32>
    %le3A_220 = arith.cmpf ole, %le3A_218, %le3A_219 : vector<32x196xf32>
    %and3A_221 = arith.andi %and3A_217, %le3A_220 : vector<32x196xi1>
    %convert_element_type3A_222 = arith.extui %and3A_221 : vector<32x196xi1> to vector<32x196xi32>
    %convert_element_type3A_223 = arith.sitofp %convert_element_type3A_222 : vector<32x196xi32> to vector<32x196xf32>
    %reduce_sum3A_224 = arith.constant dense<0.000000e+00> : vector<32xf32>
    %reduce_sum3A_225 = vector.multi_reduction <add>, %convert_element_type3A_223, %reduce_sum3A_224 [1] : vector<32x196xf32> to vector<32xf32>
    %broadcast_in_dim3A_226 = vector.shape_cast %reduce_sum3A_225 : vector<32xf32> to vector<32x1xf32>
    %max3A_227 = arith.constant 1.000000e+00 : f32
    %max3A_228 = vector.broadcast %max3A_227 : f32 to vector<32x1xf32>
    %max3A_229 = arith.maximumf %broadcast_in_dim3A_226, %max3A_228 : vector<32x1xf32>
    %iota3A_230 = tpu.iota {dimensions = array<i32: 0>} : vector<8x196xi32>
    %eq3A_231 = arith.constant 0 : i32
    %eq3A_232 = vector.broadcast %eq3A_231 : i32 to vector<8x196xi32>
    %eq3A_233 = arith.cmpi eq, %iota3A_230, %eq3A_232 : vector<8x196xi32>
    %concatenate3A_234 = tpu.concatenate %and3A_221, %eq3A_233 in 0 : vector<32x196xi1>, vector<8x196xi1> -> vector<40x196xi1>
    %convert_element_type3A_235 = arith.extui %concatenate3A_234 : vector<40x196xi1> to vector<40x196xi32>
    %convert_element_type3A_236 = arith.sitofp %convert_element_type3A_235 : vector<40x196xi32> to vector<40x196xf32>
    %convert_element_type3A_237 = arith.truncf %convert_element_type3A_236 : vector<40x196xf32> to vector<40x196xbf16>
    %dot_general3A_238 = arith.constant dense<0.000000e+00> : vector<40x768xf32>
    %dot_general3A_239 = tpu.matmul %convert_element_type3A_237, %get3A_121, %dot_general3A_238 {dimension_numbers = #tpu.dot_dimension_numbers<[1], [1], [0], [0], [0, 0, 1, 0], [], []>, transpose_lhs_hint = false} : vector<40x196xbf16>, vector<768x196xbf16>, vector<40x768xf32> -> vector<40x768xf32>
    %slice3A_240 = vector.extract_strided_slice %dot_general3A_239 {offsets = [0, 0], sizes = [32, 768], strides = [1, 1]} : vector<40x768xf32> to vector<32x768xf32>
    %div3A_241 = vector.broadcast %max3A_229 : vector<32x1xf32> to vector<32x768xf32>
    %div3A_242 = arith.divf %slice3A_240, %div3A_241 : vector<32x768xf32>
    %swap3A_243 = arith.constant 1 : index
    %swap3A_244 = arith.constant 0 : index
    %swap3A_245 = arith.constant 0 : index
    %swap3A_246 = vector.load %arg3[%swap3A_243, %swap3A_244, %swap3A_245] : memref<8x32x768xf32, #tpu.memory_space<vmem>>, vector<1x32x768xf32>
    %swap3A_247 = vector.shape_cast %swap3A_246 : vector<1x32x768xf32> to vector<32x768xf32>
    %swap3A_248 = vector.shape_cast %div3A_242 : vector<32x768xf32> to vector<1x32x768xf32>
    tpu.vector_store %arg3[%swap3A_243, %swap3A_244, %swap3A_245], %swap3A_248 {strides = array<i32>} : memref<8x32x768xf32, #tpu.memory_space<vmem>>, vector<1x32x768xf32>,
    %slice3A_249 = vector.extract_strided_slice %dot_general3A_239 {offsets = [32, 0], sizes = [8, 768], strides = [1, 1]} : vector<40x768xf32> to vector<8x768xf32>
    %mul3A_250 = arith.constant 0.00510204071 : f32
    %mul3A_251 = vector.broadcast %mul3A_250 : f32 to vector<8x768xf32>
    %mul3A_252 = arith.mulf %slice3A_249, %mul3A_251 : vector<8x768xf32>
    %swap3A_253 = arith.constant 1 : index
    %swap3A_254 = arith.constant 0 : index
    %swap3A_255 = arith.constant 0 : index
    %swap3A_256 = vector.load %arg4[%swap3A_253, %swap3A_254, %swap3A_255] : memref<8x8x768xf32, #tpu.memory_space<vmem>>, vector<1x8x768xf32>
    %swap3A_257 = vector.shape_cast %swap3A_256 : vector<1x8x768xf32> to vector<8x768xf32>
    %swap3A_258 = vector.shape_cast %mul3A_252 : vector<8x768xf32> to vector<1x8x768xf32>
    tpu.vector_store %arg4[%swap3A_253, %swap3A_254, %swap3A_255], %swap3A_258 {strides = array<i32>} : memref<8x8x768xf32, #tpu.memory_space<vmem>>, vector<1x8x768xf32>,
    %get3A_259 = arith.constant 2 : index
    %get3A_260 = arith.constant 0 : index
    %get3A_261 = arith.constant 0 : index
    %get3A_262 = vector.load %arg1[%get3A_259, %get3A_260, %get3A_261] : memref<8x768x196xbf16, #tpu.memory_space<vmem>>, vector<1x768x196xbf16>
    %get3A_263 = vector.shape_cast %get3A_262 : vector<1x768x196xbf16> to vector<768x196xbf16>
    %get3A_264 = arith.constant 2 : index
    %get3A_265 = arith.constant 0 : index
    %get3A_266 = arith.constant 0 : index
    %get3A_267 = vector.load %arg2[%get3A_264, %get3A_265, %get3A_266] : memref<8x32x4xf32, #tpu.memory_space<vmem>>, vector<1x32x4xf32>
    %get3A_268 = vector.shape_cast %get3A_267 : vector<1x32x4xf32> to vector<32x4xf32>
    %slice3A_269 = vector.extract_strided_slice %get3A_268 {offsets = [0, 0], sizes = [32, 1], strides = [1, 1]} : vector<32x4xf32> to vector<32x1xf32>
    %slice3A_270 = vector.extract_strided_slice %get3A_268 {offsets = [0, 2], sizes = [32, 1], strides = [1, 1]} : vector<32x4xf32> to vector<32x1xf32>
    %min3A_271 = arith.minimumf %slice3A_269, %slice3A_270 : vector<32x1xf32>
    %slice3A_272 = vector.extract_strided_slice %get3A_268 {offsets = [0, 0], sizes = [32, 1], strides = [1, 1]} : vector<32x4xf32> to vector<32x1xf32>
    %slice3A_273 = vector.extract_strided_slice %get3A_268 {offsets = [0, 2], sizes = [32, 1], strides = [1, 1]} : vector<32x4xf32> to vector<32x1xf32>
    %max3A_274 = arith.maximumf %slice3A_272, %slice3A_273 : vector<32x1xf32>
    %slice3A_275 = vector.extract_strided_slice %get3A_268 {offsets = [0, 1], sizes = [32, 1], strides = [1, 1]} : vector<32x4xf32> to vector<32x1xf32>
    %slice3A_276 = vector.extract_strided_slice %get3A_268 {offsets = [0, 3], sizes = [32, 1], strides = [1, 1]} : vector<32x4xf32> to vector<32x1xf32>
    %min3A_277 = arith.minimumf %slice3A_275, %slice3A_276 : vector<32x1xf32>
    %slice3A_278 = vector.extract_strided_slice %get3A_268 {offsets = [0, 1], sizes = [32, 1], strides = [1, 1]} : vector<32x4xf32> to vector<32x1xf32>
    %slice3A_279 = vector.extract_strided_slice %get3A_268 {offsets = [0, 3], sizes = [32, 1], strides = [1, 1]} : vector<32x4xf32> to vector<32x1xf32>
    %max3A_280 = arith.maximumf %slice3A_278, %slice3A_279 : vector<32x1xf32>
    %iota3A_281 = tpu.iota {dimensions = array<i32: 1>} : vector<1x196xi32>
    %jit3A_282 = arith.constant 14 : i32
    %eq3A_283 = arith.constant 0 : i32
    %eq3A_284 = arith.cmpi eq, %jit3A_282, %eq3A_283 : i32
    %jit3A_285 = arith.constant 1 : i32
    %select_n3A_286 = arith.select %eq3A_284, %jit3A_285, %jit3A_282 : i32
    %rem3A_287 = vector.broadcast %select_n3A_286 : i32 to vector<1x196xi32>
    %rem3A_288 = arith.remsi %iota3A_281, %rem3A_287 : vector<1x196xi32>
    %ne3A_289 = arith.constant 0 : i32
    %ne3A_290 = vector.broadcast %ne3A_289 : i32 to vector<1x196xi32>
    %ne3A_291 = arith.cmpi ne, %rem3A_288, %ne3A_290 : vector<1x196xi32>
    %lt3A_292 = arith.constant 0 : i32
    %lt3A_293 = vector.broadcast %lt3A_292 : i32 to vector<1x196xi32>
    %lt3A_294 = arith.cmpi slt, %rem3A_288, %lt3A_293 : vector<1x196xi32>
    %lt3A_295 = arith.constant 0 : i32
    %lt3A_296 = arith.cmpi slt, %select_n3A_286, %lt3A_295 : i32
    %ne3A_297 = vector.broadcast %lt3A_296 : i1 to vector<1x196xi1>
    %ne3A_298 = vector.broadcast %ne3A_297 : vector<1x196xi1> to vector<1x196xi1>
    %ne3A_299 = arith.xori %lt3A_294, %ne3A_298 : vector<1x196xi1>
    %and3A_300 = arith.andi %ne3A_299, %ne3A_291 : vector<1x196xi1>
    %add3A_301 = vector.broadcast %select_n3A_286 : i32 to vector<1x196xi32>
    %add3A_302 = arith.addi %rem3A_288, %add3A_301 : vector<1x196xi32>
    %select_n3A_303 = arith.select %and3A_300, %add3A_302, %rem3A_288 : vector<1x196xi1>, vector<1x196xi32>
    %convert_element_type3A_304 = arith.sitofp %select_n3A_303 : vector<1x196xi32> to vector<1x196xf32>
    %add3A_305 = arith.constant 5.000000e-01 : f32
    %add3A_306 = vector.broadcast %add3A_305 : f32 to vector<1x196xf32>
    %add3A_307 = arith.addf %convert_element_type3A_304, %add3A_306 : vector<1x196xf32>
    %div3A_308 = arith.constant 1.400000e+01 : f32
    %div3A_309 = vector.broadcast %div3A_308 : f32 to vector<1x196xf32>
    %div3A_310 = arith.divf %add3A_307, %div3A_309 : vector<1x196xf32>
    %jit3A_311 = arith.constant 14 : i32
    %div3A_312 = vector.broadcast %jit3A_311 : i32 to vector<1x196xi32>
    %div3A_313 = arith.divsi %iota3A_281, %div3A_312 : vector<1x196xi32>
    %sign3A_314 = arith.constant 0 : i32
    %sign3A_315 = vector.broadcast %sign3A_314 : i32 to vector<1x196xi32>
    %sign3A_316 = arith.cmpi sgt, %iota3A_281, %sign3A_315 : vector<1x196xi32>
    %sign3A_317 = arith.extui %sign3A_316 : vector<1x196xi1> to vector<1x196xi32>
    %sign3A_318 = arith.constant 0 : i32
    %sign3A_319 = vector.broadcast %sign3A_318 : i32 to vector<1x196xi32>
    %sign3A_320 = arith.cmpi slt, %iota3A_281, %sign3A_319 : vector<1x196xi32>
    %sign3A_321 = arith.extui %sign3A_320 : vector<1x196xi1> to vector<1x196xi32>
    %sign3A_322 = arith.subi %sign3A_317, %sign3A_321 : vector<1x196xi32>
    %sign3A_323 = arith.constant 0 : i32
    %sign3A_324 = arith.cmpi sgt, %jit3A_311, %sign3A_323 : i32
    %sign3A_325 = arith.extui %sign3A_324 : i1 to i32
    %sign3A_326 = arith.constant 0 : i32
    %sign3A_327 = arith.cmpi slt, %jit3A_311, %sign3A_326 : i32
    %sign3A_328 = arith.extui %sign3A_327 : i1 to i32
    %sign3A_329 = arith.subi %sign3A_325, %sign3A_328 : i32
    %ne3A_330 = vector.broadcast %sign3A_329 : i32 to vector<1x196xi32>
    %ne3A_331 = arith.cmpi ne, %sign3A_322, %ne3A_330 : vector<1x196xi32>
    %rem3A_332 = vector.broadcast %jit3A_311 : i32 to vector<1x196xi32>
    %rem3A_333 = arith.remsi %iota3A_281, %rem3A_332 : vector<1x196xi32>
    %ne3A_334 = arith.constant 0 : i32
    %ne3A_335 = vector.broadcast %ne3A_334 : i32 to vector<1x196xi32>
    %ne3A_336 = arith.cmpi ne, %rem3A_333, %ne3A_335 : vector<1x196xi32>
    %and3A_337 = arith.andi %ne3A_331, %ne3A_336 : vector<1x196xi1>
    %sub3A_338 = arith.constant 1 : i32
    %sub3A_339 = vector.broadcast %sub3A_338 : i32 to vector<1x196xi32>
    %sub3A_340 = arith.subi %div3A_313, %sub3A_339 : vector<1x196xi32>
    %select_n3A_341 = arith.select %and3A_337, %sub3A_340, %div3A_313 : vector<1x196xi1>, vector<1x196xi32>
    %convert_element_type3A_342 = arith.sitofp %select_n3A_341 : vector<1x196xi32> to vector<1x196xf32>
    %add3A_343 = arith.constant 5.000000e-01 : f32
    %add3A_344 = vector.broadcast %add3A_343 : f32 to vector<1x196xf32>
    %add3A_345 = arith.addf %convert_element_type3A_342, %add3A_344 : vector<1x196xf32>
    %div3A_346 = arith.constant 1.400000e+01 : f32
    %div3A_347 = vector.broadcast %div3A_346 : f32 to vector<1x196xf32>
    %div3A_348 = arith.divf %add3A_345, %div3A_347 : vector<1x196xf32>
    %ge3A_349 = vector.broadcast %div3A_310 : vector<1x196xf32> to vector<32x196xf32>
    %ge3A_350 = vector.broadcast %min3A_271 : vector<32x1xf32> to vector<32x196xf32>
    %ge3A_351 = arith.cmpf oge, %ge3A_349, %ge3A_350 : vector<32x196xf32>
    %le3A_352 = vector.broadcast %div3A_310 : vector<1x196xf32> to vector<32x196xf32>
    %le3A_353 = vector.broadcast %max3A_274 : vector<32x1xf32> to vector<32x196xf32>
    %le3A_354 = arith.cmpf ole, %le3A_352, %le3A_353 : vector<32x196xf32>
    %and3A_355 = arith.andi %ge3A_351, %le3A_354 : vector<32x196xi1>
    %ge3A_356 = vector.broadcast %div3A_348 : vector<1x196xf32> to vector<32x196xf32>
    %ge3A_357 = vector.broadcast %min3A_277 : vector<32x1xf32> to vector<32x196xf32>
    %ge3A_358 = arith.cmpf oge, %ge3A_356, %ge3A_357 : vector<32x196xf32>
    %and3A_359 = arith.andi %and3A_355, %ge3A_358 : vector<32x196xi1>
    %le3A_360 = vector.broadcast %div3A_348 : vector<1x196xf32> to vector<32x196xf32>
    %le3A_361 = vector.broadcast %max3A_280 : vector<32x1xf32> to vector<32x196xf32>
    %le3A_362 = arith.cmpf ole, %le3A_360, %le3A_361 : vector<32x196xf32>
    %and3A_363 = arith.andi %and3A_359, %le3A_362 : vector<32x196xi1>
    %convert_element_type3A_364 = arith.extui %and3A_363 : vector<32x196xi1> to vector<32x196xi32>
    %convert_element_type3A_365 = arith.sitofp %convert_element_type3A_364 : vector<32x196xi32> to vector<32x196xf32>
    %reduce_sum3A_366 = arith.constant dense<0.000000e+00> : vector<32xf32>
    %reduce_sum3A_367 = vector.multi_reduction <add>, %convert_element_type3A_365, %reduce_sum3A_366 [1] : vector<32x196xf32> to vector<32xf32>
    %broadcast_in_dim3A_368 = vector.shape_cast %reduce_sum3A_367 : vector<32xf32> to vector<32x1xf32>
    %max3A_369 = arith.constant 1.000000e+00 : f32
    %max3A_370 = vector.broadcast %max3A_369 : f32 to vector<32x1xf32>
    %max3A_371 = arith.maximumf %broadcast_in_dim3A_368, %max3A_370 : vector<32x1xf32>
    %iota3A_372 = tpu.iota {dimensions = array<i32: 0>} : vector<8x196xi32>
    %eq3A_373 = arith.constant 0 : i32
    %eq3A_374 = vector.broadcast %eq3A_373 : i32 to vector<8x196xi32>
    %eq3A_375 = arith.cmpi eq, %iota3A_372, %eq3A_374 : vector<8x196xi32>
    %concatenate3A_376 = tpu.concatenate %and3A_363, %eq3A_375 in 0 : vector<32x196xi1>, vector<8x196xi1> -> vector<40x196xi1>
    %convert_element_type3A_377 = arith.extui %concatenate3A_376 : vector<40x196xi1> to vector<40x196xi32>
    %convert_element_type3A_378 = arith.sitofp %convert_element_type3A_377 : vector<40x196xi32> to vector<40x196xf32>
    %convert_element_type3A_379 = arith.truncf %convert_element_type3A_378 : vector<40x196xf32> to vector<40x196xbf16>
    %dot_general3A_380 = arith.constant dense<0.000000e+00> : vector<40x768xf32>
    %dot_general3A_381 = tpu.matmul %convert_element_type3A_379, %get3A_263, %dot_general3A_380 {dimension_numbers = #tpu.dot_dimension_numbers<[1], [1], [0], [0], [0, 0, 1, 0], [], []>, transpose_lhs_hint = false} : vector<40x196xbf16>, vector<768x196xbf16>, vector<40x768xf32> -> vector<40x768xf32>
    %slice3A_382 = vector.extract_strided_slice %dot_general3A_381 {offsets = [0, 0], sizes = [32, 768], strides = [1, 1]} : vector<40x768xf32> to vector<32x768xf32>
    %div3A_383 = vector.broadcast %max3A_371 : vector<32x1xf32> to vector<32x768xf32>
    %div3A_384 = arith.divf %slice3A_382, %div3A_383 : vector<32x768xf32>
    %swap3A_385 = arith.constant 2 : index
    %swap3A_386 = arith.constant 0 : index
    %swap3A_387 = arith.constant 0 : index
    %swap3A_388 = vector.load %arg3[%swap3A_385, %swap3A_386, %swap3A_387] : memref<8x32x768xf32, #tpu.memory_space<vmem>>, vector<1x32x768xf32>
    %swap3A_389 = vector.shape_cast %swap3A_388 : vector<1x32x768xf32> to vector<32x768xf32>
    %swap3A_390 = vector.shape_cast %div3A_384 : vector<32x768xf32> to vector<1x32x768xf32>
    tpu.vector_store %arg3[%swap3A_385, %swap3A_386, %swap3A_387], %swap3A_390 {strides = array<i32>} : memref<8x32x768xf32, #tpu.memory_space<vmem>>, vector<1x32x768xf32>,
    %slice3A_391 = vector.extract_strided_slice %dot_general3A_381 {offsets = [32, 0], sizes = [8, 768], strides = [1, 1]} : vector<40x768xf32> to vector<8x768xf32>
    %mul3A_392 = arith.constant 0.00510204071 : f32
    %mul3A_393 = vector.broadcast %mul3A_392 : f32 to vector<8x768xf32>
    %mul3A_394 = arith.mulf %slice3A_391, %mul3A_393 : vector<8x768xf32>
    %swap3A_395 = arith.constant 2 : index
    %swap3A_396 = arith.constant 0 : index
    %swap3A_397 = arith.constant 0 : index
    %swap3A_398 = vector.load %arg4[%swap3A_395, %swap3A_396, %swap3A_397] : memref<8x8x768xf32, #tpu.memory_space<vmem>>, vector<1x8x768xf32>
    %swap3A_399 = vector.shape_cast %swap3A_398 : vector<1x8x768xf32> to vector<8x768xf32>
    %swap3A_400 = vector.shape_cast %mul3A_394 : vector<8x768xf32> to vector<1x8x768xf32>
    tpu.vector_store %arg4[%swap3A_395, %swap3A_396, %swap3A_397], %swap3A_400 {strides = array<i32>} : memref<8x8x768xf32, #tpu.memory_space<vmem>>, vector<1x8x768xf32>,
    %get3A_401 = arith.constant 3 : index
    %get3A_402 = arith.constant 0 : index
    %get3A_403 = arith.constant 0 : index
    %get3A_404 = vector.load %arg1[%get3A_401, %get3A_402, %get3A_403] : memref<8x768x196xbf16, #tpu.memory_space<vmem>>, vector<1x768x196xbf16>
    %get3A_405 = vector.shape_cast %get3A_404 : vector<1x768x196xbf16> to vector<768x196xbf16>
    %get3A_406 = arith.constant 3 : index
    %get3A_407 = arith.constant 0 : index
    %get3A_408 = arith.constant 0 : index
    %get3A_409 = vector.load %arg2[%get3A_406, %get3A_407, %get3A_408] : memref<8x32x4xf32, #tpu.memory_space<vmem>>, vector<1x32x4xf32>
    %get3A_410 = vector.shape_cast %get3A_409 : vector<1x32x4xf32> to vector<32x4xf32>
    %slice3A_411 = vector.extract_strided_slice %get3A_410 {offsets = [0, 0], sizes = [32, 1], strides = [1, 1]} : vector<32x4xf32> to vector<32x1xf32>
    %slice3A_412 = vector.extract_strided_slice %get3A_410 {offsets = [0, 2], sizes = [32, 1], strides = [1, 1]} : vector<32x4xf32> to vector<32x1xf32>
    %min3A_413 = arith.minimumf %slice3A_411, %slice3A_412 : vector<32x1xf32>
    %slice3A_414 = vector.extract_strided_slice %get3A_410 {offsets = [0, 0], sizes = [32, 1], strides = [1, 1]} : vector<32x4xf32> to vector<32x1xf32>
    %slice3A_415 = vector.extract_strided_slice %get3A_410 {offsets = [0, 2], sizes = [32, 1], strides = [1, 1]} : vector<32x4xf32> to vector<32x1xf32>
    %max3A_416 = arith.maximumf %slice3A_414, %slice3A_415 : vector<32x1xf32>
    %slice3A_417 = vector.extract_strided_slice %get3A_410 {offsets = [0, 1], sizes = [32, 1], strides = [1, 1]} : vector<32x4xf32> to vector<32x1xf32>
    %slice3A_418 = vector.extract_strided_slice %get3A_410 {offsets = [0, 3], sizes = [32, 1], strides = [1, 1]} : vector<32x4xf32> to vector<32x1xf32>
    %min3A_419 = arith.minimumf %slice3A_417, %slice3A_418 : vector<32x1xf32>
    %slice3A_420 = vector.extract_strided_slice %get3A_410 {offsets = [0, 1], sizes = [32, 1], strides = [1, 1]} : vector<32x4xf32> to vector<32x1xf32>
    %slice3A_421 = vector.extract_strided_slice %get3A_410 {offsets = [0, 3], sizes = [32, 1], strides = [1, 1]} : vector<32x4xf32> to vector<32x1xf32>
    %max3A_422 = arith.maximumf %slice3A_420, %slice3A_421 : vector<32x1xf32>
    %iota3A_423 = tpu.iota {dimensions = array<i32: 1>} : vector<1x196xi32>
    %jit3A_424 = arith.constant 14 : i32
    %eq3A_425 = arith.constant 0 : i32
    %eq3A_426 = arith.cmpi eq, %jit3A_424, %eq3A_425 : i32
    %jit3A_427 = arith.constant 1 : i32
    %select_n3A_428 = arith.select %eq3A_426, %jit3A_427, %jit3A_424 : i32
    %rem3A_429 = vector.broadcast %select_n3A_428 : i32 to vector<1x196xi32>
    %rem3A_430 = arith.remsi %iota3A_423, %rem3A_429 : vector<1x196xi32>
    %ne3A_431 = arith.constant 0 : i32
    %ne3A_432 = vector.broadcast %ne3A_431 : i32 to vector<1x196xi32>
    %ne3A_433 = arith.cmpi ne, %rem3A_430, %ne3A_432 : vector<1x196xi32>
    %lt3A_434 = arith.constant 0 : i32
    %lt3A_435 = vector.broadcast %lt3A_434 : i32 to vector<1x196xi32>
    %lt3A_436 = arith.cmpi slt, %rem3A_430, %lt3A_435 : vector<1x196xi32>
    %lt3A_437 = arith.constant 0 : i32
    %lt3A_438 = arith.cmpi slt, %select_n3A_428, %lt3A_437 : i32
    %ne3A_439 = vector.broadcast %lt3A_438 : i1 to vector<1x196xi1>
    %ne3A_440 = vector.broadcast %ne3A_439 : vector<1x196xi1> to vector<1x196xi1>
    %ne3A_441 = arith.xori %lt3A_436, %ne3A_440 : vector<1x196xi1>
    %and3A_442 = arith.andi %ne3A_441, %ne3A_433 : vector<1x196xi1>
    %add3A_443 = vector.broadcast %select_n3A_428 : i32 to vector<1x196xi32>
    %add3A_444 = arith.addi %rem3A_430, %add3A_443 : vector<1x196xi32>
    %select_n3A_445 = arith.select %and3A_442, %add3A_444, %rem3A_430 : vector<1x196xi1>, vector<1x196xi32>
    %convert_element_type3A_446 = arith.sitofp %select_n3A_445 : vector<1x196xi32> to vector<1x196xf32>
    %add3A_447 = arith.constant 5.000000e-01 : f32
    %add3A_448 = vector.broadcast %add3A_447 : f32 to vector<1x196xf32>
    %add3A_449 = arith.addf %convert_element_type3A_446, %add3A_448 : vector<1x196xf32>
    %div3A_450 = arith.constant 1.400000e+01 : f32
    %div3A_451 = vector.broadcast %div3A_450 : f32 to vector<1x196xf32>
    %div3A_452 = arith.divf %add3A_449, %div3A_451 : vector<1x196xf32>
    %jit3A_453 = arith.constant 14 : i32
    %div3A_454 = vector.broadcast %jit3A_453 : i32 to vector<1x196xi32>
    %div3A_455 = arith.divsi %iota3A_423, %div3A_454 : vector<1x196xi32>
    %sign3A_456 = arith.constant 0 : i32
    %sign3A_457 = vector.broadcast %sign3A_456 : i32 to vector<1x196xi32>
    %sign3A_458 = arith.cmpi sgt, %iota3A_423, %sign3A_457 : vector<1x196xi32>
    %sign3A_459 = arith.extui %sign3A_458 : vector<1x196xi1> to vector<1x196xi32>
    %sign3A_460 = arith.constant 0 : i32
    %sign3A_461 = vector.broadcast %sign3A_460 : i32 to vector<1x196xi32>
    %sign3A_462 = arith.cmpi slt, %iota3A_423, %sign3A_461 : vector<1x196xi32>
    %sign3A_463 = arith.extui %sign3A_462 : vector<1x196xi1> to vector<1x196xi32>
    %sign3A_464 = arith.subi %sign3A_459, %sign3A_463 : vector<1x196xi32>
    %sign3A_465 = arith.constant 0 : i32
    %sign3A_466 = arith.cmpi sgt, %jit3A_453, %sign3A_465 : i32
    %sign3A_467 = arith.extui %sign3A_466 : i1 to i32
    %sign3A_468 = arith.constant 0 : i32
    %sign3A_469 = arith.cmpi slt, %jit3A_453, %sign3A_468 : i32
    %sign3A_470 = arith.extui %sign3A_469 : i1 to i32
    %sign3A_471 = arith.subi %sign3A_467, %sign3A_470 : i32
    %ne3A_472 = vector.broadcast %sign3A_471 : i32 to vector<1x196xi32>
    %ne3A_473 = arith.cmpi ne, %sign3A_464, %ne3A_472 : vector<1x196xi32>
    %rem3A_474 = vector.broadcast %jit3A_453 : i32 to vector<1x196xi32>
    %rem3A_475 = arith.remsi %iota3A_423, %rem3A_474 : vector<1x196xi32>
    %ne3A_476 = arith.constant 0 : i32
    %ne3A_477 = vector.broadcast %ne3A_476 : i32 to vector<1x196xi32>
    %ne3A_478 = arith.cmpi ne, %rem3A_475, %ne3A_477 : vector<1x196xi32>
    %and3A_479 = arith.andi %ne3A_473, %ne3A_478 : vector<1x196xi1>
    %sub3A_480 = arith.constant 1 : i32
    %sub3A_481 = vector.broadcast %sub3A_480 : i32 to vector<1x196xi32>
    %sub3A_482 = arith.subi %div3A_455, %sub3A_481 : vector<1x196xi32>
    %select_n3A_483 = arith.select %and3A_479, %sub3A_482, %div3A_455 : vector<1x196xi1>, vector<1x196xi32>
    %convert_element_type3A_484 = arith.sitofp %select_n3A_483 : vector<1x196xi32> to vector<1x196xf32>
    %add3A_485 = arith.constant 5.000000e-01 : f32
    %add3A_486 = vector.broadcast %add3A_485 : f32 to vector<1x196xf32>
    %add3A_487 = arith.addf %convert_element_type3A_484, %add3A_486 : vector<1x196xf32>
    %div3A_488 = arith.constant 1.400000e+01 : f32
    %div3A_489 = vector.broadcast %div3A_488 : f32 to vector<1x196xf32>
    %div3A_490 = arith.divf %add3A_487, %div3A_489 : vector<1x196xf32>
    %ge3A_491 = vector.broadcast %div3A_452 : vector<1x196xf32> to vector<32x196xf32>
    %ge3A_492 = vector.broadcast %min3A_413 : vector<32x1xf32> to vector<32x196xf32>
    %ge3A_493 = arith.cmpf oge, %ge3A_491, %ge3A_492 : vector<32x196xf32>
    %le3A_494 = vector.broadcast %div3A_452 : vector<1x196xf32> to vector<32x196xf32>
    %le3A_495 = vector.broadcast %max3A_416 : vector<32x1xf32> to vector<32x196xf32>
    %le3A_496 = arith.cmpf ole, %le3A_494, %le3A_495 : vector<32x196xf32>
    %and3A_497 = arith.andi %ge3A_493, %le3A_496 : vector<32x196xi1>
    %ge3A_498 = vector.broadcast %div3A_490 : vector<1x196xf32> to vector<32x196xf32>
    %ge3A_499 = vector.broadcast %min3A_419 : vector<32x1xf32> to vector<32x196xf32>
    %ge3A_500 = arith.cmpf oge, %ge3A_498, %ge3A_499 : vector<32x196xf32>
    %and3A_501 = arith.andi %and3A_497, %ge3A_500 : vector<32x196xi1>
    %le3A_502 = vector.broadcast %div3A_490 : vector<1x196xf32> to vector<32x196xf32>
    %le3A_503 = vector.broadcast %max3A_422 : vector<32x1xf32> to vector<32x196xf32>
    %le3A_504 = arith.cmpf ole, %le3A_502, %le3A_503 : vector<32x196xf32>
    %and3A_505 = arith.andi %and3A_501, %le3A_504 : vector<32x196xi1>
    %convert_element_type3A_506 = arith.extui %and3A_505 : vector<32x196xi1> to vector<32x196xi32>
    %convert_element_type3A_507 = arith.sitofp %convert_element_type3A_506 : vector<32x196xi32> to vector<32x196xf32>
    %reduce_sum3A_508 = arith.constant dense<0.000000e+00> : vector<32xf32>
    %reduce_sum3A_509 = vector.multi_reduction <add>, %convert_element_type3A_507, %reduce_sum3A_508 [1] : vector<32x196xf32> to vector<32xf32>
    %broadcast_in_dim3A_510 = vector.shape_cast %reduce_sum3A_509 : vector<32xf32> to vector<32x1xf32>
    %max3A_511 = arith.constant 1.000000e+00 : f32
    %max3A_512 = vector.broadcast %max3A_511 : f32 to vector<32x1xf32>
    %max3A_513 = arith.maximumf %broadcast_in_dim3A_510, %max3A_512 : vector<32x1xf32>
    %iota3A_514 = tpu.iota {dimensions = array<i32: 0>} : vector<8x196xi32>
    %eq3A_515 = arith.constant 0 : i32
    %eq3A_516 = vector.broadcast %eq3A_515 : i32 to vector<8x196xi32>
    %eq3A_517 = arith.cmpi eq, %iota3A_514, %eq3A_516 : vector<8x196xi32>
    %concatenate3A_518 = tpu.concatenate %and3A_505, %eq3A_517 in 0 : vector<32x196xi1>, vector<8x196xi1> -> vector<40x196xi1>
    %convert_element_type3A_519 = arith.extui %concatenate3A_518 : vector<40x196xi1> to vector<40x196xi32>
    %convert_element_type3A_520 = arith.sitofp %convert_element_type3A_519 : vector<40x196xi32> to vector<40x196xf32>
    %convert_element_type3A_521 = arith.truncf %convert_element_type3A_520 : vector<40x196xf32> to vector<40x196xbf16>
    %dot_general3A_522 = arith.constant dense<0.000000e+00> : vector<40x768xf32>
    %dot_general3A_523 = tpu.matmul %convert_element_type3A_521, %get3A_405, %dot_general3A_522 {dimension_numbers = #tpu.dot_dimension_numbers<[1], [1], [0], [0], [0, 0, 1, 0], [], []>, transpose_lhs_hint = false} : vector<40x196xbf16>, vector<768x196xbf16>, vector<40x768xf32> -> vector<40x768xf32>
    %slice3A_524 = vector.extract_strided_slice %dot_general3A_523 {offsets = [0, 0], sizes = [32, 768], strides = [1, 1]} : vector<40x768xf32> to vector<32x768xf32>
    %div3A_525 = vector.broadcast %max3A_513 : vector<32x1xf32> to vector<32x768xf32>
    %div3A_526 = arith.divf %slice3A_524, %div3A_525 : vector<32x768xf32>
    %swap3A_527 = arith.constant 3 : index
    %swap3A_528 = arith.constant 0 : index
    %swap3A_529 = arith.constant 0 : index
    %swap3A_530 = vector.load %arg3[%swap3A_527, %swap3A_528, %swap3A_529] : memref<8x32x768xf32, #tpu.memory_space<vmem>>, vector<1x32x768xf32>
    %swap3A_531 = vector.shape_cast %swap3A_530 : vector<1x32x768xf32> to vector<32x768xf32>
    %swap3A_532 = vector.shape_cast %div3A_526 : vector<32x768xf32> to vector<1x32x768xf32>
    tpu.vector_store %arg3[%swap3A_527, %swap3A_528, %swap3A_529], %swap3A_532 {strides = array<i32>} : memref<8x32x768xf32, #tpu.memory_space<vmem>>, vector<1x32x768xf32>,
    %slice3A_533 = vector.extract_strided_slice %dot_general3A_523 {offsets = [32, 0], sizes = [8, 768], strides = [1, 1]} : vector<40x768xf32> to vector<8x768xf32>
    %mul3A_534 = arith.constant 0.00510204071 : f32
    %mul3A_535 = vector.broadcast %mul3A_534 : f32 to vector<8x768xf32>
    %mul3A_536 = arith.mulf %slice3A_533, %mul3A_535 : vector<8x768xf32>
    %swap3A_537 = arith.constant 3 : index
    %swap3A_538 = arith.constant 0 : index
    %swap3A_539 = arith.constant 0 : index
    %swap3A_540 = vector.load %arg4[%swap3A_537, %swap3A_538, %swap3A_539] : memref<8x8x768xf32, #tpu.memory_space<vmem>>, vector<1x8x768xf32>
    %swap3A_541 = vector.shape_cast %swap3A_540 : vector<1x8x768xf32> to vector<8x768xf32>
    %swap3A_542 = vector.shape_cast %mul3A_536 : vector<8x768xf32> to vector<1x8x768xf32>
    tpu.vector_store %arg4[%swap3A_537, %swap3A_538, %swap3A_539], %swap3A_542 {strides = array<i32>} : memref<8x8x768xf32, #tpu.memory_space<vmem>>, vector<1x8x768xf32>,
    %get3A_543 = arith.constant 4 : index
    %get3A_544 = arith.constant 0 : index
    %get3A_545 = arith.constant 0 : index
    %get3A_546 = vector.load %arg1[%get3A_543, %get3A_544, %get3A_545] : memref<8x768x196xbf16, #tpu.memory_space<vmem>>, vector<1x768x196xbf16>
    %get3A_547 = vector.shape_cast %get3A_546 : vector<1x768x196xbf16> to vector<768x196xbf16>
    %get3A_548 = arith.constant 4 : index
    %get3A_549 = arith.constant 0 : index
    %get3A_550 = arith.constant 0 : index
    %get3A_551 = vector.load %arg2[%get3A_548, %get3A_549, %get3A_550] : memref<8x32x4xf32, #tpu.memory_space<vmem>>, vector<1x32x4xf32>
    %get3A_552 = vector.shape_cast %get3A_551 : vector<1x32x4xf32> to vector<32x4xf32>
    %slice3A_553 = vector.extract_strided_slice %get3A_552 {offsets = [0, 0], sizes = [32, 1], strides = [1, 1]} : vector<32x4xf32> to vector<32x1xf32>
    %slice3A_554 = vector.extract_strided_slice %get3A_552 {offsets = [0, 2], sizes = [32, 1], strides = [1, 1]} : vector<32x4xf32> to vector<32x1xf32>
    %min3A_555 = arith.minimumf %slice3A_553, %slice3A_554 : vector<32x1xf32>
    %slice3A_556 = vector.extract_strided_slice %get3A_552 {offsets = [0, 0], sizes = [32, 1], strides = [1, 1]} : vector<32x4xf32> to vector<32x1xf32>
    %slice3A_557 = vector.extract_strided_slice %get3A_552 {offsets = [0, 2], sizes = [32, 1], strides = [1, 1]} : vector<32x4xf32> to vector<32x1xf32>
    %max3A_558 = arith.maximumf %slice3A_556, %slice3A_557 : vector<32x1xf32>
    %slice3A_559 = vector.extract_strided_slice %get3A_552 {offsets = [0, 1], sizes = [32, 1], strides = [1, 1]} : vector<32x4xf32> to vector<32x1xf32>
    %slice3A_560 = vector.extract_strided_slice %get3A_552 {offsets = [0, 3], sizes = [32, 1], strides = [1, 1]} : vector<32x4xf32> to vector<32x1xf32>
    %min3A_561 = arith.minimumf %slice3A_559, %slice3A_560 : vector<32x1xf32>
    %slice3A_562 = vector.extract_strided_slice %get3A_552 {offsets = [0, 1], sizes = [32, 1], strides = [1, 1]} : vector<32x4xf32> to vector<32x1xf32>
    %slice3A_563 = vector.extract_strided_slice %get3A_552 {offsets = [0, 3], sizes = [32, 1], strides = [1, 1]} : vector<32x4xf32> to vector<32x1xf32>
    %max3A_564 = arith.maximumf %slice3A_562, %slice3A_563 : vector<32x1xf32>
    %iota3A_565 = tpu.iota {dimensions = array<i32: 1>} : vector<1x196xi32>
    %jit3A_566 = arith.constant 14 : i32
    %eq3A_567 = arith.constant 0 : i32
    %eq3A_568 = arith.cmpi eq, %jit3A_566, %eq3A_567 : i32
    %jit3A_569 = arith.constant 1 : i32
    %select_n3A_570 = arith.select %eq3A_568, %jit3A_569, %jit3A_566 : i32
    %rem3A_571 = vector.broadcast %select_n3A_570 : i32 to vector<1x196xi32>
    %rem3A_572 = arith.remsi %iota3A_565, %rem3A_571 : vector<1x196xi32>
    %ne3A_573 = arith.constant 0 : i32
    %ne3A_574 = vector.broadcast %ne3A_573 : i32 to vector<1x196xi32>
    %ne3A_575 = arith.cmpi ne, %rem3A_572, %ne3A_574 : vector<1x196xi32>
    %lt3A_576 = arith.constant 0 : i32
    %lt3A_577 = vector.broadcast %lt3A_576 : i32 to vector<1x196xi32>
    %lt3A_578 = arith.cmpi slt, %rem3A_572, %lt3A_577 : vector<1x196xi32>
    %lt3A_579 = arith.constant 0 : i32
    %lt3A_580 = arith.cmpi slt, %select_n3A_570, %lt3A_579 : i32
    %ne3A_581 = vector.broadcast %lt3A_580 : i1 to vector<1x196xi1>
    %ne3A_582 = vector.broadcast %ne3A_581 : vector<1x196xi1> to vector<1x196xi1>
    %ne3A_583 = arith.xori %lt3A_578, %ne3A_582 : vector<1x196xi1>
    %and3A_584 = arith.andi %ne3A_583, %ne3A_575 : vector<1x196xi1>
    %add3A_585 = vector.broadcast %select_n3A_570 : i32 to vector<1x196xi32>
    %add3A_586 = arith.addi %rem3A_572, %add3A_585 : vector<1x196xi32>
    %select_n3A_587 = arith.select %and3A_584, %add3A_586, %rem3A_572 : vector<1x196xi1>, vector<1x196xi32>
    %convert_element_type3A_588 = arith.sitofp %select_n3A_587 : vector<1x196xi32> to vector<1x196xf32>
    %add3A_589 = arith.constant 5.000000e-01 : f32
    %add3A_590 = vector.broadcast %add3A_589 : f32 to vector<1x196xf32>
    %add3A_591 = arith.addf %convert_element_type3A_588, %add3A_590 : vector<1x196xf32>
    %div3A_592 = arith.constant 1.400000e+01 : f32
    %div3A_593 = vector.broadcast %div3A_592 : f32 to vector<1x196xf32>
    %div3A_594 = arith.divf %add3A_591, %div3A_593 : vector<1x196xf32>
    %jit3A_595 = arith.constant 14 : i32
    %div3A_596 = vector.broadcast %jit3A_595 : i32 to vector<1x196xi32>
    %div3A_597 = arith.divsi %iota3A_565, %div3A_596 : vector<1x196xi32>
    %sign3A_598 = arith.constant 0 : i32
    %sign3A_599 = vector.broadcast %sign3A_598 : i32 to vector<1x196xi32>
    %sign3A_600 = arith.cmpi sgt, %iota3A_565, %sign3A_599 : vector<1x196xi32>
    %sign3A_601 = arith.extui %sign3A_600 : vector<1x196xi1> to vector<1x196xi32>
    %sign3A_602 = arith.constant 0 : i32
    %sign3A_603 = vector.broadcast %sign3A_602 : i32 to vector<1x196xi32>
    %sign3A_604 = arith.cmpi slt, %iota3A_565, %sign3A_603 : vector<1x196xi32>
    %sign3A_605 = arith.extui %sign3A_604 : vector<1x196xi1> to vector<1x196xi32>
    %sign3A_606 = arith.subi %sign3A_601, %sign3A_605 : vector<1x196xi32>
    %sign3A_607 = arith.constant 0 : i32
    %sign3A_608 = arith.cmpi sgt, %jit3A_595, %sign3A_607 : i32
    %sign3A_609 = arith.extui %sign3A_608 : i1 to i32
    %sign3A_610 = arith.constant 0 : i32
    %sign3A_611 = arith.cmpi slt, %jit3A_595, %sign3A_610 : i32
    %sign3A_612 = arith.extui %sign3A_611 : i1 to i32
    %sign3A_613 = arith.subi %sign3A_609, %sign3A_612 : i32
    %ne3A_614 = vector.broadcast %sign3A_613 : i32 to vector<1x196xi32>
    %ne3A_615 = arith.cmpi ne, %sign3A_606, %ne3A_614 : vector<1x196xi32>
    %rem3A_616 = vector.broadcast %jit3A_595 : i32 to vector<1x196xi32>
    %rem3A_617 = arith.remsi %iota3A_565, %rem3A_616 : vector<1x196xi32>
    %ne3A_618 = arith.constant 0 : i32
    %ne3A_619 = vector.broadcast %ne3A_618 : i32 to vector<1x196xi32>
    %ne3A_620 = arith.cmpi ne, %rem3A_617, %ne3A_619 : vector<1x196xi32>
    %and3A_621 = arith.andi %ne3A_615, %ne3A_620 : vector<1x196xi1>
    %sub3A_622 = arith.constant 1 : i32
    %sub3A_623 = vector.broadcast %sub3A_622 : i32 to vector<1x196xi32>
    %sub3A_624 = arith.subi %div3A_597, %sub3A_623 : vector<1x196xi32>
    %select_n3A_625 = arith.select %and3A_621, %sub3A_624, %div3A_597 : vector<1x196xi1>, vector<1x196xi32>
    %convert_element_type3A_626 = arith.sitofp %select_n3A_625 : vector<1x196xi32> to vector<1x196xf32>
    %add3A_627 = arith.constant 5.000000e-01 : f32
    %add3A_628 = vector.broadcast %add3A_627 : f32 to vector<1x196xf32>
    %add3A_629 = arith.addf %convert_element_type3A_626, %add3A_628 : vector<1x196xf32>
    %div3A_630 = arith.constant 1.400000e+01 : f32
    %div3A_631 = vector.broadcast %div3A_630 : f32 to vector<1x196xf32>
    %div3A_632 = arith.divf %add3A_629, %div3A_631 : vector<1x196xf32>
    %ge3A_633 = vector.broadcast %div3A_594 : vector<1x196xf32> to vector<32x196xf32>
    %ge3A_634 = vector.broadcast %min3A_555 : vector<32x1xf32> to vector<32x196xf32>
    %ge3A_635 = arith.cmpf oge, %ge3A_633, %ge3A_634 : vector<32x196xf32>
    %le3A_636 = vector.broadcast %div3A_594 : vector<1x196xf32> to vector<32x196xf32>
    %le3A_637 = vector.broadcast %max3A_558 : vector<32x1xf32> to vector<32x196xf32>
    %le3A_638 = arith.cmpf ole, %le3A_636, %le3A_637 : vector<32x196xf32>
    %and3A_639 = arith.andi %ge3A_635, %le3A_638 : vector<32x196xi1>
    %ge3A_640 = vector.broadcast %div3A_632 : vector<1x196xf32> to vector<32x196xf32>
    %ge3A_641 = vector.broadcast %min3A_561 : vector<32x1xf32> to vector<32x196xf32>
    %ge3A_642 = arith.cmpf oge, %ge3A_640, %ge3A_641 : vector<32x196xf32>
    %and3A_643 = arith.andi %and3A_639, %ge3A_642 : vector<32x196xi1>
    %le3A_644 = vector.broadcast %div3A_632 : vector<1x196xf32> to vector<32x196xf32>
    %le3A_645 = vector.broadcast %max3A_564 : vector<32x1xf32> to vector<32x196xf32>
    %le3A_646 = arith.cmpf ole, %le3A_644, %le3A_645 : vector<32x196xf32>
    %and3A_647 = arith.andi %and3A_643, %le3A_646 : vector<32x196xi1>
    %convert_element_type3A_648 = arith.extui %and3A_647 : vector<32x196xi1> to vector<32x196xi32>
    %convert_element_type3A_649 = arith.sitofp %convert_element_type3A_648 : vector<32x196xi32> to vector<32x196xf32>
    %reduce_sum3A_650 = arith.constant dense<0.000000e+00> : vector<32xf32>
    %reduce_sum3A_651 = vector.multi_reduction <add>, %convert_element_type3A_649, %reduce_sum3A_650 [1] : vector<32x196xf32> to vector<32xf32>
    %broadcast_in_dim3A_652 = vector.shape_cast %reduce_sum3A_651 : vector<32xf32> to vector<32x1xf32>
    %max3A_653 = arith.constant 1.000000e+00 : f32
    %max3A_654 = vector.broadcast %max3A_653 : f32 to vector<32x1xf32>
    %max3A_655 = arith.maximumf %broadcast_in_dim3A_652, %max3A_654 : vector<32x1xf32>
    %iota3A_656 = tpu.iota {dimensions = array<i32: 0>} : vector<8x196xi32>
    %eq3A_657 = arith.constant 0 : i32
    %eq3A_658 = vector.broadcast %eq3A_657 : i32 to vector<8x196xi32>
    %eq3A_659 = arith.cmpi eq, %iota3A_656, %eq3A_658 : vector<8x196xi32>
    %concatenate3A_660 = tpu.concatenate %and3A_647, %eq3A_659 in 0 : vector<32x196xi1>, vector<8x196xi1> -> vector<40x196xi1>
    %convert_element_type3A_661 = arith.extui %concatenate3A_660 : vector<40x196xi1> to vector<40x196xi32>
    %convert_element_type3A_662 = arith.sitofp %convert_element_type3A_661 : vector<40x196xi32> to vector<40x196xf32>
    %convert_element_type3A_663 = arith.truncf %convert_element_type3A_662 : vector<40x196xf32> to vector<40x196xbf16>
    %dot_general3A_664 = arith.constant dense<0.000000e+00> : vector<40x768xf32>
    %dot_general3A_665 = tpu.matmul %convert_element_type3A_663, %get3A_547, %dot_general3A_664 {dimension_numbers = #tpu.dot_dimension_numbers<[1], [1], [0], [0], [0, 0, 1, 0], [], []>, transpose_lhs_hint = false} : vector<40x196xbf16>, vector<768x196xbf16>, vector<40x768xf32> -> vector<40x768xf32>
    %slice3A_666 = vector.extract_strided_slice %dot_general3A_665 {offsets = [0, 0], sizes = [32, 768], strides = [1, 1]} : vector<40x768xf32> to vector<32x768xf32>
    %div3A_667 = vector.broadcast %max3A_655 : vector<32x1xf32> to vector<32x768xf32>
    %div3A_668 = arith.divf %slice3A_666, %div3A_667 : vector<32x768xf32>
    %swap3A_669 = arith.constant 4 : index
    %swap3A_670 = arith.constant 0 : index
    %swap3A_671 = arith.constant 0 : index
    %swap3A_672 = vector.load %arg3[%swap3A_669, %swap3A_670, %swap3A_671] : memref<8x32x768xf32, #tpu.memory_space<vmem>>, vector<1x32x768xf32>
    %swap3A_673 = vector.shape_cast %swap3A_672 : vector<1x32x768xf32> to vector<32x768xf32>
    %swap3A_674 = vector.shape_cast %div3A_668 : vector<32x768xf32> to vector<1x32x768xf32>
    tpu.vector_store %arg3[%swap3A_669, %swap3A_670, %swap3A_671], %swap3A_674 {strides = array<i32>} : memref<8x32x768xf32, #tpu.memory_space<vmem>>, vector<1x32x768xf32>,
    %slice3A_675 = vector.extract_strided_slice %dot_general3A_665 {offsets = [32, 0], sizes = [8, 768], strides = [1, 1]} : vector<40x768xf32> to vector<8x768xf32>
    %mul3A_676 = arith.constant 0.00510204071 : f32
    %mul3A_677 = vector.broadcast %mul3A_676 : f32 to vector<8x768xf32>
    %mul3A_678 = arith.mulf %slice3A_675, %mul3A_677 : vector<8x768xf32>
    %swap3A_679 = arith.constant 4 : index
    %swap3A_680 = arith.constant 0 : index
    %swap3A_681 = arith.constant 0 : index
    %swap3A_682 = vector.load %arg4[%swap3A_679, %swap3A_680, %swap3A_681] : memref<8x8x768xf32, #tpu.memory_space<vmem>>, vector<1x8x768xf32>
    %swap3A_683 = vector.shape_cast %swap3A_682 : vector<1x8x768xf32> to vector<8x768xf32>
    %swap3A_684 = vector.shape_cast %mul3A_678 : vector<8x768xf32> to vector<1x8x768xf32>
    tpu.vector_store %arg4[%swap3A_679, %swap3A_680, %swap3A_681], %swap3A_684 {strides = array<i32>} : memref<8x8x768xf32, #tpu.memory_space<vmem>>, vector<1x8x768xf32>,
    %get3A_685 = arith.constant 5 : index
    %get3A_686 = arith.constant 0 : index
    %get3A_687 = arith.constant 0 : index
    %get3A_688 = vector.load %arg1[%get3A_685, %get3A_686, %get3A_687] : memref<8x768x196xbf16, #tpu.memory_space<vmem>>, vector<1x768x196xbf16>
    %get3A_689 = vector.shape_cast %get3A_688 : vector<1x768x196xbf16> to vector<768x196xbf16>
    %get3A_690 = arith.constant 5 : index
    %get3A_691 = arith.constant 0 : index
    %get3A_692 = arith.constant 0 : index
    %get3A_693 = vector.load %arg2[%get3A_690, %get3A_691, %get3A_692] : memref<8x32x4xf32, #tpu.memory_space<vmem>>, vector<1x32x4xf32>
    %get3A_694 = vector.shape_cast %get3A_693 : vector<1x32x4xf32> to vector<32x4xf32>
    %slice3A_695 = vector.extract_strided_slice %get3A_694 {offsets = [0, 0], sizes = [32, 1], strides = [1, 1]} : vector<32x4xf32> to vector<32x1xf32>
    %slice3A_696 = vector.extract_strided_slice %get3A_694 {offsets = [0, 2], sizes = [32, 1], strides = [1, 1]} : vector<32x4xf32> to vector<32x1xf32>
    %min3A_697 = arith.minimumf %slice3A_695, %slice3A_696 : vector<32x1xf32>
    %slice3A_698 = vector.extract_strided_slice %get3A_694 {offsets = [0, 0], sizes = [32, 1], strides = [1, 1]} : vector<32x4xf32> to vector<32x1xf32>
    %slice3A_699 = vector.extract_strided_slice %get3A_694 {offsets = [0, 2], sizes = [32, 1], strides = [1, 1]} : vector<32x4xf32> to vector<32x1xf32>
    %max3A_700 = arith.maximumf %slice3A_698, %slice3A_699 : vector<32x1xf32>
    %slice3A_701 = vector.extract_strided_slice %get3A_694 {offsets = [0, 1], sizes = [32, 1], strides = [1, 1]} : vector<32x4xf32> to vector<32x1xf32>
    %slice3A_702 = vector.extract_strided_slice %get3A_694 {offsets = [0, 3], sizes = [32, 1], strides = [1, 1]} : vector<32x4xf32> to vector<32x1xf32>
    %min3A_703 = arith.minimumf %slice3A_701, %slice3A_702 : vector<32x1xf32>
    %slice3A_704 = vector.extract_strided_slice %get3A_694 {offsets = [0, 1], sizes = [32, 1], strides = [1, 1]} : vector<32x4xf32> to vector<32x1xf32>
    %slice3A_705 = vector.extract_strided_slice %get3A_694 {offsets = [0, 3], sizes = [32, 1], strides = [1, 1]} : vector<32x4xf32> to vector<32x1xf32>
    %max3A_706 = arith.maximumf %slice3A_704, %slice3A_705 : vector<32x1xf32>
    %iota3A_707 = tpu.iota {dimensions = array<i32: 1>} : vector<1x196xi32>
    %jit3A_708 = arith.constant 14 : i32
    %eq3A_709 = arith.constant 0 : i32
    %eq3A_710 = arith.cmpi eq, %jit3A_708, %eq3A_709 : i32
    %jit3A_711 = arith.constant 1 : i32
    %select_n3A_712 = arith.select %eq3A_710, %jit3A_711, %jit3A_708 : i32
    %rem3A_713 = vector.broadcast %select_n3A_712 : i32 to vector<1x196xi32>
    %rem3A_714 = arith.remsi %iota3A_707, %rem3A_713 : vector<1x196xi32>
    %ne3A_715 = arith.constant 0 : i32
    %ne3A_716 = vector.broadcast %ne3A_715 : i32 to vector<1x196xi32>
    %ne3A_717 = arith.cmpi ne, %rem3A_714, %ne3A_716 : vector<1x196xi32>
    %lt3A_718 = arith.constant 0 : i32
    %lt3A_719 = vector.broadcast %lt3A_718 : i32 to vector<1x196xi32>
    %lt3A_720 = arith.cmpi slt, %rem3A_714, %lt3A_719 : vector<1x196xi32>
    %lt3A_721 = arith.constant 0 : i32
    %lt3A_722 = arith.cmpi slt, %select_n3A_712, %lt3A_721 : i32
    %ne3A_723 = vector.broadcast %lt3A_722 : i1 to vector<1x196xi1>
    %ne3A_724 = vector.broadcast %ne3A_723 : vector<1x196xi1> to vector<1x196xi1>
    %ne3A_725 = arith.xori %lt3A_720, %ne3A_724 : vector<1x196xi1>
    %and3A_726 = arith.andi %ne3A_725, %ne3A_717 : vector<1x196xi1>
    %add3A_727 = vector.broadcast %select_n3A_712 : i32 to vector<1x196xi32>
    %add3A_728 = arith.addi %rem3A_714, %add3A_727 : vector<1x196xi32>
    %select_n3A_729 = arith.select %and3A_726, %add3A_728, %rem3A_714 : vector<1x196xi1>, vector<1x196xi32>
    %convert_element_type3A_730 = arith.sitofp %select_n3A_729 : vector<1x196xi32> to vector<1x196xf32>
    %add3A_731 = arith.constant 5.000000e-01 : f32
    %add3A_732 = vector.broadcast %add3A_731 : f32 to vector<1x196xf32>
    %add3A_733 = arith.addf %convert_element_type3A_730, %add3A_732 : vector<1x196xf32>
    %div3A_734 = arith.constant 1.400000e+01 : f32
    %div3A_735 = vector.broadcast %div3A_734 : f32 to vector<1x196xf32>
    %div3A_736 = arith.divf %add3A_733, %div3A_735 : vector<1x196xf32>
    %jit3A_737 = arith.constant 14 : i32
    %div3A_738 = vector.broadcast %jit3A_737 : i32 to vector<1x196xi32>
    %div3A_739 = arith.divsi %iota3A_707, %div3A_738 : vector<1x196xi32>
    %sign3A_740 = arith.constant 0 : i32
    %sign3A_741 = vector.broadcast %sign3A_740 : i32 to vector<1x196xi32>
    %sign3A_742 = arith.cmpi sgt, %iota3A_707, %sign3A_741 : vector<1x196xi32>
    %sign3A_743 = arith.extui %sign3A_742 : vector<1x196xi1> to vector<1x196xi32>
    %sign3A_744 = arith.constant 0 : i32
    %sign3A_745 = vector.broadcast %sign3A_744 : i32 to vector<1x196xi32>
    %sign3A_746 = arith.cmpi slt, %iota3A_707, %sign3A_745 : vector<1x196xi32>
    %sign3A_747 = arith.extui %sign3A_746 : vector<1x196xi1> to vector<1x196xi32>
    %sign3A_748 = arith.subi %sign3A_743, %sign3A_747 : vector<1x196xi32>
    %sign3A_749 = arith.constant 0 : i32
    %sign3A_750 = arith.cmpi sgt, %jit3A_737, %sign3A_749 : i32
    %sign3A_751 = arith.extui %sign3A_750 : i1 to i32
    %sign3A_752 = arith.constant 0 : i32
    %sign3A_753 = arith.cmpi slt, %jit3A_737, %sign3A_752 : i32
    %sign3A_754 = arith.extui %sign3A_753 : i1 to i32
    %sign3A_755 = arith.subi %sign3A_751, %sign3A_754 : i32
    %ne3A_756 = vector.broadcast %sign3A_755 : i32 to vector<1x196xi32>
    %ne3A_757 = arith.cmpi ne, %sign3A_748, %ne3A_756 : vector<1x196xi32>
    %rem3A_758 = vector.broadcast %jit3A_737 : i32 to vector<1x196xi32>
    %rem3A_759 = arith.remsi %iota3A_707, %rem3A_758 : vector<1x196xi32>
    %ne3A_760 = arith.constant 0 : i32
    %ne3A_761 = vector.broadcast %ne3A_760 : i32 to vector<1x196xi32>
    %ne3A_762 = arith.cmpi ne, %rem3A_759, %ne3A_761 : vector<1x196xi32>
    %and3A_763 = arith.andi %ne3A_757, %ne3A_762 : vector<1x196xi1>
    %sub3A_764 = arith.constant 1 : i32
    %sub3A_765 = vector.broadcast %sub3A_764 : i32 to vector<1x196xi32>
    %sub3A_766 = arith.subi %div3A_739, %sub3A_765 : vector<1x196xi32>
    %select_n3A_767 = arith.select %and3A_763, %sub3A_766, %div3A_739 : vector<1x196xi1>, vector<1x196xi32>
    %convert_element_type3A_768 = arith.sitofp %select_n3A_767 : vector<1x196xi32> to vector<1x196xf32>
    %add3A_769 = arith.constant 5.000000e-01 : f32
    %add3A_770 = vector.broadcast %add3A_769 : f32 to vector<1x196xf32>
    %add3A_771 = arith.addf %convert_element_type3A_768, %add3A_770 : vector<1x196xf32>
    %div3A_772 = arith.constant 1.400000e+01 : f32
    %div3A_773 = vector.broadcast %div3A_772 : f32 to vector<1x196xf32>
    %div3A_774 = arith.divf %add3A_771, %div3A_773 : vector<1x196xf32>
    %ge3A_775 = vector.broadcast %div3A_736 : vector<1x196xf32> to vector<32x196xf32>
    %ge3A_776 = vector.broadcast %min3A_697 : vector<32x1xf32> to vector<32x196xf32>
    %ge3A_777 = arith.cmpf oge, %ge3A_775, %ge3A_776 : vector<32x196xf32>
    %le3A_778 = vector.broadcast %div3A_736 : vector<1x196xf32> to vector<32x196xf32>
    %le3A_779 = vector.broadcast %max3A_700 : vector<32x1xf32> to vector<32x196xf32>
    %le3A_780 = arith.cmpf ole, %le3A_778, %le3A_779 : vector<32x196xf32>
    %and3A_781 = arith.andi %ge3A_777, %le3A_780 : vector<32x196xi1>
    %ge3A_782 = vector.broadcast %div3A_774 : vector<1x196xf32> to vector<32x196xf32>
    %ge3A_783 = vector.broadcast %min3A_703 : vector<32x1xf32> to vector<32x196xf32>
    %ge3A_784 = arith.cmpf oge, %ge3A_782, %ge3A_783 : vector<32x196xf32>
    %and3A_785 = arith.andi %and3A_781, %ge3A_784 : vector<32x196xi1>
    %le3A_786 = vector.broadcast %div3A_774 : vector<1x196xf32> to vector<32x196xf32>
    %le3A_787 = vector.broadcast %max3A_706 : vector<32x1xf32> to vector<32x196xf32>
    %le3A_788 = arith.cmpf ole, %le3A_786, %le3A_787 : vector<32x196xf32>
    %and3A_789 = arith.andi %and3A_785, %le3A_788 : vector<32x196xi1>
    %convert_element_type3A_790 = arith.extui %and3A_789 : vector<32x196xi1> to vector<32x196xi32>
    %convert_element_type3A_791 = arith.sitofp %convert_element_type3A_790 : vector<32x196xi32> to vector<32x196xf32>
    %reduce_sum3A_792 = arith.constant dense<0.000000e+00> : vector<32xf32>
    %reduce_sum3A_793 = vector.multi_reduction <add>, %convert_element_type3A_791, %reduce_sum3A_792 [1] : vector<32x196xf32> to vector<32xf32>
    %broadcast_in_dim3A_794 = vector.shape_cast %reduce_sum3A_793 : vector<32xf32> to vector<32x1xf32>
    %max3A_795 = arith.constant 1.000000e+00 : f32
    %max3A_796 = vector.broadcast %max3A_795 : f32 to vector<32x1xf32>
    %max3A_797 = arith.maximumf %broadcast_in_dim3A_794, %max3A_796 : vector<32x1xf32>
    %iota3A_798 = tpu.iota {dimensions = array<i32: 0>} : vector<8x196xi32>
    %eq3A_799 = arith.constant 0 : i32
    %eq3A_800 = vector.broadcast %eq3A_799 : i32 to vector<8x196xi32>
    %eq3A_801 = arith.cmpi eq, %iota3A_798, %eq3A_800 : vector<8x196xi32>
    %concatenate3A_802 = tpu.concatenate %and3A_789, %eq3A_801 in 0 : vector<32x196xi1>, vector<8x196xi1> -> vector<40x196xi1>
    %convert_element_type3A_803 = arith.extui %concatenate3A_802 : vector<40x196xi1> to vector<40x196xi32>
    %convert_element_type3A_804 = arith.sitofp %convert_element_type3A_803 : vector<40x196xi32> to vector<40x196xf32>
    %convert_element_type3A_805 = arith.truncf %convert_element_type3A_804 : vector<40x196xf32> to vector<40x196xbf16>
    %dot_general3A_806 = arith.constant dense<0.000000e+00> : vector<40x768xf32>
    %dot_general3A_807 = tpu.matmul %convert_element_type3A_805, %get3A_689, %dot_general3A_806 {dimension_numbers = #tpu.dot_dimension_numbers<[1], [1], [0], [0], [0, 0, 1, 0], [], []>, transpose_lhs_hint = false} : vector<40x196xbf16>, vector<768x196xbf16>, vector<40x768xf32> -> vector<40x768xf32>
    %slice3A_808 = vector.extract_strided_slice %dot_general3A_807 {offsets = [0, 0], sizes = [32, 768], strides = [1, 1]} : vector<40x768xf32> to vector<32x768xf32>
    %div3A_809 = vector.broadcast %max3A_797 : vector<32x1xf32> to vector<32x768xf32>
    %div3A_810 = arith.divf %slice3A_808, %div3A_809 : vector<32x768xf32>
    %swap3A_811 = arith.constant 5 : index
    %swap3A_812 = arith.constant 0 : index
    %swap3A_813 = arith.constant 0 : index
    %swap3A_814 = vector.load %arg3[%swap3A_811, %swap3A_812, %swap3A_813] : memref<8x32x768xf32, #tpu.memory_space<vmem>>, vector<1x32x768xf32>
    %swap3A_815 = vector.shape_cast %swap3A_814 : vector<1x32x768xf32> to vector<32x768xf32>
    %swap3A_816 = vector.shape_cast %div3A_810 : vector<32x768xf32> to vector<1x32x768xf32>
    tpu.vector_store %arg3[%swap3A_811, %swap3A_812, %swap3A_813], %swap3A_816 {strides = array<i32>} : memref<8x32x768xf32, #tpu.memory_space<vmem>>, vector<1x32x768xf32>,
    %slice3A_817 = vector.extract_strided_slice %dot_general3A_807 {offsets = [32, 0], sizes = [8, 768], strides = [1, 1]} : vector<40x768xf32> to vector<8x768xf32>
    %mul3A_818 = arith.constant 0.00510204071 : f32
    %mul3A_819 = vector.broadcast %mul3A_818 : f32 to vector<8x768xf32>
    %mul3A_820 = arith.mulf %slice3A_817, %mul3A_819 : vector<8x768xf32>
    %swap3A_821 = arith.constant 5 : index
    %swap3A_822 = arith.constant 0 : index
    %swap3A_823 = arith.constant 0 : index
    %swap3A_824 = vector.load %arg4[%swap3A_821, %swap3A_822, %swap3A_823] : memref<8x8x768xf32, #tpu.memory_space<vmem>>, vector<1x8x768xf32>
    %swap3A_825 = vector.shape_cast %swap3A_824 : vector<1x8x768xf32> to vector<8x768xf32>
    %swap3A_826 = vector.shape_cast %mul3A_820 : vector<8x768xf32> to vector<1x8x768xf32>
    tpu.vector_store %arg4[%swap3A_821, %swap3A_822, %swap3A_823], %swap3A_826 {strides = array<i32>} : memref<8x8x768xf32, #tpu.memory_space<vmem>>, vector<1x8x768xf32>,
    %get3A_827 = arith.constant 6 : index
    %get3A_828 = arith.constant 0 : index
    %get3A_829 = arith.constant 0 : index
    %get3A_830 = vector.load %arg1[%get3A_827, %get3A_828, %get3A_829] : memref<8x768x196xbf16, #tpu.memory_space<vmem>>, vector<1x768x196xbf16>
    %get3A_831 = vector.shape_cast %get3A_830 : vector<1x768x196xbf16> to vector<768x196xbf16>
    %get3A_832 = arith.constant 6 : index
    %get3A_833 = arith.constant 0 : index
    %get3A_834 = arith.constant 0 : index
    %get3A_835 = vector.load %arg2[%get3A_832, %get3A_833, %get3A_834] : memref<8x32x4xf32, #tpu.memory_space<vmem>>, vector<1x32x4xf32>
    %get3A_836 = vector.shape_cast %get3A_835 : vector<1x32x4xf32> to vector<32x4xf32>
    %slice3A_837 = vector.extract_strided_slice %get3A_836 {offsets = [0, 0], sizes = [32, 1], strides = [1, 1]} : vector<32x4xf32> to vector<32x1xf32>
    %slice3A_838 = vector.extract_strided_slice %get3A_836 {offsets = [0, 2], sizes = [32, 1], strides = [1, 1]} : vector<32x4xf32> to vector<32x1xf32>
    %min3A_839 = arith.minimumf %slice3A_837, %slice3A_838 : vector<32x1xf32>
    %slice3A_840 = vector.extract_strided_slice %get3A_836 {offsets = [0, 0], sizes = [32, 1], strides = [1, 1]} : vector<32x4xf32> to vector<32x1xf32>
    %slice3A_841 = vector.extract_strided_slice %get3A_836 {offsets = [0, 2], sizes = [32, 1], strides = [1, 1]} : vector<32x4xf32> to vector<32x1xf32>
    %max3A_842 = arith.maximumf %slice3A_840, %slice3A_841 : vector<32x1xf32>
    %slice3A_843 = vector.extract_strided_slice %get3A_836 {offsets = [0, 1], sizes = [32, 1], strides = [1, 1]} : vector<32x4xf32> to vector<32x1xf32>
    %slice3A_844 = vector.extract_strided_slice %get3A_836 {offsets = [0, 3], sizes = [32, 1], strides = [1, 1]} : vector<32x4xf32> to vector<32x1xf32>
    %min3A_845 = arith.minimumf %slice3A_843, %slice3A_844 : vector<32x1xf32>
    %slice3A_846 = vector.extract_strided_slice %get3A_836 {offsets = [0, 1], sizes = [32, 1], strides = [1, 1]} : vector<32x4xf32> to vector<32x1xf32>
    %slice3A_847 = vector.extract_strided_slice %get3A_836 {offsets = [0, 3], sizes = [32, 1], strides = [1, 1]} : vector<32x4xf32> to vector<32x1xf32>
    %max3A_848 = arith.maximumf %slice3A_846, %slice3A_847 : vector<32x1xf32>
    %iota3A_849 = tpu.iota {dimensions = array<i32: 1>} : vector<1x196xi32>
    %jit3A_850 = arith.constant 14 : i32
    %eq3A_851 = arith.constant 0 : i32
    %eq3A_852 = arith.cmpi eq, %jit3A_850, %eq3A_851 : i32
    %jit3A_853 = arith.constant 1 : i32
    %select_n3A_854 = arith.select %eq3A_852, %jit3A_853, %jit3A_850 : i32
    %rem3A_855 = vector.broadcast %select_n3A_854 : i32 to vector<1x196xi32>
    %rem3A_856 = arith.remsi %iota3A_849, %rem3A_855 : vector<1x196xi32>
    %ne3A_857 = arith.constant 0 : i32
    %ne3A_858 = vector.broadcast %ne3A_857 : i32 to vector<1x196xi32>
    %ne3A_859 = arith.cmpi ne, %rem3A_856, %ne3A_858 : vector<1x196xi32>
    %lt3A_860 = arith.constant 0 : i32
    %lt3A_861 = vector.broadcast %lt3A_860 : i32 to vector<1x196xi32>
    %lt3A_862 = arith.cmpi slt, %rem3A_856, %lt3A_861 : vector<1x196xi32>
    %lt3A_863 = arith.constant 0 : i32
    %lt3A_864 = arith.cmpi slt, %select_n3A_854, %lt3A_863 : i32
    %ne3A_865 = vector.broadcast %lt3A_864 : i1 to vector<1x196xi1>
    %ne3A_866 = vector.broadcast %ne3A_865 : vector<1x196xi1> to vector<1x196xi1>
    %ne3A_867 = arith.xori %lt3A_862, %ne3A_866 : vector<1x196xi1>
    %and3A_868 = arith.andi %ne3A_867, %ne3A_859 : vector<1x196xi1>
    %add3A_869 = vector.broadcast %select_n3A_854 : i32 to vector<1x196xi32>
    %add3A_870 = arith.addi %rem3A_856, %add3A_869 : vector<1x196xi32>
    %select_n3A_871 = arith.select %and3A_868, %add3A_870, %rem3A_856 : vector<1x196xi1>, vector<1x196xi32>
    %convert_element_type3A_872 = arith.sitofp %select_n3A_871 : vector<1x196xi32> to vector<1x196xf32>
    %add3A_873 = arith.constant 5.000000e-01 : f32
    %add3A_874 = vector.broadcast %add3A_873 : f32 to vector<1x196xf32>
    %add3A_875 = arith.addf %convert_element_type3A_872, %add3A_874 : vector<1x196xf32>
    %div3A_876 = arith.constant 1.400000e+01 : f32
    %div3A_877 = vector.broadcast %div3A_876 : f32 to vector<1x196xf32>
    %div3A_878 = arith.divf %add3A_875, %div3A_877 : vector<1x196xf32>
    %jit3A_879 = arith.constant 14 : i32
    %div3A_880 = vector.broadcast %jit3A_879 : i32 to vector<1x196xi32>
    %div3A_881 = arith.divsi %iota3A_849, %div3A_880 : vector<1x196xi32>
    %sign3A_882 = arith.constant 0 : i32
    %sign3A_883 = vector.broadcast %sign3A_882 : i32 to vector<1x196xi32>
    %sign3A_884 = arith.cmpi sgt, %iota3A_849, %sign3A_883 : vector<1x196xi32>
    %sign3A_885 = arith.extui %sign3A_884 : vector<1x196xi1> to vector<1x196xi32>
    %sign3A_886 = arith.constant 0 : i32
    %sign3A_887 = vector.broadcast %sign3A_886 : i32 to vector<1x196xi32>
    %sign3A_888 = arith.cmpi slt, %iota3A_849, %sign3A_887 : vector<1x196xi32>
    %sign3A_889 = arith.extui %sign3A_888 : vector<1x196xi1> to vector<1x196xi32>
    %sign3A_890 = arith.subi %sign3A_885, %sign3A_889 : vector<1x196xi32>
    %sign3A_891 = arith.constant 0 : i32
    %sign3A_892 = arith.cmpi sgt, %jit3A_879, %sign3A_891 : i32
    %sign3A_893 = arith.extui %sign3A_892 : i1 to i32
    %sign3A_894 = arith.constant 0 : i32
    %sign3A_895 = arith.cmpi slt, %jit3A_879, %sign3A_894 : i32
    %sign3A_896 = arith.extui %sign3A_895 : i1 to i32
    %sign3A_897 = arith.subi %sign3A_893, %sign3A_896 : i32
    %ne3A_898 = vector.broadcast %sign3A_897 : i32 to vector<1x196xi32>
    %ne3A_899 = arith.cmpi ne, %sign3A_890, %ne3A_898 : vector<1x196xi32>
    %rem3A_900 = vector.broadcast %jit3A_879 : i32 to vector<1x196xi32>
    %rem3A_901 = arith.remsi %iota3A_849, %rem3A_900 : vector<1x196xi32>
    %ne3A_902 = arith.constant 0 : i32
    %ne3A_903 = vector.broadcast %ne3A_902 : i32 to vector<1x196xi32>
    %ne3A_904 = arith.cmpi ne, %rem3A_901, %ne3A_903 : vector<1x196xi32>
    %and3A_905 = arith.andi %ne3A_899, %ne3A_904 : vector<1x196xi1>
    %sub3A_906 = arith.constant 1 : i32
    %sub3A_907 = vector.broadcast %sub3A_906 : i32 to vector<1x196xi32>
    %sub3A_908 = arith.subi %div3A_881, %sub3A_907 : vector<1x196xi32>
    %select_n3A_909 = arith.select %and3A_905, %sub3A_908, %div3A_881 : vector<1x196xi1>, vector<1x196xi32>
    %convert_element_type3A_910 = arith.sitofp %select_n3A_909 : vector<1x196xi32> to vector<1x196xf32>
    %add3A_911 = arith.constant 5.000000e-01 : f32
    %add3A_912 = vector.broadcast %add3A_911 : f32 to vector<1x196xf32>
    %add3A_913 = arith.addf %convert_element_type3A_910, %add3A_912 : vector<1x196xf32>
    %div3A_914 = arith.constant 1.400000e+01 : f32
    %div3A_915 = vector.broadcast %div3A_914 : f32 to vector<1x196xf32>
    %div3A_916 = arith.divf %add3A_913, %div3A_915 : vector<1x196xf32>
    %ge3A_917 = vector.broadcast %div3A_878 : vector<1x196xf32> to vector<32x196xf32>
    %ge3A_918 = vector.broadcast %min3A_839 : vector<32x1xf32> to vector<32x196xf32>
    %ge3A_919 = arith.cmpf oge, %ge3A_917, %ge3A_918 : vector<32x196xf32>
    %le3A_920 = vector.broadcast %div3A_878 : vector<1x196xf32> to vector<32x196xf32>
    %le3A_921 = vector.broadcast %max3A_842 : vector<32x1xf32> to vector<32x196xf32>
    %le3A_922 = arith.cmpf ole, %le3A_920, %le3A_921 : vector<32x196xf32>
    %and3A_923 = arith.andi %ge3A_919, %le3A_922 : vector<32x196xi1>
    %ge3A_924 = vector.broadcast %div3A_916 : vector<1x196xf32> to vector<32x196xf32>
    %ge3A_925 = vector.broadcast %min3A_845 : vector<32x1xf32> to vector<32x196xf32>
    %ge3A_926 = arith.cmpf oge, %ge3A_924, %ge3A_925 : vector<32x196xf32>
    %and3A_927 = arith.andi %and3A_923, %ge3A_926 : vector<32x196xi1>
    %le3A_928 = vector.broadcast %div3A_916 : vector<1x196xf32> to vector<32x196xf32>
    %le3A_929 = vector.broadcast %max3A_848 : vector<32x1xf32> to vector<32x196xf32>
    %le3A_930 = arith.cmpf ole, %le3A_928, %le3A_929 : vector<32x196xf32>
    %and3A_931 = arith.andi %and3A_927, %le3A_930 : vector<32x196xi1>
    %convert_element_type3A_932 = arith.extui %and3A_931 : vector<32x196xi1> to vector<32x196xi32>
    %convert_element_type3A_933 = arith.sitofp %convert_element_type3A_932 : vector<32x196xi32> to vector<32x196xf32>
    %reduce_sum3A_934 = arith.constant dense<0.000000e+00> : vector<32xf32>
    %reduce_sum3A_935 = vector.multi_reduction <add>, %convert_element_type3A_933, %reduce_sum3A_934 [1] : vector<32x196xf32> to vector<32xf32>
    %broadcast_in_dim3A_936 = vector.shape_cast %reduce_sum3A_935 : vector<32xf32> to vector<32x1xf32>
    %max3A_937 = arith.constant 1.000000e+00 : f32
    %max3A_938 = vector.broadcast %max3A_937 : f32 to vector<32x1xf32>
    %max3A_939 = arith.maximumf %broadcast_in_dim3A_936, %max3A_938 : vector<32x1xf32>
    %iota3A_940 = tpu.iota {dimensions = array<i32: 0>} : vector<8x196xi32>
    %eq3A_941 = arith.constant 0 : i32
    %eq3A_942 = vector.broadcast %eq3A_941 : i32 to vector<8x196xi32>
    %eq3A_943 = arith.cmpi eq, %iota3A_940, %eq3A_942 : vector<8x196xi32>
    %concatenate3A_944 = tpu.concatenate %and3A_931, %eq3A_943 in 0 : vector<32x196xi1>, vector<8x196xi1> -> vector<40x196xi1>
    %convert_element_type3A_945 = arith.extui %concatenate3A_944 : vector<40x196xi1> to vector<40x196xi32>
    %convert_element_type3A_946 = arith.sitofp %convert_element_type3A_945 : vector<40x196xi32> to vector<40x196xf32>
    %convert_element_type3A_947 = arith.truncf %convert_element_type3A_946 : vector<40x196xf32> to vector<40x196xbf16>
    %dot_general3A_948 = arith.constant dense<0.000000e+00> : vector<40x768xf32>
    %dot_general3A_949 = tpu.matmul %convert_element_type3A_947, %get3A_831, %dot_general3A_948 {dimension_numbers = #tpu.dot_dimension_numbers<[1], [1], [0], [0], [0, 0, 1, 0], [], []>, transpose_lhs_hint = false} : vector<40x196xbf16>, vector<768x196xbf16>, vector<40x768xf32> -> vector<40x768xf32>
    %slice3A_950 = vector.extract_strided_slice %dot_general3A_949 {offsets = [0, 0], sizes = [32, 768], strides = [1, 1]} : vector<40x768xf32> to vector<32x768xf32>
    %div3A_951 = vector.broadcast %max3A_939 : vector<32x1xf32> to vector<32x768xf32>
    %div3A_952 = arith.divf %slice3A_950, %div3A_951 : vector<32x768xf32>
    %swap3A_953 = arith.constant 6 : index
    %swap3A_954 = arith.constant 0 : index
    %swap3A_955 = arith.constant 0 : index
    %swap3A_956 = vector.load %arg3[%swap3A_953, %swap3A_954, %swap3A_955] : memref<8x32x768xf32, #tpu.memory_space<vmem>>, vector<1x32x768xf32>
    %swap3A_957 = vector.shape_cast %swap3A_956 : vector<1x32x768xf32> to vector<32x768xf32>
    %swap3A_958 = vector.shape_cast %div3A_952 : vector<32x768xf32> to vector<1x32x768xf32>
    tpu.vector_store %arg3[%swap3A_953, %swap3A_954, %swap3A_955], %swap3A_958 {strides = array<i32>} : memref<8x32x768xf32, #tpu.memory_space<vmem>>, vector<1x32x768xf32>,
    %slice3A_959 = vector.extract_strided_slice %dot_general3A_949 {offsets = [32, 0], sizes = [8, 768], strides = [1, 1]} : vector<40x768xf32> to vector<8x768xf32>
    %mul3A_960 = arith.constant 0.00510204071 : f32
    %mul3A_961 = vector.broadcast %mul3A_960 : f32 to vector<8x768xf32>
    %mul3A_962 = arith.mulf %slice3A_959, %mul3A_961 : vector<8x768xf32>
    %swap3A_963 = arith.constant 6 : index
    %swap3A_964 = arith.constant 0 : index
    %swap3A_965 = arith.constant 0 : index
    %swap3A_966 = vector.load %arg4[%swap3A_963, %swap3A_964, %swap3A_965] : memref<8x8x768xf32, #tpu.memory_space<vmem>>, vector<1x8x768xf32>
    %swap3A_967 = vector.shape_cast %swap3A_966 : vector<1x8x768xf32> to vector<8x768xf32>
    %swap3A_968 = vector.shape_cast %mul3A_962 : vector<8x768xf32> to vector<1x8x768xf32>
    tpu.vector_store %arg4[%swap3A_963, %swap3A_964, %swap3A_965], %swap3A_968 {strides = array<i32>} : memref<8x8x768xf32, #tpu.memory_space<vmem>>, vector<1x8x768xf32>,
    %get3A_969 = arith.constant 7 : index
    %get3A_970 = arith.constant 0 : index
    %get3A_971 = arith.constant 0 : index
    %get3A_972 = vector.load %arg1[%get3A_969, %get3A_970, %get3A_971] : memref<8x768x196xbf16, #tpu.memory_space<vmem>>, vector<1x768x196xbf16>
    %get3A_973 = vector.shape_cast %get3A_972 : vector<1x768x196xbf16> to vector<768x196xbf16>
    %get3A_974 = arith.constant 7 : index
    %get3A_975 = arith.constant 0 : index
    %get3A_976 = arith.constant 0 : index
    %get3A_977 = vector.load %arg2[%get3A_974, %get3A_975, %get3A_976] : memref<8x32x4xf32, #tpu.memory_space<vmem>>, vector<1x32x4xf32>
    %get3A_978 = vector.shape_cast %get3A_977 : vector<1x32x4xf32> to vector<32x4xf32>
    %slice3A_979 = vector.extract_strided_slice %get3A_978 {offsets = [0, 0], sizes = [32, 1], strides = [1, 1]} : vector<32x4xf32> to vector<32x1xf32>
    %slice3A_980 = vector.extract_strided_slice %get3A_978 {offsets = [0, 2], sizes = [32, 1], strides = [1, 1]} : vector<32x4xf32> to vector<32x1xf32>
    %min3A_981 = arith.minimumf %slice3A_979, %slice3A_980 : vector<32x1xf32>
    %slice3A_982 = vector.extract_strided_slice %get3A_978 {offsets = [0, 0], sizes = [32, 1], strides = [1, 1]} : vector<32x4xf32> to vector<32x1xf32>
    %slice3A_983 = vector.extract_strided_slice %get3A_978 {offsets = [0, 2], sizes = [32, 1], strides = [1, 1]} : vector<32x4xf32> to vector<32x1xf32>
    %max3A_984 = arith.maximumf %slice3A_982, %slice3A_983 : vector<32x1xf32>
    %slice3A_985 = vector.extract_strided_slice %get3A_978 {offsets = [0, 1], sizes = [32, 1], strides = [1, 1]} : vector<32x4xf32> to vector<32x1xf32>
    %slice3A_986 = vector.extract_strided_slice %get3A_978 {offsets = [0, 3], sizes = [32, 1], strides = [1, 1]} : vector<32x4xf32> to vector<32x1xf32>
    %min3A_987 = arith.minimumf %slice3A_985, %slice3A_986 : vector<32x1xf32>
    %slice3A_988 = vector.extract_strided_slice %get3A_978 {offsets = [0, 1], sizes = [32, 1], strides = [1, 1]} : vector<32x4xf32> to vector<32x1xf32>
    %slice3A_989 = vector.extract_strided_slice %get3A_978 {offsets = [0, 3], sizes = [32, 1], strides = [1, 1]} : vector<32x4xf32> to vector<32x1xf32>
    %max3A_990 = arith.maximumf %slice3A_988, %slice3A_989 : vector<32x1xf32>
    %iota3A_991 = tpu.iota {dimensions = array<i32: 1>} : vector<1x196xi32>
    %jit3A_992 = arith.constant 14 : i32
    %eq3A_993 = arith.constant 0 : i32
    %eq3A_994 = arith.cmpi eq, %jit3A_992, %eq3A_993 : i32
    %jit3A_995 = arith.constant 1 : i32
    %select_n3A_996 = arith.select %eq3A_994, %jit3A_995, %jit3A_992 : i32
    %rem3A_997 = vector.broadcast %select_n3A_996 : i32 to vector<1x196xi32>
    %rem3A_998 = arith.remsi %iota3A_991, %rem3A_997 : vector<1x196xi32>
    %ne3A_999 = arith.constant 0 : i32
    %ne3A_1000 = vector.broadcast %ne3A_999 : i32 to vector<1x196xi32>
    %ne3A_1001 = arith.cmpi ne, %rem3A_998, %ne3A_1000 : vector<1x196xi32>
    %lt3A_1002 = arith.constant 0 : i32
    %lt3A_1003 = vector.broadcast %lt3A_1002 : i32 to vector<1x196xi32>
    %lt3A_1004 = arith.cmpi slt, %rem3A_998, %lt3A_1003 : vector<1x196xi32>
    %lt3A_1005 = arith.constant 0 : i32
    %lt3A_1006 = arith.cmpi slt, %select_n3A_996, %lt3A_1005 : i32
    %ne3A_1007 = vector.broadcast %lt3A_1006 : i1 to vector<1x196xi1>
    %ne3A_1008 = vector.broadcast %ne3A_1007 : vector<1x196xi1> to vector<1x196xi1>
    %ne3A_1009 = arith.xori %lt3A_1004, %ne3A_1008 : vector<1x196xi1>
    %and3A_1010 = arith.andi %ne3A_1009, %ne3A_1001 : vector<1x196xi1>
    %add3A_1011 = vector.broadcast %select_n3A_996 : i32 to vector<1x196xi32>
    %add3A_1012 = arith.addi %rem3A_998, %add3A_1011 : vector<1x196xi32>
    %select_n3A_1013 = arith.select %and3A_1010, %add3A_1012, %rem3A_998 : vector<1x196xi1>, vector<1x196xi32>
    %convert_element_type3A_1014 = arith.sitofp %select_n3A_1013 : vector<1x196xi32> to vector<1x196xf32>
    %add3A_1015 = arith.constant 5.000000e-01 : f32
    %add3A_1016 = vector.broadcast %add3A_1015 : f32 to vector<1x196xf32>
    %add3A_1017 = arith.addf %convert_element_type3A_1014, %add3A_1016 : vector<1x196xf32>
    %div3A_1018 = arith.constant 1.400000e+01 : f32
    %div3A_1019 = vector.broadcast %div3A_1018 : f32 to vector<1x196xf32>
    %div3A_1020 = arith.divf %add3A_1017, %div3A_1019 : vector<1x196xf32>
    %jit3A_1021 = arith.constant 14 : i32
    %div3A_1022 = vector.broadcast %jit3A_1021 : i32 to vector<1x196xi32>
    %div3A_1023 = arith.divsi %iota3A_991, %div3A_1022 : vector<1x196xi32>
    %sign3A_1024 = arith.constant 0 : i32
    %sign3A_1025 = vector.broadcast %sign3A_1024 : i32 to vector<1x196xi32>
    %sign3A_1026 = arith.cmpi sgt, %iota3A_991, %sign3A_1025 : vector<1x196xi32>
    %sign3A_1027 = arith.extui %sign3A_1026 : vector<1x196xi1> to vector<1x196xi32>
    %sign3A_1028 = arith.constant 0 : i32
    %sign3A_1029 = vector.broadcast %sign3A_1028 : i32 to vector<1x196xi32>
    %sign3A_1030 = arith.cmpi slt, %iota3A_991, %sign3A_1029 : vector<1x196xi32>
    %sign3A_1031 = arith.extui %sign3A_1030 : vector<1x196xi1> to vector<1x196xi32>
    %sign3A_1032 = arith.subi %sign3A_1027, %sign3A_1031 : vector<1x196xi32>
    %sign3A_1033 = arith.constant 0 : i32
    %sign3A_1034 = arith.cmpi sgt, %jit3A_1021, %sign3A_1033 : i32
    %sign3A_1035 = arith.extui %sign3A_1034 : i1 to i32
    %sign3A_1036 = arith.constant 0 : i32
    %sign3A_1037 = arith.cmpi slt, %jit3A_1021, %sign3A_1036 : i32
    %sign3A_1038 = arith.extui %sign3A_1037 : i1 to i32
    %sign3A_1039 = arith.subi %sign3A_1035, %sign3A_1038 : i32
    %ne3A_1040 = vector.broadcast %sign3A_1039 : i32 to vector<1x196xi32>
    %ne3A_1041 = arith.cmpi ne, %sign3A_1032, %ne3A_1040 : vector<1x196xi32>
    %rem3A_1042 = vector.broadcast %jit3A_1021 : i32 to vector<1x196xi32>
    %rem3A_1043 = arith.remsi %iota3A_991, %rem3A_1042 : vector<1x196xi32>
    %ne3A_1044 = arith.constant 0 : i32
    %ne3A_1045 = vector.broadcast %ne3A_1044 : i32 to vector<1x196xi32>
    %ne3A_1046 = arith.cmpi ne, %rem3A_1043, %ne3A_1045 : vector<1x196xi32>
    %and3A_1047 = arith.andi %ne3A_1041, %ne3A_1046 : vector<1x196xi1>
    %sub3A_1048 = arith.constant 1 : i32
    %sub3A_1049 = vector.broadcast %sub3A_1048 : i32 to vector<1x196xi32>
    %sub3A_1050 = arith.subi %div3A_1023, %sub3A_1049 : vector<1x196xi32>
    %select_n3A_1051 = arith.select %and3A_1047, %sub3A_1050, %div3A_1023 : vector<1x196xi1>, vector<1x196xi32>
    %convert_element_type3A_1052 = arith.sitofp %select_n3A_1051 : vector<1x196xi32> to vector<1x196xf32>
    %add3A_1053 = arith.constant 5.000000e-01 : f32
    %add3A_1054 = vector.broadcast %add3A_1053 : f32 to vector<1x196xf32>
    %add3A_1055 = arith.addf %convert_element_type3A_1052, %add3A_1054 : vector<1x196xf32>
    %div3A_1056 = arith.constant 1.400000e+01 : f32
    %div3A_1057 = vector.broadcast %div3A_1056 : f32 to vector<1x196xf32>
    %div3A_1058 = arith.divf %add3A_1055, %div3A_1057 : vector<1x196xf32>
    %ge3A_1059 = vector.broadcast %div3A_1020 : vector<1x196xf32> to vector<32x196xf32>
    %ge3A_1060 = vector.broadcast %min3A_981 : vector<32x1xf32> to vector<32x196xf32>
    %ge3A_1061 = arith.cmpf oge, %ge3A_1059, %ge3A_1060 : vector<32x196xf32>
    %le3A_1062 = vector.broadcast %div3A_1020 : vector<1x196xf32> to vector<32x196xf32>
    %le3A_1063 = vector.broadcast %max3A_984 : vector<32x1xf32> to vector<32x196xf32>
    %le3A_1064 = arith.cmpf ole, %le3A_1062, %le3A_1063 : vector<32x196xf32>
    %and3A_1065 = arith.andi %ge3A_1061, %le3A_1064 : vector<32x196xi1>
    %ge3A_1066 = vector.broadcast %div3A_1058 : vector<1x196xf32> to vector<32x196xf32>
    %ge3A_1067 = vector.broadcast %min3A_987 : vector<32x1xf32> to vector<32x196xf32>
    %ge3A_1068 = arith.cmpf oge, %ge3A_1066, %ge3A_1067 : vector<32x196xf32>
    %and3A_1069 = arith.andi %and3A_1065, %ge3A_1068 : vector<32x196xi1>
    %le3A_1070 = vector.broadcast %div3A_1058 : vector<1x196xf32> to vector<32x196xf32>
    %le3A_1071 = vector.broadcast %max3A_990 : vector<32x1xf32> to vector<32x196xf32>
    %le3A_1072 = arith.cmpf ole, %le3A_1070, %le3A_1071 : vector<32x196xf32>
    %and3A_1073 = arith.andi %and3A_1069, %le3A_1072 : vector<32x196xi1>
    %convert_element_type3A_1074 = arith.extui %and3A_1073 : vector<32x196xi1> to vector<32x196xi32>
    %convert_element_type3A_1075 = arith.sitofp %convert_element_type3A_1074 : vector<32x196xi32> to vector<32x196xf32>
    %reduce_sum3A_1076 = arith.constant dense<0.000000e+00> : vector<32xf32>
    %reduce_sum3A_1077 = vector.multi_reduction <add>, %convert_element_type3A_1075, %reduce_sum3A_1076 [1] : vector<32x196xf32> to vector<32xf32>
    %broadcast_in_dim3A_1078 = vector.shape_cast %reduce_sum3A_1077 : vector<32xf32> to vector<32x1xf32>
    %max3A_1079 = arith.constant 1.000000e+00 : f32
    %max3A_1080 = vector.broadcast %max3A_1079 : f32 to vector<32x1xf32>
    %max3A_1081 = arith.maximumf %broadcast_in_dim3A_1078, %max3A_1080 : vector<32x1xf32>
    %iota3A_1082 = tpu.iota {dimensions = array<i32: 0>} : vector<8x196xi32>
    %eq3A_1083 = arith.constant 0 : i32
    %eq3A_1084 = vector.broadcast %eq3A_1083 : i32 to vector<8x196xi32>
    %eq3A_1085 = arith.cmpi eq, %iota3A_1082, %eq3A_1084 : vector<8x196xi32>
    %concatenate3A_1086 = tpu.concatenate %and3A_1073, %eq3A_1085 in 0 : vector<32x196xi1>, vector<8x196xi1> -> vector<40x196xi1>
    %convert_element_type3A_1087 = arith.extui %concatenate3A_1086 : vector<40x196xi1> to vector<40x196xi32>
    %convert_element_type3A_1088 = arith.sitofp %convert_element_type3A_1087 : vector<40x196xi32> to vector<40x196xf32>
    %convert_element_type3A_1089 = arith.truncf %convert_element_type3A_1088 : vector<40x196xf32> to vector<40x196xbf16>
    %dot_general3A_1090 = arith.constant dense<0.000000e+00> : vector<40x768xf32>
    %dot_general3A_1091 = tpu.matmul %convert_element_type3A_1089, %get3A_973, %dot_general3A_1090 {dimension_numbers = #tpu.dot_dimension_numbers<[1], [1], [0], [0], [0, 0, 1, 0], [], []>, transpose_lhs_hint = false} : vector<40x196xbf16>, vector<768x196xbf16>, vector<40x768xf32> -> vector<40x768xf32>
    %slice3A_1092 = vector.extract_strided_slice %dot_general3A_1091 {offsets = [0, 0], sizes = [32, 768], strides = [1, 1]} : vector<40x768xf32> to vector<32x768xf32>
    %div3A_1093 = vector.broadcast %max3A_1081 : vector<32x1xf32> to vector<32x768xf32>
    %div3A_1094 = arith.divf %slice3A_1092, %div3A_1093 : vector<32x768xf32>
    %swap3A_1095 = arith.constant 7 : index
    %swap3A_1096 = arith.constant 0 : index
    %swap3A_1097 = arith.constant 0 : index
    %swap3A_1098 = vector.load %arg3[%swap3A_1095, %swap3A_1096, %swap3A_1097] : memref<8x32x768xf32, #tpu.memory_space<vmem>>, vector<1x32x768xf32>
    %swap3A_1099 = vector.shape_cast %swap3A_1098 : vector<1x32x768xf32> to vector<32x768xf32>
    %swap3A_1100 = vector.shape_cast %div3A_1094 : vector<32x768xf32> to vector<1x32x768xf32>
    tpu.vector_store %arg3[%swap3A_1095, %swap3A_1096, %swap3A_1097], %swap3A_1100 {strides = array<i32>} : memref<8x32x768xf32, #tpu.memory_space<vmem>>, vector<1x32x768xf32>,
    %slice3A_1101 = vector.extract_strided_slice %dot_general3A_1091 {offsets = [32, 0], sizes = [8, 768], strides = [1, 1]} : vector<40x768xf32> to vector<8x768xf32>
    %mul3A_1102 = arith.constant 0.00510204071 : f32
    %mul3A_1103 = vector.broadcast %mul3A_1102 : f32 to vector<8x768xf32>
    %mul3A_1104 = arith.mulf %slice3A_1101, %mul3A_1103 : vector<8x768xf32>
    %swap3A_1105 = arith.constant 7 : index
    %swap3A_1106 = arith.constant 0 : index
    %swap3A_1107 = arith.constant 0 : index
    %swap3A_1108 = vector.load %arg4[%swap3A_1105, %swap3A_1106, %swap3A_1107] : memref<8x8x768xf32, #tpu.memory_space<vmem>>, vector<1x8x768xf32>
    %swap3A_1109 = vector.shape_cast %swap3A_1108 : vector<1x8x768xf32> to vector<8x768xf32>
    %swap3A_1110 = vector.shape_cast %mul3A_1104 : vector<8x768xf32> to vector<1x8x768xf32>
    tpu.vector_store %arg4[%swap3A_1105, %swap3A_1106, %swap3A_1107], %swap3A_1110 {strides = array<i32>} : memref<8x8x768xf32, #tpu.memory_space<vmem>>, vector<1x8x768xf32>,
    return
  }
  func.func @transform_0(%arg0: i32) -> (i32, i32, i32) {
    %c0_i32 = arith.constant 0 : i32
    %c0_i32_0 = arith.constant 0 : i32
    %c0_i32_1 = arith.constant 0 : i32
    return %arg0, %c0_i32, %c0_i32_0 : i32, i32, i32
  }
  func.func @transform_1(%arg0: i32) -> (i32, i32, i32) {
    %c0_i32 = arith.constant 0 : i32
    %c0_i32_0 = arith.constant 0 : i32
    %c0_i32_1 = arith.constant 0 : i32
    return %arg0, %c0_i32, %c0_i32_0 : i32, i32, i32
  }
  func.func @transform_2(%arg0: i32) -> (i32, i32, i32) {
    %c0_i32 = arith.constant 0 : i32
    %c0_i32_0 = arith.constant 0 : i32
    %c0_i32_1 = arith.constant 0 : i32
    return %arg0, %c0_i32, %c0_i32_0 : i32, i32, i32
  }
  func.func @transform_3(%arg0: i32) -> (i32, i32, i32) {
    %c0_i32 = arith.constant 0 : i32
    %c0_i32_0 = arith.constant 0 : i32
    %c0_i32_1 = arith.constant 0 : i32
    return %arg0, %c0_i32, %c0_i32_0 : i32, i32, i32
  }
}

module attributes {stable_mosaic.version = 14 : i64} {
  func.func @_dense_kernel(%arg0: memref<512x768xf32, #tpu.memory_space<vmem>>, %arg1: memref<16x8x768xf32, #tpu.memory_space<vmem>>, %arg2: memref<768x1024xf32, #tpu.memory_space<vmem>>, %arg3: memref<1x1024xf32, #tpu.memory_space<vmem>>, %arg4: memref<768x1024xf32, #tpu.memory_space<vmem>>, %arg5: memref<1x1024xf32, #tpu.memory_space<vmem>>, %arg6: memref<2048x1024xf32, #tpu.memory_space<vmem>>, %arg7: memref<512x1024xf32, #tpu.memory_space<vmem>>, %arg8: memref<512x1024xf32, #tpu.memory_space<vmem>>, %arg9: memref<16x1024xf32, #tpu.memory_space<vmem>>) attributes {dimension_semantics = [], scalar_prefetch = 0 : i64, scratch_operands = 0 : i64, tpu.core_type = #tpu.core_type<tc>} {
    %get3A = arith.constant 0 : index
    %get3A_0 = arith.constant 0 : index
    %get3A_1 = vector.load %arg0[%get3A, %get3A_0] : memref<512x768xf32, #tpu.memory_space<vmem>>, vector<512x768xf32>
    %get3A_2 = arith.constant 0 : index
    %get3A_3 = arith.constant 0 : index
    %get3A_4 = vector.load %arg2[%get3A_2, %get3A_3] : memref<768x1024xf32, #tpu.memory_space<vmem>>, vector<768x1024xf32>
    %dot_general3A = arith.constant dense<0.000000e+00> : vector<512x1024xf32>
    %dot_general3A_5 = tpu.matmul %get3A_1, %get3A_4, %dot_general3A {dimension_numbers = #tpu.dot_dimension_numbers<[1], [0], [0], [1], [0, 0, 1, 1], [], []>, transpose_lhs_hint = false} : vector<512x768xf32>, vector<768x1024xf32>, vector<512x1024xf32> -> vector<512x1024xf32>
    %get3A_6 = arith.constant 0 : index
    %get3A_7 = arith.constant 0 : index
    %get3A_8 = vector.load %arg3[%get3A_6, %get3A_7] : memref<1x1024xf32, #tpu.memory_space<vmem>>, vector<1x1024xf32>
    %add3A = vector.broadcast %get3A_8 : vector<1x1024xf32> to vector<512x1024xf32>
    %add3A_9 = arith.addf %dot_general3A_5, %add3A : vector<512x1024xf32>
    %max3A = arith.constant 0.000000e+00 : f32
    %max3A_10 = vector.broadcast %max3A : f32 to vector<512x1024xf32>
    %max3A_11 = arith.maximumf %add3A_9, %max3A_10 : vector<512x1024xf32>
    %swap3A = arith.constant 0 : index
    %swap3A_12 = arith.constant 0 : index
    %swap3A_13 = vector.load %arg7[%swap3A, %swap3A_12] : memref<512x1024xf32, #tpu.memory_space<vmem>>, vector<512x1024xf32>
    tpu.vector_store %arg7[%swap3A, %swap3A_12], %max3A_11 {strides = array<i32>} : memref<512x1024xf32, #tpu.memory_space<vmem>>, vector<512x1024xf32>,
    %get3A_14 = arith.constant 0 : index
    %get3A_15 = arith.constant 0 : index
    %get3A_16 = vector.load %arg6[%get3A_14, %get3A_15] : memref<2048x1024xf32, #tpu.memory_space<vmem>>, vector<1024x1024xf32>
    %dot_general3A_17 = arith.constant dense<0.000000e+00> : vector<512x1024xf32>
    %dot_general3A_18 = tpu.matmul %max3A_11, %get3A_16, %dot_general3A_17 {dimension_numbers = #tpu.dot_dimension_numbers<[1], [0], [0], [1], [0, 0, 1, 1], [], []>, transpose_lhs_hint = false} : vector<512x1024xf32>, vector<1024x1024xf32>, vector<512x1024xf32> -> vector<512x1024xf32>
    %swap3A_19 = arith.constant 0 : index
    %swap3A_20 = arith.constant 0 : index
    %swap3A_21 = vector.load %arg8[%swap3A_19, %swap3A_20] : memref<512x1024xf32, #tpu.memory_space<vmem>>, vector<512x1024xf32>
    tpu.vector_store %arg8[%swap3A_19, %swap3A_20], %dot_general3A_18 {strides = array<i32>} : memref<512x1024xf32, #tpu.memory_space<vmem>>, vector<512x1024xf32>,
    %get3A_22 = arith.constant 0 : index
    %get3A_23 = arith.constant 0 : index
    %get3A_24 = arith.constant 0 : index
    %get3A_25 = vector.load %arg1[%get3A_22, %get3A_23, %get3A_24] : memref<16x8x768xf32, #tpu.memory_space<vmem>>, vector<16x1x768xf32>
    %get3A_26 = vector.shape_cast %get3A_25 : vector<16x1x768xf32> to vector<16x768xf32>
    %get3A_27 = arith.constant 0 : index
    %get3A_28 = arith.constant 0 : index
    %get3A_29 = vector.load %arg4[%get3A_27, %get3A_28] : memref<768x1024xf32, #tpu.memory_space<vmem>>, vector<768x1024xf32>
    %dot_general3A_30 = arith.constant dense<0.000000e+00> : vector<16x1024xf32>
    %dot_general3A_31 = tpu.matmul %get3A_26, %get3A_29, %dot_general3A_30 {dimension_numbers = #tpu.dot_dimension_numbers<[1], [0], [0], [1], [0, 0, 1, 1], [], []>, transpose_lhs_hint = false} : vector<16x768xf32>, vector<768x1024xf32>, vector<16x1024xf32> -> vector<16x1024xf32>
    %get3A_32 = arith.constant 0 : index
    %get3A_33 = arith.constant 0 : index
    %get3A_34 = vector.load %arg5[%get3A_32, %get3A_33] : memref<1x1024xf32, #tpu.memory_space<vmem>>, vector<1x1024xf32>
    %add3A_35 = vector.broadcast %get3A_34 : vector<1x1024xf32> to vector<16x1024xf32>
    %add3A_36 = arith.addf %dot_general3A_31, %add3A_35 : vector<16x1024xf32>
    %max3A_37 = arith.constant 0.000000e+00 : f32
    %max3A_38 = vector.broadcast %max3A_37 : f32 to vector<16x1024xf32>
    %max3A_39 = arith.maximumf %add3A_36, %max3A_38 : vector<16x1024xf32>
    %get3A_40 = arith.constant 1024 : index
    %get3A_41 = arith.constant 0 : index
    %get3A_42 = vector.load %arg6[%get3A_40, %get3A_41] : memref<2048x1024xf32, #tpu.memory_space<vmem>>, vector<1024x1024xf32>
    %dot_general3A_43 = arith.constant dense<0.000000e+00> : vector<16x1024xf32>
    %dot_general3A_44 = tpu.matmul %max3A_39, %get3A_42, %dot_general3A_43 {dimension_numbers = #tpu.dot_dimension_numbers<[1], [0], [0], [1], [0, 0, 1, 1], [], []>, transpose_lhs_hint = false} : vector<16x1024xf32>, vector<1024x1024xf32>, vector<16x1024xf32> -> vector<16x1024xf32>
    %swap3A_45 = arith.constant 0 : index
    %swap3A_46 = arith.constant 0 : index
    %swap3A_47 = vector.load %arg9[%swap3A_45, %swap3A_46] : memref<16x1024xf32, #tpu.memory_space<vmem>>, vector<16x1024xf32>
    tpu.vector_store %arg9[%swap3A_45, %swap3A_46], %dot_general3A_44 {strides = array<i32>} : memref<16x1024xf32, #tpu.memory_space<vmem>>, vector<16x1024xf32>,
    return
  }
}

module attributes {stable_mosaic.version = 14 : i64} {
  func.func @_mlp_kernel(%arg0: i32, %arg1: memref<512x1024xf32, #tpu.memory_space<vmem>>, %arg2: memref<16x1024xf32, #tpu.memory_space<vmem>>, %arg3: memref<16xi32, #tpu.memory_space<smem>>, %arg4: memref<1x1024xf32, #tpu.memory_space<vmem>>, %arg5: memref<1024x512xf32, #tpu.memory_space<vmem>>, %arg6: memref<1x512xf32, #tpu.memory_space<vmem>>, %arg7: memref<512x512xf32, #tpu.memory_space<vmem>>) attributes {dimension_semantics = [#tpu.dimension_semantics<arbitrary>], iteration_bounds = array<i64: 2>, scalar_prefetch = 0 : i64, scratch_operands = 0 : i64, tpu.core_type = #tpu.core_type<tc>, window_params = [{transform_indices = @transform_0, window_bounds = array<i64: 512, 1024>}, {pipeline_mode = #tpu.pipeline_mode<synchronous>, transform_indices = @transform_1, window_bounds = array<i64: 16, 1024>}, {transform_indices = @transform_2, window_bounds = array<i64: 16>}, {pipeline_mode = #tpu.pipeline_mode<synchronous>, transform_indices = @transform_3, window_bounds = array<i64: 1, 1024>}, {pipeline_mode = #tpu.pipeline_mode<synchronous>, transform_indices = @transform_4, window_bounds = array<i64: 1024, 512>}, {pipeline_mode = #tpu.pipeline_mode<synchronous>, transform_indices = @transform_5, window_bounds = array<i64: 1, 512>}, {transform_indices = @transform_6, window_bounds = array<i64: 512, 512>}]} {
    %mul3A = arith.constant 8 : i32
    %mul3A_0 = arith.muli %arg0, %mul3A : i32
    %add3A = arith.constant 0 : i32
    %add3A_1 = arith.addi %mul3A_0, %add3A : i32
    %get3A = arith.index_cast %add3A_1 : i32 to index
    %get3A_2 = memref.load %arg3[%get3A] : memref<16xi32, #tpu.memory_space<smem>>
    %iota3A = tpu.iota {dimensions = array<i32: 0>} : vector<64x1xi32>
    %lt3A = vector.broadcast %get3A_2 : i32 to vector<64x1xi32>
    %lt3A_3 = arith.cmpi slt, %iota3A, %lt3A : vector<64x1xi32>
    %convert_element_type3A = arith.extui %lt3A_3 : vector<64x1xi1> to vector<64x1xi32>
    %convert_element_type3A_4 = arith.sitofp %convert_element_type3A : vector<64x1xi32> to vector<64x1xf32>
    %get3A_5 = arith.constant 0 : index
    %get3A_6 = arith.constant 0 : index
    %get3A_7 = vector.load %arg1[%get3A_5, %get3A_6] : memref<512x1024xf32, #tpu.memory_space<vmem>>, vector<64x1024xf32>
    %get3A_8 = arith.index_cast %add3A_1 : i32 to index
    %get3A_9 = arith.constant 0 : index
    %get3A_10 = vector.load %arg2[%get3A_8, %get3A_9] : memref<16x1024xf32, #tpu.memory_space<vmem>>, vector<1x1024xf32>
    %mul3A_11 = arith.constant 5.000000e-01 : f32
    %mul3A_12 = vector.broadcast %mul3A_11 : f32 to vector<64x1024xf32>
    %mul3A_13 = arith.mulf %mul3A_12, %get3A_7 : vector<64x1024xf32>
    %add3A_14 = vector.broadcast %get3A_10 : vector<1x1024xf32> to vector<64x1024xf32>
    %add3A_15 = arith.addf %mul3A_13, %add3A_14 : vector<64x1024xf32>
    %mul3A_16 = vector.broadcast %convert_element_type3A_4 : vector<64x1xf32> to vector<64x1024xf32>
    %mul3A_17 = arith.mulf %mul3A_16, %add3A_15 : vector<64x1024xf32>
    %get3A_18 = arith.constant 0 : index
    %get3A_19 = arith.constant 0 : index
    %get3A_20 = vector.load %arg4[%get3A_18, %get3A_19] : memref<1x1024xf32, #tpu.memory_space<vmem>>, vector<1x1024xf32>
    %add3A_21 = vector.broadcast %get3A_20 : vector<1x1024xf32> to vector<64x1024xf32>
    %add3A_22 = arith.addf %mul3A_17, %add3A_21 : vector<64x1024xf32>
    %max3A = arith.constant 0.000000e+00 : f32
    %max3A_23 = vector.broadcast %max3A : f32 to vector<64x1024xf32>
    %max3A_24 = arith.maximumf %add3A_22, %max3A_23 : vector<64x1024xf32>
    %get3A_25 = arith.constant 0 : index
    %get3A_26 = arith.constant 0 : index
    %get3A_27 = vector.load %arg5[%get3A_25, %get3A_26] : memref<1024x512xf32, #tpu.memory_space<vmem>>, vector<1024x512xf32>
    %dot_general3A = arith.constant dense<0.000000e+00> : vector<64x512xf32>
    %dot_general3A_28 = tpu.matmul %max3A_24, %get3A_27, %dot_general3A {dimension_numbers = #tpu.dot_dimension_numbers<[1], [0], [0], [1], [0, 0, 1, 1], [], []>, transpose_lhs_hint = false} : vector<64x1024xf32>, vector<1024x512xf32>, vector<64x512xf32> -> vector<64x512xf32>
    %get3A_29 = arith.constant 0 : index
    %get3A_30 = arith.constant 0 : index
    %get3A_31 = vector.load %arg6[%get3A_29, %get3A_30] : memref<1x512xf32, #tpu.memory_space<vmem>>, vector<1x512xf32>
    %add3A_32 = vector.broadcast %get3A_31 : vector<1x512xf32> to vector<64x512xf32>
    %add3A_33 = arith.addf %dot_general3A_28, %add3A_32 : vector<64x512xf32>
    %max3A_34 = arith.constant 0.000000e+00 : f32
    %max3A_35 = vector.broadcast %max3A_34 : f32 to vector<64x512xf32>
    %max3A_36 = arith.maximumf %add3A_33, %max3A_35 : vector<64x512xf32>
    %swap3A = arith.constant 0 : index
    %swap3A_37 = arith.constant 0 : index
    %swap3A_38 = vector.load %arg7[%swap3A, %swap3A_37] : memref<512x512xf32, #tpu.memory_space<vmem>>, vector<64x512xf32>
    tpu.vector_store %arg7[%swap3A, %swap3A_37], %max3A_36 {strides = array<i32>} : memref<512x512xf32, #tpu.memory_space<vmem>>, vector<64x512xf32>,
    %mul3A_39 = arith.constant 8 : i32
    %mul3A_40 = arith.muli %arg0, %mul3A_39 : i32
    %add3A_41 = arith.constant 1 : i32
    %add3A_42 = arith.addi %mul3A_40, %add3A_41 : i32
    %get3A_43 = arith.index_cast %add3A_42 : i32 to index
    %get3A_44 = memref.load %arg3[%get3A_43] : memref<16xi32, #tpu.memory_space<smem>>
    %iota3A_45 = tpu.iota {dimensions = array<i32: 0>} : vector<64x1xi32>
    %lt3A_46 = vector.broadcast %get3A_44 : i32 to vector<64x1xi32>
    %lt3A_47 = arith.cmpi slt, %iota3A_45, %lt3A_46 : vector<64x1xi32>
    %convert_element_type3A_48 = arith.extui %lt3A_47 : vector<64x1xi1> to vector<64x1xi32>
    %convert_element_type3A_49 = arith.sitofp %convert_element_type3A_48 : vector<64x1xi32> to vector<64x1xf32>
    %get3A_50 = arith.constant 64 : index
    %get3A_51 = arith.constant 0 : index
    %get3A_52 = vector.load %arg1[%get3A_50, %get3A_51] : memref<512x1024xf32, #tpu.memory_space<vmem>>, vector<64x1024xf32>
    %get3A_53 = arith.index_cast %add3A_42 : i32 to index
    %get3A_54 = arith.constant 0 : index
    %get3A_55 = vector.load %arg2[%get3A_53, %get3A_54] : memref<16x1024xf32, #tpu.memory_space<vmem>>, vector<1x1024xf32>
    %mul3A_56 = arith.constant 5.000000e-01 : f32
    %mul3A_57 = vector.broadcast %mul3A_56 : f32 to vector<64x1024xf32>
    %mul3A_58 = arith.mulf %mul3A_57, %get3A_52 : vector<64x1024xf32>
    %add3A_59 = vector.broadcast %get3A_55 : vector<1x1024xf32> to vector<64x1024xf32>
    %add3A_60 = arith.addf %mul3A_58, %add3A_59 : vector<64x1024xf32>
    %mul3A_61 = vector.broadcast %convert_element_type3A_49 : vector<64x1xf32> to vector<64x1024xf32>
    %mul3A_62 = arith.mulf %mul3A_61, %add3A_60 : vector<64x1024xf32>
    %get3A_63 = arith.constant 0 : index
    %get3A_64 = arith.constant 0 : index
    %get3A_65 = vector.load %arg4[%get3A_63, %get3A_64] : memref<1x1024xf32, #tpu.memory_space<vmem>>, vector<1x1024xf32>
    %add3A_66 = vector.broadcast %get3A_65 : vector<1x1024xf32> to vector<64x1024xf32>
    %add3A_67 = arith.addf %mul3A_62, %add3A_66 : vector<64x1024xf32>
    %max3A_68 = arith.constant 0.000000e+00 : f32
    %max3A_69 = vector.broadcast %max3A_68 : f32 to vector<64x1024xf32>
    %max3A_70 = arith.maximumf %add3A_67, %max3A_69 : vector<64x1024xf32>
    %get3A_71 = arith.constant 0 : index
    %get3A_72 = arith.constant 0 : index
    %get3A_73 = vector.load %arg5[%get3A_71, %get3A_72] : memref<1024x512xf32, #tpu.memory_space<vmem>>, vector<1024x512xf32>
    %dot_general3A_74 = arith.constant dense<0.000000e+00> : vector<64x512xf32>
    %dot_general3A_75 = tpu.matmul %max3A_70, %get3A_73, %dot_general3A_74 {dimension_numbers = #tpu.dot_dimension_numbers<[1], [0], [0], [1], [0, 0, 1, 1], [], []>, transpose_lhs_hint = false} : vector<64x1024xf32>, vector<1024x512xf32>, vector<64x512xf32> -> vector<64x512xf32>
    %get3A_76 = arith.constant 0 : index
    %get3A_77 = arith.constant 0 : index
    %get3A_78 = vector.load %arg6[%get3A_76, %get3A_77] : memref<1x512xf32, #tpu.memory_space<vmem>>, vector<1x512xf32>
    %add3A_79 = vector.broadcast %get3A_78 : vector<1x512xf32> to vector<64x512xf32>
    %add3A_80 = arith.addf %dot_general3A_75, %add3A_79 : vector<64x512xf32>
    %max3A_81 = arith.constant 0.000000e+00 : f32
    %max3A_82 = vector.broadcast %max3A_81 : f32 to vector<64x512xf32>
    %max3A_83 = arith.maximumf %add3A_80, %max3A_82 : vector<64x512xf32>
    %swap3A_84 = arith.constant 64 : index
    %swap3A_85 = arith.constant 0 : index
    %swap3A_86 = vector.load %arg7[%swap3A_84, %swap3A_85] : memref<512x512xf32, #tpu.memory_space<vmem>>, vector<64x512xf32>
    tpu.vector_store %arg7[%swap3A_84, %swap3A_85], %max3A_83 {strides = array<i32>} : memref<512x512xf32, #tpu.memory_space<vmem>>, vector<64x512xf32>,
    %mul3A_87 = arith.constant 8 : i32
    %mul3A_88 = arith.muli %arg0, %mul3A_87 : i32
    %add3A_89 = arith.constant 2 : i32
    %add3A_90 = arith.addi %mul3A_88, %add3A_89 : i32
    %get3A_91 = arith.index_cast %add3A_90 : i32 to index
    %get3A_92 = memref.load %arg3[%get3A_91] : memref<16xi32, #tpu.memory_space<smem>>
    %iota3A_93 = tpu.iota {dimensions = array<i32: 0>} : vector<64x1xi32>
    %lt3A_94 = vector.broadcast %get3A_92 : i32 to vector<64x1xi32>
    %lt3A_95 = arith.cmpi slt, %iota3A_93, %lt3A_94 : vector<64x1xi32>
    %convert_element_type3A_96 = arith.extui %lt3A_95 : vector<64x1xi1> to vector<64x1xi32>
    %convert_element_type3A_97 = arith.sitofp %convert_element_type3A_96 : vector<64x1xi32> to vector<64x1xf32>
    %get3A_98 = arith.constant 128 : index
    %get3A_99 = arith.constant 0 : index
    %get3A_100 = vector.load %arg1[%get3A_98, %get3A_99] : memref<512x1024xf32, #tpu.memory_space<vmem>>, vector<64x1024xf32>
    %get3A_101 = arith.index_cast %add3A_90 : i32 to index
    %get3A_102 = arith.constant 0 : index
    %get3A_103 = vector.load %arg2[%get3A_101, %get3A_102] : memref<16x1024xf32, #tpu.memory_space<vmem>>, vector<1x1024xf32>
    %mul3A_104 = arith.constant 5.000000e-01 : f32
    %mul3A_105 = vector.broadcast %mul3A_104 : f32 to vector<64x1024xf32>
    %mul3A_106 = arith.mulf %mul3A_105, %get3A_100 : vector<64x1024xf32>
    %add3A_107 = vector.broadcast %get3A_103 : vector<1x1024xf32> to vector<64x1024xf32>
    %add3A_108 = arith.addf %mul3A_106, %add3A_107 : vector<64x1024xf32>
    %mul3A_109 = vector.broadcast %convert_element_type3A_97 : vector<64x1xf32> to vector<64x1024xf32>
    %mul3A_110 = arith.mulf %mul3A_109, %add3A_108 : vector<64x1024xf32>
    %get3A_111 = arith.constant 0 : index
    %get3A_112 = arith.constant 0 : index
    %get3A_113 = vector.load %arg4[%get3A_111, %get3A_112] : memref<1x1024xf32, #tpu.memory_space<vmem>>, vector<1x1024xf32>
    %add3A_114 = vector.broadcast %get3A_113 : vector<1x1024xf32> to vector<64x1024xf32>
    %add3A_115 = arith.addf %mul3A_110, %add3A_114 : vector<64x1024xf32>
    %max3A_116 = arith.constant 0.000000e+00 : f32
    %max3A_117 = vector.broadcast %max3A_116 : f32 to vector<64x1024xf32>
    %max3A_118 = arith.maximumf %add3A_115, %max3A_117 : vector<64x1024xf32>
    %get3A_119 = arith.constant 0 : index
    %get3A_120 = arith.constant 0 : index
    %get3A_121 = vector.load %arg5[%get3A_119, %get3A_120] : memref<1024x512xf32, #tpu.memory_space<vmem>>, vector<1024x512xf32>
    %dot_general3A_122 = arith.constant dense<0.000000e+00> : vector<64x512xf32>
    %dot_general3A_123 = tpu.matmul %max3A_118, %get3A_121, %dot_general3A_122 {dimension_numbers = #tpu.dot_dimension_numbers<[1], [0], [0], [1], [0, 0, 1, 1], [], []>, transpose_lhs_hint = false} : vector<64x1024xf32>, vector<1024x512xf32>, vector<64x512xf32> -> vector<64x512xf32>
    %get3A_124 = arith.constant 0 : index
    %get3A_125 = arith.constant 0 : index
    %get3A_126 = vector.load %arg6[%get3A_124, %get3A_125] : memref<1x512xf32, #tpu.memory_space<vmem>>, vector<1x512xf32>
    %add3A_127 = vector.broadcast %get3A_126 : vector<1x512xf32> to vector<64x512xf32>
    %add3A_128 = arith.addf %dot_general3A_123, %add3A_127 : vector<64x512xf32>
    %max3A_129 = arith.constant 0.000000e+00 : f32
    %max3A_130 = vector.broadcast %max3A_129 : f32 to vector<64x512xf32>
    %max3A_131 = arith.maximumf %add3A_128, %max3A_130 : vector<64x512xf32>
    %swap3A_132 = arith.constant 128 : index
    %swap3A_133 = arith.constant 0 : index
    %swap3A_134 = vector.load %arg7[%swap3A_132, %swap3A_133] : memref<512x512xf32, #tpu.memory_space<vmem>>, vector<64x512xf32>
    tpu.vector_store %arg7[%swap3A_132, %swap3A_133], %max3A_131 {strides = array<i32>} : memref<512x512xf32, #tpu.memory_space<vmem>>, vector<64x512xf32>,
    %mul3A_135 = arith.constant 8 : i32
    %mul3A_136 = arith.muli %arg0, %mul3A_135 : i32
    %add3A_137 = arith.constant 3 : i32
    %add3A_138 = arith.addi %mul3A_136, %add3A_137 : i32
    %get3A_139 = arith.index_cast %add3A_138 : i32 to index
    %get3A_140 = memref.load %arg3[%get3A_139] : memref<16xi32, #tpu.memory_space<smem>>
    %iota3A_141 = tpu.iota {dimensions = array<i32: 0>} : vector<64x1xi32>
    %lt3A_142 = vector.broadcast %get3A_140 : i32 to vector<64x1xi32>
    %lt3A_143 = arith.cmpi slt, %iota3A_141, %lt3A_142 : vector<64x1xi32>
    %convert_element_type3A_144 = arith.extui %lt3A_143 : vector<64x1xi1> to vector<64x1xi32>
    %convert_element_type3A_145 = arith.sitofp %convert_element_type3A_144 : vector<64x1xi32> to vector<64x1xf32>
    %get3A_146 = arith.constant 192 : index
    %get3A_147 = arith.constant 0 : index
    %get3A_148 = vector.load %arg1[%get3A_146, %get3A_147] : memref<512x1024xf32, #tpu.memory_space<vmem>>, vector<64x1024xf32>
    %get3A_149 = arith.index_cast %add3A_138 : i32 to index
    %get3A_150 = arith.constant 0 : index
    %get3A_151 = vector.load %arg2[%get3A_149, %get3A_150] : memref<16x1024xf32, #tpu.memory_space<vmem>>, vector<1x1024xf32>
    %mul3A_152 = arith.constant 5.000000e-01 : f32
    %mul3A_153 = vector.broadcast %mul3A_152 : f32 to vector<64x1024xf32>
    %mul3A_154 = arith.mulf %mul3A_153, %get3A_148 : vector<64x1024xf32>
    %add3A_155 = vector.broadcast %get3A_151 : vector<1x1024xf32> to vector<64x1024xf32>
    %add3A_156 = arith.addf %mul3A_154, %add3A_155 : vector<64x1024xf32>
    %mul3A_157 = vector.broadcast %convert_element_type3A_145 : vector<64x1xf32> to vector<64x1024xf32>
    %mul3A_158 = arith.mulf %mul3A_157, %add3A_156 : vector<64x1024xf32>
    %get3A_159 = arith.constant 0 : index
    %get3A_160 = arith.constant 0 : index
    %get3A_161 = vector.load %arg4[%get3A_159, %get3A_160] : memref<1x1024xf32, #tpu.memory_space<vmem>>, vector<1x1024xf32>
    %add3A_162 = vector.broadcast %get3A_161 : vector<1x1024xf32> to vector<64x1024xf32>
    %add3A_163 = arith.addf %mul3A_158, %add3A_162 : vector<64x1024xf32>
    %max3A_164 = arith.constant 0.000000e+00 : f32
    %max3A_165 = vector.broadcast %max3A_164 : f32 to vector<64x1024xf32>
    %max3A_166 = arith.maximumf %add3A_163, %max3A_165 : vector<64x1024xf32>
    %get3A_167 = arith.constant 0 : index
    %get3A_168 = arith.constant 0 : index
    %get3A_169 = vector.load %arg5[%get3A_167, %get3A_168] : memref<1024x512xf32, #tpu.memory_space<vmem>>, vector<1024x512xf32>
    %dot_general3A_170 = arith.constant dense<0.000000e+00> : vector<64x512xf32>
    %dot_general3A_171 = tpu.matmul %max3A_166, %get3A_169, %dot_general3A_170 {dimension_numbers = #tpu.dot_dimension_numbers<[1], [0], [0], [1], [0, 0, 1, 1], [], []>, transpose_lhs_hint = false} : vector<64x1024xf32>, vector<1024x512xf32>, vector<64x512xf32> -> vector<64x512xf32>
    %get3A_172 = arith.constant 0 : index
    %get3A_173 = arith.constant 0 : index
    %get3A_174 = vector.load %arg6[%get3A_172, %get3A_173] : memref<1x512xf32, #tpu.memory_space<vmem>>, vector<1x512xf32>
    %add3A_175 = vector.broadcast %get3A_174 : vector<1x512xf32> to vector<64x512xf32>
    %add3A_176 = arith.addf %dot_general3A_171, %add3A_175 : vector<64x512xf32>
    %max3A_177 = arith.constant 0.000000e+00 : f32
    %max3A_178 = vector.broadcast %max3A_177 : f32 to vector<64x512xf32>
    %max3A_179 = arith.maximumf %add3A_176, %max3A_178 : vector<64x512xf32>
    %swap3A_180 = arith.constant 192 : index
    %swap3A_181 = arith.constant 0 : index
    %swap3A_182 = vector.load %arg7[%swap3A_180, %swap3A_181] : memref<512x512xf32, #tpu.memory_space<vmem>>, vector<64x512xf32>
    tpu.vector_store %arg7[%swap3A_180, %swap3A_181], %max3A_179 {strides = array<i32>} : memref<512x512xf32, #tpu.memory_space<vmem>>, vector<64x512xf32>,
    %mul3A_183 = arith.constant 8 : i32
    %mul3A_184 = arith.muli %arg0, %mul3A_183 : i32
    %add3A_185 = arith.constant 4 : i32
    %add3A_186 = arith.addi %mul3A_184, %add3A_185 : i32
    %get3A_187 = arith.index_cast %add3A_186 : i32 to index
    %get3A_188 = memref.load %arg3[%get3A_187] : memref<16xi32, #tpu.memory_space<smem>>
    %iota3A_189 = tpu.iota {dimensions = array<i32: 0>} : vector<64x1xi32>
    %lt3A_190 = vector.broadcast %get3A_188 : i32 to vector<64x1xi32>
    %lt3A_191 = arith.cmpi slt, %iota3A_189, %lt3A_190 : vector<64x1xi32>
    %convert_element_type3A_192 = arith.extui %lt3A_191 : vector<64x1xi1> to vector<64x1xi32>
    %convert_element_type3A_193 = arith.sitofp %convert_element_type3A_192 : vector<64x1xi32> to vector<64x1xf32>
    %get3A_194 = arith.constant 256 : index
    %get3A_195 = arith.constant 0 : index
    %get3A_196 = vector.load %arg1[%get3A_194, %get3A_195] : memref<512x1024xf32, #tpu.memory_space<vmem>>, vector<64x1024xf32>
    %get3A_197 = arith.index_cast %add3A_186 : i32 to index
    %get3A_198 = arith.constant 0 : index
    %get3A_199 = vector.load %arg2[%get3A_197, %get3A_198] : memref<16x1024xf32, #tpu.memory_space<vmem>>, vector<1x1024xf32>
    %mul3A_200 = arith.constant 5.000000e-01 : f32
    %mul3A_201 = vector.broadcast %mul3A_200 : f32 to vector<64x1024xf32>
    %mul3A_202 = arith.mulf %mul3A_201, %get3A_196 : vector<64x1024xf32>
    %add3A_203 = vector.broadcast %get3A_199 : vector<1x1024xf32> to vector<64x1024xf32>
    %add3A_204 = arith.addf %mul3A_202, %add3A_203 : vector<64x1024xf32>
    %mul3A_205 = vector.broadcast %convert_element_type3A_193 : vector<64x1xf32> to vector<64x1024xf32>
    %mul3A_206 = arith.mulf %mul3A_205, %add3A_204 : vector<64x1024xf32>
    %get3A_207 = arith.constant 0 : index
    %get3A_208 = arith.constant 0 : index
    %get3A_209 = vector.load %arg4[%get3A_207, %get3A_208] : memref<1x1024xf32, #tpu.memory_space<vmem>>, vector<1x1024xf32>
    %add3A_210 = vector.broadcast %get3A_209 : vector<1x1024xf32> to vector<64x1024xf32>
    %add3A_211 = arith.addf %mul3A_206, %add3A_210 : vector<64x1024xf32>
    %max3A_212 = arith.constant 0.000000e+00 : f32
    %max3A_213 = vector.broadcast %max3A_212 : f32 to vector<64x1024xf32>
    %max3A_214 = arith.maximumf %add3A_211, %max3A_213 : vector<64x1024xf32>
    %get3A_215 = arith.constant 0 : index
    %get3A_216 = arith.constant 0 : index
    %get3A_217 = vector.load %arg5[%get3A_215, %get3A_216] : memref<1024x512xf32, #tpu.memory_space<vmem>>, vector<1024x512xf32>
    %dot_general3A_218 = arith.constant dense<0.000000e+00> : vector<64x512xf32>
    %dot_general3A_219 = tpu.matmul %max3A_214, %get3A_217, %dot_general3A_218 {dimension_numbers = #tpu.dot_dimension_numbers<[1], [0], [0], [1], [0, 0, 1, 1], [], []>, transpose_lhs_hint = false} : vector<64x1024xf32>, vector<1024x512xf32>, vector<64x512xf32> -> vector<64x512xf32>
    %get3A_220 = arith.constant 0 : index
    %get3A_221 = arith.constant 0 : index
    %get3A_222 = vector.load %arg6[%get3A_220, %get3A_221] : memref<1x512xf32, #tpu.memory_space<vmem>>, vector<1x512xf32>
    %add3A_223 = vector.broadcast %get3A_222 : vector<1x512xf32> to vector<64x512xf32>
    %add3A_224 = arith.addf %dot_general3A_219, %add3A_223 : vector<64x512xf32>
    %max3A_225 = arith.constant 0.000000e+00 : f32
    %max3A_226 = vector.broadcast %max3A_225 : f32 to vector<64x512xf32>
    %max3A_227 = arith.maximumf %add3A_224, %max3A_226 : vector<64x512xf32>
    %swap3A_228 = arith.constant 256 : index
    %swap3A_229 = arith.constant 0 : index
    %swap3A_230 = vector.load %arg7[%swap3A_228, %swap3A_229] : memref<512x512xf32, #tpu.memory_space<vmem>>, vector<64x512xf32>
    tpu.vector_store %arg7[%swap3A_228, %swap3A_229], %max3A_227 {strides = array<i32>} : memref<512x512xf32, #tpu.memory_space<vmem>>, vector<64x512xf32>,
    %mul3A_231 = arith.constant 8 : i32
    %mul3A_232 = arith.muli %arg0, %mul3A_231 : i32
    %add3A_233 = arith.constant 5 : i32
    %add3A_234 = arith.addi %mul3A_232, %add3A_233 : i32
    %get3A_235 = arith.index_cast %add3A_234 : i32 to index
    %get3A_236 = memref.load %arg3[%get3A_235] : memref<16xi32, #tpu.memory_space<smem>>
    %iota3A_237 = tpu.iota {dimensions = array<i32: 0>} : vector<64x1xi32>
    %lt3A_238 = vector.broadcast %get3A_236 : i32 to vector<64x1xi32>
    %lt3A_239 = arith.cmpi slt, %iota3A_237, %lt3A_238 : vector<64x1xi32>
    %convert_element_type3A_240 = arith.extui %lt3A_239 : vector<64x1xi1> to vector<64x1xi32>
    %convert_element_type3A_241 = arith.sitofp %convert_element_type3A_240 : vector<64x1xi32> to vector<64x1xf32>
    %get3A_242 = arith.constant 320 : index
    %get3A_243 = arith.constant 0 : index
    %get3A_244 = vector.load %arg1[%get3A_242, %get3A_243] : memref<512x1024xf32, #tpu.memory_space<vmem>>, vector<64x1024xf32>
    %get3A_245 = arith.index_cast %add3A_234 : i32 to index
    %get3A_246 = arith.constant 0 : index
    %get3A_247 = vector.load %arg2[%get3A_245, %get3A_246] : memref<16x1024xf32, #tpu.memory_space<vmem>>, vector<1x1024xf32>
    %mul3A_248 = arith.constant 5.000000e-01 : f32
    %mul3A_249 = vector.broadcast %mul3A_248 : f32 to vector<64x1024xf32>
    %mul3A_250 = arith.mulf %mul3A_249, %get3A_244 : vector<64x1024xf32>
    %add3A_251 = vector.broadcast %get3A_247 : vector<1x1024xf32> to vector<64x1024xf32>
    %add3A_252 = arith.addf %mul3A_250, %add3A_251 : vector<64x1024xf32>
    %mul3A_253 = vector.broadcast %convert_element_type3A_241 : vector<64x1xf32> to vector<64x1024xf32>
    %mul3A_254 = arith.mulf %mul3A_253, %add3A_252 : vector<64x1024xf32>
    %get3A_255 = arith.constant 0 : index
    %get3A_256 = arith.constant 0 : index
    %get3A_257 = vector.load %arg4[%get3A_255, %get3A_256] : memref<1x1024xf32, #tpu.memory_space<vmem>>, vector<1x1024xf32>
    %add3A_258 = vector.broadcast %get3A_257 : vector<1x1024xf32> to vector<64x1024xf32>
    %add3A_259 = arith.addf %mul3A_254, %add3A_258 : vector<64x1024xf32>
    %max3A_260 = arith.constant 0.000000e+00 : f32
    %max3A_261 = vector.broadcast %max3A_260 : f32 to vector<64x1024xf32>
    %max3A_262 = arith.maximumf %add3A_259, %max3A_261 : vector<64x1024xf32>
    %get3A_263 = arith.constant 0 : index
    %get3A_264 = arith.constant 0 : index
    %get3A_265 = vector.load %arg5[%get3A_263, %get3A_264] : memref<1024x512xf32, #tpu.memory_space<vmem>>, vector<1024x512xf32>
    %dot_general3A_266 = arith.constant dense<0.000000e+00> : vector<64x512xf32>
    %dot_general3A_267 = tpu.matmul %max3A_262, %get3A_265, %dot_general3A_266 {dimension_numbers = #tpu.dot_dimension_numbers<[1], [0], [0], [1], [0, 0, 1, 1], [], []>, transpose_lhs_hint = false} : vector<64x1024xf32>, vector<1024x512xf32>, vector<64x512xf32> -> vector<64x512xf32>
    %get3A_268 = arith.constant 0 : index
    %get3A_269 = arith.constant 0 : index
    %get3A_270 = vector.load %arg6[%get3A_268, %get3A_269] : memref<1x512xf32, #tpu.memory_space<vmem>>, vector<1x512xf32>
    %add3A_271 = vector.broadcast %get3A_270 : vector<1x512xf32> to vector<64x512xf32>
    %add3A_272 = arith.addf %dot_general3A_267, %add3A_271 : vector<64x512xf32>
    %max3A_273 = arith.constant 0.000000e+00 : f32
    %max3A_274 = vector.broadcast %max3A_273 : f32 to vector<64x512xf32>
    %max3A_275 = arith.maximumf %add3A_272, %max3A_274 : vector<64x512xf32>
    %swap3A_276 = arith.constant 320 : index
    %swap3A_277 = arith.constant 0 : index
    %swap3A_278 = vector.load %arg7[%swap3A_276, %swap3A_277] : memref<512x512xf32, #tpu.memory_space<vmem>>, vector<64x512xf32>
    tpu.vector_store %arg7[%swap3A_276, %swap3A_277], %max3A_275 {strides = array<i32>} : memref<512x512xf32, #tpu.memory_space<vmem>>, vector<64x512xf32>,
    %mul3A_279 = arith.constant 8 : i32
    %mul3A_280 = arith.muli %arg0, %mul3A_279 : i32
    %add3A_281 = arith.constant 6 : i32
    %add3A_282 = arith.addi %mul3A_280, %add3A_281 : i32
    %get3A_283 = arith.index_cast %add3A_282 : i32 to index
    %get3A_284 = memref.load %arg3[%get3A_283] : memref<16xi32, #tpu.memory_space<smem>>
    %iota3A_285 = tpu.iota {dimensions = array<i32: 0>} : vector<64x1xi32>
    %lt3A_286 = vector.broadcast %get3A_284 : i32 to vector<64x1xi32>
    %lt3A_287 = arith.cmpi slt, %iota3A_285, %lt3A_286 : vector<64x1xi32>
    %convert_element_type3A_288 = arith.extui %lt3A_287 : vector<64x1xi1> to vector<64x1xi32>
    %convert_element_type3A_289 = arith.sitofp %convert_element_type3A_288 : vector<64x1xi32> to vector<64x1xf32>
    %get3A_290 = arith.constant 384 : index
    %get3A_291 = arith.constant 0 : index
    %get3A_292 = vector.load %arg1[%get3A_290, %get3A_291] : memref<512x1024xf32, #tpu.memory_space<vmem>>, vector<64x1024xf32>
    %get3A_293 = arith.index_cast %add3A_282 : i32 to index
    %get3A_294 = arith.constant 0 : index
    %get3A_295 = vector.load %arg2[%get3A_293, %get3A_294] : memref<16x1024xf32, #tpu.memory_space<vmem>>, vector<1x1024xf32>
    %mul3A_296 = arith.constant 5.000000e-01 : f32
    %mul3A_297 = vector.broadcast %mul3A_296 : f32 to vector<64x1024xf32>
    %mul3A_298 = arith.mulf %mul3A_297, %get3A_292 : vector<64x1024xf32>
    %add3A_299 = vector.broadcast %get3A_295 : vector<1x1024xf32> to vector<64x1024xf32>
    %add3A_300 = arith.addf %mul3A_298, %add3A_299 : vector<64x1024xf32>
    %mul3A_301 = vector.broadcast %convert_element_type3A_289 : vector<64x1xf32> to vector<64x1024xf32>
    %mul3A_302 = arith.mulf %mul3A_301, %add3A_300 : vector<64x1024xf32>
    %get3A_303 = arith.constant 0 : index
    %get3A_304 = arith.constant 0 : index
    %get3A_305 = vector.load %arg4[%get3A_303, %get3A_304] : memref<1x1024xf32, #tpu.memory_space<vmem>>, vector<1x1024xf32>
    %add3A_306 = vector.broadcast %get3A_305 : vector<1x1024xf32> to vector<64x1024xf32>
    %add3A_307 = arith.addf %mul3A_302, %add3A_306 : vector<64x1024xf32>
    %max3A_308 = arith.constant 0.000000e+00 : f32
    %max3A_309 = vector.broadcast %max3A_308 : f32 to vector<64x1024xf32>
    %max3A_310 = arith.maximumf %add3A_307, %max3A_309 : vector<64x1024xf32>
    %get3A_311 = arith.constant 0 : index
    %get3A_312 = arith.constant 0 : index
    %get3A_313 = vector.load %arg5[%get3A_311, %get3A_312] : memref<1024x512xf32, #tpu.memory_space<vmem>>, vector<1024x512xf32>
    %dot_general3A_314 = arith.constant dense<0.000000e+00> : vector<64x512xf32>
    %dot_general3A_315 = tpu.matmul %max3A_310, %get3A_313, %dot_general3A_314 {dimension_numbers = #tpu.dot_dimension_numbers<[1], [0], [0], [1], [0, 0, 1, 1], [], []>, transpose_lhs_hint = false} : vector<64x1024xf32>, vector<1024x512xf32>, vector<64x512xf32> -> vector<64x512xf32>
    %get3A_316 = arith.constant 0 : index
    %get3A_317 = arith.constant 0 : index
    %get3A_318 = vector.load %arg6[%get3A_316, %get3A_317] : memref<1x512xf32, #tpu.memory_space<vmem>>, vector<1x512xf32>
    %add3A_319 = vector.broadcast %get3A_318 : vector<1x512xf32> to vector<64x512xf32>
    %add3A_320 = arith.addf %dot_general3A_315, %add3A_319 : vector<64x512xf32>
    %max3A_321 = arith.constant 0.000000e+00 : f32
    %max3A_322 = vector.broadcast %max3A_321 : f32 to vector<64x512xf32>
    %max3A_323 = arith.maximumf %add3A_320, %max3A_322 : vector<64x512xf32>
    %swap3A_324 = arith.constant 384 : index
    %swap3A_325 = arith.constant 0 : index
    %swap3A_326 = vector.load %arg7[%swap3A_324, %swap3A_325] : memref<512x512xf32, #tpu.memory_space<vmem>>, vector<64x512xf32>
    tpu.vector_store %arg7[%swap3A_324, %swap3A_325], %max3A_323 {strides = array<i32>} : memref<512x512xf32, #tpu.memory_space<vmem>>, vector<64x512xf32>,
    %mul3A_327 = arith.constant 8 : i32
    %mul3A_328 = arith.muli %arg0, %mul3A_327 : i32
    %add3A_329 = arith.constant 7 : i32
    %add3A_330 = arith.addi %mul3A_328, %add3A_329 : i32
    %get3A_331 = arith.index_cast %add3A_330 : i32 to index
    %get3A_332 = memref.load %arg3[%get3A_331] : memref<16xi32, #tpu.memory_space<smem>>
    %iota3A_333 = tpu.iota {dimensions = array<i32: 0>} : vector<64x1xi32>
    %lt3A_334 = vector.broadcast %get3A_332 : i32 to vector<64x1xi32>
    %lt3A_335 = arith.cmpi slt, %iota3A_333, %lt3A_334 : vector<64x1xi32>
    %convert_element_type3A_336 = arith.extui %lt3A_335 : vector<64x1xi1> to vector<64x1xi32>
    %convert_element_type3A_337 = arith.sitofp %convert_element_type3A_336 : vector<64x1xi32> to vector<64x1xf32>
    %get3A_338 = arith.constant 448 : index
    %get3A_339 = arith.constant 0 : index
    %get3A_340 = vector.load %arg1[%get3A_338, %get3A_339] : memref<512x1024xf32, #tpu.memory_space<vmem>>, vector<64x1024xf32>
    %get3A_341 = arith.index_cast %add3A_330 : i32 to index
    %get3A_342 = arith.constant 0 : index
    %get3A_343 = vector.load %arg2[%get3A_341, %get3A_342] : memref<16x1024xf32, #tpu.memory_space<vmem>>, vector<1x1024xf32>
    %mul3A_344 = arith.constant 5.000000e-01 : f32
    %mul3A_345 = vector.broadcast %mul3A_344 : f32 to vector<64x1024xf32>
    %mul3A_346 = arith.mulf %mul3A_345, %get3A_340 : vector<64x1024xf32>
    %add3A_347 = vector.broadcast %get3A_343 : vector<1x1024xf32> to vector<64x1024xf32>
    %add3A_348 = arith.addf %mul3A_346, %add3A_347 : vector<64x1024xf32>
    %mul3A_349 = vector.broadcast %convert_element_type3A_337 : vector<64x1xf32> to vector<64x1024xf32>
    %mul3A_350 = arith.mulf %mul3A_349, %add3A_348 : vector<64x1024xf32>
    %get3A_351 = arith.constant 0 : index
    %get3A_352 = arith.constant 0 : index
    %get3A_353 = vector.load %arg4[%get3A_351, %get3A_352] : memref<1x1024xf32, #tpu.memory_space<vmem>>, vector<1x1024xf32>
    %add3A_354 = vector.broadcast %get3A_353 : vector<1x1024xf32> to vector<64x1024xf32>
    %add3A_355 = arith.addf %mul3A_350, %add3A_354 : vector<64x1024xf32>
    %max3A_356 = arith.constant 0.000000e+00 : f32
    %max3A_357 = vector.broadcast %max3A_356 : f32 to vector<64x1024xf32>
    %max3A_358 = arith.maximumf %add3A_355, %max3A_357 : vector<64x1024xf32>
    %get3A_359 = arith.constant 0 : index
    %get3A_360 = arith.constant 0 : index
    %get3A_361 = vector.load %arg5[%get3A_359, %get3A_360] : memref<1024x512xf32, #tpu.memory_space<vmem>>, vector<1024x512xf32>
    %dot_general3A_362 = arith.constant dense<0.000000e+00> : vector<64x512xf32>
    %dot_general3A_363 = tpu.matmul %max3A_358, %get3A_361, %dot_general3A_362 {dimension_numbers = #tpu.dot_dimension_numbers<[1], [0], [0], [1], [0, 0, 1, 1], [], []>, transpose_lhs_hint = false} : vector<64x1024xf32>, vector<1024x512xf32>, vector<64x512xf32> -> vector<64x512xf32>
    %get3A_364 = arith.constant 0 : index
    %get3A_365 = arith.constant 0 : index
    %get3A_366 = vector.load %arg6[%get3A_364, %get3A_365] : memref<1x512xf32, #tpu.memory_space<vmem>>, vector<1x512xf32>
    %add3A_367 = vector.broadcast %get3A_366 : vector<1x512xf32> to vector<64x512xf32>
    %add3A_368 = arith.addf %dot_general3A_363, %add3A_367 : vector<64x512xf32>
    %max3A_369 = arith.constant 0.000000e+00 : f32
    %max3A_370 = vector.broadcast %max3A_369 : f32 to vector<64x512xf32>
    %max3A_371 = arith.maximumf %add3A_368, %max3A_370 : vector<64x512xf32>
    %swap3A_372 = arith.constant 448 : index
    %swap3A_373 = arith.constant 0 : index
    %swap3A_374 = vector.load %arg7[%swap3A_372, %swap3A_373] : memref<512x512xf32, #tpu.memory_space<vmem>>, vector<64x512xf32>
    tpu.vector_store %arg7[%swap3A_372, %swap3A_373], %max3A_371 {strides = array<i32>} : memref<512x512xf32, #tpu.memory_space<vmem>>, vector<64x512xf32>,
    return
  }
  func.func @transform_0(%arg0: i32) -> (i32, i32) {
    %c0_i32 = arith.constant 0 : i32
    %c0_i32_0 = arith.constant 0 : i32
    return %arg0, %c0_i32 : i32, i32
  }
  func.func @transform_1(%arg0: i32) -> (i32, i32) {
    %c0_i32 = arith.constant 0 : i32
    %c0_i32_0 = arith.constant 0 : i32
    %c0_i32_1 = arith.constant 0 : i32
    return %c0_i32, %c0_i32_0 : i32, i32
  }
  func.func @transform_2(%arg0: i32) -> i32 {
    %c0_i32 = arith.constant 0 : i32
    %c0_i32_0 = arith.constant 0 : i32
    return %c0_i32 : i32
  }
  func.func @transform_3(%arg0: i32) -> (i32, i32) {
    %c0_i32 = arith.constant 0 : i32
    %c0_i32_0 = arith.constant 0 : i32
    %c0_i32_1 = arith.constant 0 : i32
    return %c0_i32, %c0_i32_0 : i32, i32
  }
  func.func @transform_4(%arg0: i32) -> (i32, i32) {
    %c0_i32 = arith.constant 0 : i32
    %c0_i32_0 = arith.constant 0 : i32
    %c0_i32_1 = arith.constant 0 : i32
    return %c0_i32, %c0_i32_0 : i32, i32
  }
  func.func @transform_5(%arg0: i32) -> (i32, i32) {
    %c0_i32 = arith.constant 0 : i32
    %c0_i32_0 = arith.constant 0 : i32
    %c0_i32_1 = arith.constant 0 : i32
    return %c0_i32, %c0_i32_0 : i32, i32
  }
  func.func @transform_6(%arg0: i32) -> (i32, i32) {
    %c0_i32 = arith.constant 0 : i32
    %c0_i32_0 = arith.constant 0 : i32
    return %arg0, %c0_i32 : i32, i32
  }
}

</mosaic_0001>

<sc_bundles>
// kernel: kernel.6.cloned.1.call-start
scs
__scs_entry_jumppad:
0x0: {  	(pc) =	sbr.rel $0x88, $3  }
0x1: {  	(tag) =	ssettag $0x0;
	lr =	simm.s32 $0x1  }
0x2: {  	[smem:$0x3F95] =	sst lr;
	_ =	strace $0xD0000000  }
0x3: {  	_ = 	snop  }
0x4: {  	_ = 	snop  }
0x5: {  	_ = 	snop  }
0x6: {  	_ = 	snop  }
0x7: {  	_ = 	snop  }
__scs_overlays_trampoline_lowered:
0x8: {  	[smem:$0x3FA4] =	sst s0  }
0x9: {  	[smem:$0x3FA5] =	sst s1  }
0xa: {  	[smem:$0x3FA6] =	sst s2  }
0xb: {  	[smem:$0x3FA7] =	sst s3  }
0xc: {  	[smem:$0x3FA8] =	sst s4  }
0xd: {  	[smem:$0x3FA9] =	sst s5  }
0xe: {  	[smem:$0x3FAA] =	sst s6  }
0xf: {  	[smem:$0x3FAB] =	sst s7  }
0x10: {  	[smem:$0x3FAC] =	sst s8  }
0x11: {  	[smem:$0x3FAD] =	sst s9;
	s0 =	simm.s32 @!p0 $0x0  }
0x12: {  	s1 =	sld [smem:$0x3F93];
	s0 =	simm.s32 @p0 $0x1  }
0x13: {  	[smem:$0x3FAE] =	sst s0;
	s0 =	simm.s32 @!p1 $0x0  }
0x14: {  	s2 =	sld [smem:$0x3F92];
	s0 =	simm.s32 @p1 $0x1  }
0x15: {  	[smem:$0x3FAF] =	sst s0;
	s0 =	simm.s32 @!p2 $0x0  }
0x16: {  	s3 =	sld [smem:$0x3FDB];
	s0 =	simm.s32 @p2 $0x1  }
0x17: {  	s4 =	simm.s32 $0x1BF5;
	[smem:$0x3FB1] =	sst s0  }
0x18: {  	s0 =	sld [smem:$0x3F94];
	_ =	swait.ge [sflag:s4], $0x0  }
0x19: {  	s7 =	sld [smem:$0x3F95]  }
0x1a: {  	s8 =	sadd.s32 $0xFFFFE003, lr  }
0x1b: {  	s9 =	sadd.s32 $0xFFFFFEF7, lr;
	s5 =	simm.s32 $0xFFFFFFFF;
	p2 =	slt.u32 s8, $0xFFFFF086  }
0x1c: {  	p1 =	slt.u32 s9, $0xF7A;
	s5 =	simm.s32 @!p2 $0x0  }
0x1d: {  	s5 =	simm.s32 @p1 $0x1;
	p0 =	seq.s32 s7, s2  }
0x1e: {  	s7 =	smul.u32 @!p0 $0xF7A, s2;
	p2 =	seq.s32 @!p0 s5, $0x0  }
0x1f: {  	s9 =	smul.u32 $0xF7A, s1;
	s8 =	simm.s32 @!p0 $0x1BF5;
	p2 =	por !p2, p0  }
0x20: {  	[sflag:s8] =	ssyncset.s32 @!p0 $0xFFFFF086;
	s6 =	sadd.s32 @!p0 s3, s7;
	s7 =	simm.s32 @!p0 $0x108  }
0x21: {  	s3 =	sadd.s32 s3, s9;
	s6 =	sadd.s32 @!p0 $0x88, s6;
	s7 =	simm.s32 @p2 $0x1082  }
0x22: {  	[simem:s7], [sflag:s8] =	dma.local @!p0 [hbm:s6], $0xF7A  }
0x23: {  	s9 =	sor.u32 $0xD0000000, s2;
	s6 =	simm.s32 $0x108;
	_ =	swait.ge @!p0 [sflag:s8], $0x0  }
0x24: {  	s3 =	sadd.s32 $0x88, s3;
	s6 =	simm.s32 @!p1 $0x1082;
	[sflag:s4] =	ssyncset.s32 $0xFFFFF086  }
0x25: {  	[simem:s6], [sflag:s4] =	dma.local [hbm:s3], $0xF7A  }
0x26: {  	[smem:$0x3F95] =	sst s1;
	(tag) =	ssettag s2;
	_ =	strace s9  }
0x27: {  	s1 =	sld [smem:$0x3FA5]  }
0x28: {  	s2 =	sld [smem:$0x3FA6]  }
0x29: {  	s4 =	sld [smem:$0x3FA8]  }
0x2a: {  	p0 =	seq.s32 s5, $0x0;
	s5 =	sld [smem:$0x3FA9]  }
0x2b: {  	s6 =	sld [smem:$0x3FAA]  }
0x2c: {  	s7 =	sld [smem:$0x3FAB]  }
0x2d: {  	s3 =	simm.s32 $0x108;
	s8 =	sld [smem:$0x3FAC]  }
0x2e: {  	s3 =	simm.s32 @!p0 $0x1082;
	s9 =	sld [smem:$0x3FAD]  }
0x2f: {  	lr =	sadd.s32 s0, s3;
	s0 =	sld [smem:$0x3FA4]  }
0x30: {  	s3 =	sld [smem:$0x3FA7]  }
0x31: {  	[smem:$0x3FB0] =	sst s10  }
0x32: {  	s10 =	sld [smem:$0x3FAE];
	_ =	sdelay $0x3  }
0x33: {  	p0 =	seq.s32 s10, $0x1;
	s10 =	sld [smem:$0x3FB0];
	_ =	sdelay $0x3  }
0x34: {  	[smem:$0x3FB0] =	sst s10  }
0x35: {  	s10 =	sld [smem:$0x3FAF];
	_ =	sdelay $0x3  }
0x36: {  	p1 =	seq.s32 s10, $0x1;
	s10 =	sld [smem:$0x3FB0];
	_ =	sdelay $0x3  }
0x37: {  	[smem:$0x3FB0] =	sst s10  }
0x38: {  	s10 =	sld [smem:$0x3FB1]  }
0x39: {  	_ = 	snop;
	(pc) =	sbr.ind lr, $3  }
0x3a: {  	_ = 	snop  }
0x3b: {  	_ = 	snop  }
0x3c: {  	p2 =	seq.s32 s10, $0x1;
	s10 =	sld [smem:$0x3FB0]  }
0x3d: {  	_ =	shalt  }
0x3e: {  	_ =	shalt  }
0x3f: {  	_ =	shalt  }
0x40: {  	_ =	shalt  }
0x41: {  	_ =	shalt  }
0x42: {  	_ =	shalt  }
0x43: {  	_ =	shalt  }
0x44: {  	_ =	shalt  }
0x45: {  	_ =	shalt  }
0x46: {  	_ =	shalt  }
0x47: {  	_ =	shalt  }
0x48: {  	_ =	shalt  }
0x49: {  	_ =	shalt  }
0x4a: {  	_ =	shalt  }
0x4b: {  	_ =	shalt  }
0x4c: {  	_ =	shalt  }
0x4d: {  	_ =	shalt  }
0x4e: {  	_ =	shalt  }
0x4f: {  	_ =	shalt  }
0x50: {  	_ =	shalt  }
0x51: {  	_ =	shalt  }
0x52: {  	_ =	shalt  }
0x53: {  	_ =	shalt  }
0x54: {  	_ =	shalt  }
0x55: {  	_ =	shalt  }
0x56: {  	_ =	shalt  }
0x57: {  	_ =	shalt  }
0x58: {  	_ =	shalt  }
0x59: {  	_ =	shalt  }
0x5a: {  	_ =	shalt  }
0x5b: {  	_ =	shalt  }
0x5c: {  	_ =	shalt  }
0x5d: {  	_ =	shalt  }
0x5e: {  	_ =	shalt  }
0x5f: {  	_ =	shalt  }
0x60: {  	_ =	shalt  }
0x61: {  	_ =	shalt  }
0x62: {  	_ =	shalt  }
0x63: {  	_ =	shalt  }
0x64: {  	_ =	shalt  }
0x65: {  	_ =	shalt  }
0x66: {  	_ =	shalt  }
0x67: {  	_ =	shalt  }
0x68: {  	_ =	shalt  }
0x69: {  	_ =	shalt  }
0x6a: {  	_ =	shalt  }
0x6b: {  	_ =	shalt  }
0x6c: {  	_ =	shalt  }
0x6d: {  	_ =	shalt  }
0x6e: {  	_ =	shalt  }
0x6f: {  	_ =	shalt  }
0x70: {  	_ =	shalt  }
0x71: {  	_ =	shalt  }
0x72: {  	_ =	shalt  }
0x73: {  	_ =	shalt  }
0x74: {  	_ =	shalt  }
0x75: {  	_ =	shalt  }
0x76: {  	_ =	shalt  }
0x77: {  	_ =	shalt  }
0x78: {  	_ =	shalt  }
0x79: {  	_ =	shalt  }
0x7a: {  	_ =	shalt  }
0x7b: {  	_ =	shalt  }
0x7c: {  	_ =	shalt  }
0x7d: {  	_ =	shalt  }
0x7e: {  	_ =	shalt  }
0x7f: {  	_ =	shalt  }
0x80: {  	_ =	shalt  }
0x81: {  	_ =	shalt  }
0x82: {  	_ =	shalt  }
0x83: {  	_ =	shalt  }
0x84: {  	_ =	shalt  }
0x85: {  	_ =	shalt  }
0x86: {  	_ =	shalt  }
0x87: {  	_ =	shalt  }
.Lfunc_end0:
.L_simem_size_0:
called_computation_lowered:
.L_overlay_start_0:
0x88: {  	s2 =	sld [smem:$0x3FD9]  }
0x89: {  	s3 =	sld [smem:$0x3FFE];
	_ =	sdelay $0x1  }
0x8a: {  	s1 =	srdreg.scid  }
0x8b: {  	s0 =	sand.u32 $0x1, s1  }
0x8c: {  	s14 =	sshll.u32 s0, $0xA;
	s2 =	sadd.s32 s3, s2  }
0x8d: {  	s2 =	sadd.s32 s2, s14  }
0x8e: {  	[smem:$0x3FBC] =	sst s2  }
0x8f: {  	_ = 	snop  }
0x90: {  	s2 =	sld [smem:$0x3FD0];
	_ =	sdelay $0x2  }
0x91: {  	s15 =	simm.s32 $0xA;
	s4 =	simm.s32 $0x10  }
0x92: {  	[smem:s4], [sflag:s15] =	dma.local [hbm:s2], $0x1  }
0x93: {  	_ =	swait.eq [sflag:s15], $0x1  }
0x94: {  	[sflag:s15] =	ssyncset.done $0x0  }
0x95: {  	[sflag:s15] =	ssyncadd.s32 $0xFFFFFFFF  }
0x96: {  	s16 =	sld [smem:$0x11];
	(tm) =	ssettm $0x1  }
0x97: {  	s17 =	sld [smem:$0x3FFB];
	_ =	sdelay $0x3  }
0x98: {  	_ =	strace s17  }
0x99: {  	s3 =	sld [smem:$0x3FFC];
	_ =	sdelay $0x3  }
0x9a: {  	_ =	strace s3  }
0x9b: {  	s3 =	sld [smem:$0x3FFD];
	_ =	sdelay $0x3  }
0x9c: {  	_ =	strace s3  }
0x9d: {  	_ =	strace $0x8FFFFFFF  }
0x9e: {  	s18 =	sld [smem:$0x3FDB];
	_ =	sdelay $0x1  }
0x9f: {  	s19 =	simm.s32 $_scs_section_size  }
0xa0: {  	s5 =	simm.s32 $_size__tile_overlayer_lowered;
	s6 =	simm.s32 $_tile_overlayer_lowered  }
0xa1: {  	s22 =	simm.s32 $0x1BFF;
	s21 =	sshll.u32 s6, $0x1;
	s3 =	sadd.s32 s19, s18  }
0xa2: {  	s7 =	simm.s32 $0x0;
	s20 =	sshll.u32 s5, $0x1;
	s5 =	sadd.s32 s21, s3  }
0xa3: {  	[timem:s7], [sflag:s22] =	dma.local [hbm:s5], s20  }
0xa4: {  	_ =	swait.ge [sflag:s22], s20  }
0xa5: {  	s4 =	ssub.s32 $0x0, s20;
	[sflag:s22] =	ssyncset.done $0x0  }
0xa6: {  	[sflag:s22] =	ssyncadd.s32 s4;
	_ =	sdelay $0x1  }
0xa7: {  	s23 =	simm.s32 $0x1B8B  }
0xa8: {  	_ =	swait.ge [sflag:s23], $0x1  }
0xa9: {  	[sflag:s23] =	ssyncset.done $0x0  }
0xaa: {  	s25 =	simm.s32 $0x1B8E;
	s24 =	sld [smem:$0x3FFE];
	[sflag:s23] =	ssyncadd.s32 $0xFFFFFFFF  }
0xab: {  	s26 =	simm.s32 $execute0_lowered;
	[smem:$0x3FD2] =	sst s25  }
0xac: {  	s5 =	sshll.u32 s26, $0x1;
	_ =	strace $0x80000046;
	[dreg:$0x1] =	wrdreg $0xFFFFFFFF  }
0xad: {  	s28 =	simm.s32 $_size_execute0_lowered;
	s3 =	sadd.s32 s3, s5;
	[dreg:$0x0] =	wrdreg $0x0  }
0xae: {  	s5 =	sshll.u32 s28, $0x1;
	[dreg:$0x2] =	wrdreg s3  }
0xaf: {  	[dreg:$0x3] =	wrdreg s5  }
0xb0: {  	[dreg:$0x4] =	wrdreg $0xC0  }
0xb1: {  	_ =	task [dreg:s7], $0x5FFFF  }
0xb2: {  	[dreg:$0x1] =	wrdreg $0xFFFFFFFF  }
0xb3: {  	[dreg:$0x0] =	wrdreg $0x60  }
0xb4: {  	[dreg:$0x2] =	wrdreg s16  }
0xb5: {  	[dreg:$0x3] =	wrdreg s24  }
0xb6: {  	[dreg:$0x4] =	wrdreg $0x9  }
0xb7: {  	_ =	task.clear_ibuf [dreg:s7], $0x5FFFF;
	_ =	strace $0x90000046  }
0xb8: {  	s29 =	simm.s32 $0x9;
	_ =	strace $0x80000048  }
0xb9: {  	_ =	swait.ge [sflag:s29], $0x1  }
0xba: {  	[sflag:s29] =	ssyncadd.s32 $0xFFFFFFFF  }
0xbb: {  	_ =	strace $0x90000048  }
0xbc: {  	_ =	sfence  }
0xbd: {  	s30 =	sld [smem:$0x0];
	_ =	sdelay $0x2  }
0xbe: {  	s31 =	sshll.u32 s1, $0xD;
	s1 =	sshrl.u32 s1, $0x2  }
0xbf: {  	s3 =	sand.u32 $0x4000, s31;
	s1 =	sadd.s32 s1, s30  }
0xc0: {  	s0 =	sor.u32 s3, s0;
	s1 =	sshll.u32 s1, $0x11  }
0xc1: {  	s0 =	sor.u32 s1, s0  }
0xc2: {  	s0 =	sadd.s32 $0x8F2B, s0  }
0xc3: {  	[sflag:s0] =	ssyncadd.remote.s32 $0x1  }
0xc4: {  	_ =	sfence.sel $0xFFFF  }
0xc5: {  	[dreg:$0x0] =	wrdreg $0xFFFFFFFF;
	(pc) =	sbr.abs _section_cstart, $3  }
0xc6: {  	[dreg:$0x1] =	wrdreg $0xFFFFFFFF  }
0xc7: {  	_ =	task.clear_ibuf [dreg:s7], $0x2FFFF;
	_ =	strace $0x9FFFFFFF  }
0xc8: {  	(tm) =	ssettm $0x7FFFFFFF  }
0xc9: {  	_ =	shalt  }
tec
execute0_lowered:
.L_overlay_start_1:
0x0: {  	(tag) =	ssettag $0x1  }
0x1: {  	s2 =	rddreg [dreg:$0x0]  }
0x2: {  	s0 =	rddreg [dreg:$0x1]  }
0x3: {  	s1 =	srdreg.scid;
	s8 =	stileid.u32;
	s3 =	simm.s32 $0x0  }
0x4: {  	s7 =	simm.s32 $0x1;
	s12 =	simm.s32 $0x2;
	s14 =	simm.s32 $0x100  }
0x5: {  	s16 =	simm.s32 $0xA900;
	s17 =	simm.s32 $0xB100;
	s18 =	simm.s32 $0xB900  }
0x6: {  	s19 =	simm.s32 $0xC100;
	s20 =	simm.s32 $0xC900;
	s21 =	simm.s32 $0xD100  }
0x7: {  	s23 =	simm.s32 $0xE100;
	s24 =	simm.s32 $0xE900;
	s25 =	simm.s32 $0xF100  }
0x8: {  	s26 =	simm.s32 $0xF900;
	s1 =	sand.u32 $0x1, s1;
	s4 =	sshll.u32 s8, $0x1  }
0x9: {  	s28 =	simm.s32 $0x0;
	[smem:$0x7FF] =	sst s3;
	s4 =	sor.u32 s1, s4  }
0xa: {  	s9 =	sadd.s32 $0x300, s2;
	p1 =	seq.s32 s1, $0x1;
	p0 =	seq.s32 s4, $0x0  }
0xb: {  	_ =	strace $0x80000047;
	s1 =	ssub.s32 $0x2, s1;
	p0 =	por !p0, !p1  }
0xc: {  	s5 =	sshll.u32 s4, $0x2;
	s4 =	sshll.u32 s4, $0xC;
	p0 =	por !p0, !p0  }
0xd: {  	s6 =	sshrl.u32 s1, $0x1;
	s5 =	sadd.s32 s5, s0;
	s7 =	simm.s32 @!p0 $0x0  }
0xe: {  	s0 =	sadd.s32 s4, s0;
	s1 =	ssub.s32 s1, s6;
	s7 =	ssub.s32 s8, s7  }
0xf: {  	v3 =	vlaneseq.u32;
	s6 =	simm.s32 $0x1;
	s4 =	sadd.s32 $0x2000, s5;
	s22 =	sshll.u32 s7, $0x5  }
0x10: {  	vm0 =	vmmov $0xffff;
	v2 =	vshrl.u32 v3, $0x3;
	s5 =	sadd.s32 $0x2080, s5;
	s10 =	sadd.s32 $0x2200, s0;
	s11 =	smax.u32 s1, $0x1;
	v0 =	vmov s22  }
0x11: {  	v1 =	vand.u32 $0x7, v3;
	v3 =	vor.u32 $0x8, v3;
	v2 =	vmul.u32 $0x8, v2;
	s8 =	sadd.s32 $0x200, s2;
	s7 =	sadd.s32 $0x100, s2;
	s22 =	simm.s32 $0xD900;
	[tilespmem:$0x1FFF0] =	vst v0  }
.LBB2_1:
0x12: {  	[tilespmem:s3], [sflag:$0x2] =	stream.linear.gather [hbm4b:s4+s3], $0x20, $0x38;
	[tilespmem:$0x10100] =	vst v63  }
0x13: {  	_ =	swait.ge [sflag:s12], $0x20  }
0x14: {  	[sflag:s12] =	ssyncset.done $0x0  }
0x15: {  	s0 =	simm.s32 $0x80;
	[sflag:s12] =	ssyncadd.s32 $0xFFFFFFE0  }
0x16: {  	[tilespmem:s0], [sflag:$0x2] =	stream.linear.gather [hbm4b:s5+s3], $0x20, $0x38;
	[tilespmem:$0x10100] =	vst v63  }
0x17: {  	_ =	swait.ge [sflag:s12], $0x20  }
0x18: {  	[sflag:s12] =	ssyncset.done $0x0  }
0x19: {  	v0 =	vld [tilespmem:$0x1FFF0];
	[sflag:s12] =	ssyncadd.s32 $0xFFFFFFE0  }
0x1a: {  	v4 =	vld [tilespmem:$0x0];
	_ =	sdelay $0x4  }
0x1b: {  	v4 =	vadd.s32 v0, v4  }
0x1c: {  	[tilespmem:$0x0] =	vst v4  }
0x1d: {  	v4 =	vld [tilespmem:$0x0];
	_ =	sdelay $0x4  }
0x1e: {  	v5 =	vshll.u32 v4, $0x3  }
0x1f: {  	v6 =	vld [tilespmem:$0x80];
	v4 =	vand.u32 $0x7, v4;
	v5 =	vand.u32 $0xFFFFFFC0, v5  }
0x20: {  	v7 =	vld [tilespmem:$0x10];
	v4 =	vor.u32 v4, v5  }
0x21: {  	v5 =	vld [tilespmem:$0x90];
	v8 =	vperm.xlane v4, v1;
	_ =	sdelay $0x1  }
0x22: {  	v8 =	vadd.s32 v2, v8  }
0x23: {  	v6 =	vadd.s32 v0, v6  }
0x24: {  	v63 =	vadd.s32 v0, v7;
	[tilespmem:$0x80] =	vst v6  }
0x25: {  	[tilespmem:$0x10] =	vst v63;
	v5 =	vadd.s32 v0, v5  }
0x26: {  	[tilespmem:$0x90] =	vst v5  }
0x27: {  	[tilespmem:s14], [sflag:$0x1] =	stream.indirect_vreg.gather [hbm4b:s2+s3], $0x80, v8, vm0, $0xb8;
	[tilespmem:$0x10100] =	vst v63  }
0x28: {  	s13 =	simm.s32 $0x900;
	v4 =	vperm.xlane v4, v3  }
0x29: {  	[tilespmem:s13], [sflag:$0x1] =	stream.indirect_vreg.gather [hbm4b:s7+s3], $0x80, v8, vm0, $0xb8;
	[tilespmem:$0x10100] =	vst v63  }
0x2a: {  	s15 =	simm.s32 $0x1100;
	v4 =	vadd.s32 v2, v4  }
0x2b: {  	[tilespmem:s15], [sflag:$0x1] =	stream.indirect_vreg.gather [hbm4b:s8+s3], $0x80, v8, vm0, $0xb8;
	[tilespmem:$0x10100] =	vst v63  }
0x2c: {  	s1 =	simm.s32 $0x1900  }
0x2d: {  	[tilespmem:s1], [sflag:$0x1] =	stream.indirect_vreg.gather [hbm4b:s9+s3], $0x80, v8, vm0, $0xb8;
	[tilespmem:$0x10100] =	vst v63  }
0x2e: {  	s13 =	simm.s32 $0x2100  }
0x2f: {  	[tilespmem:s13], [sflag:$0x1] =	stream.indirect_vreg.gather [hbm4b:s2+s3], $0x80, v4, vm0, $0xb8;
	[tilespmem:$0x10100] =	vst v63  }
0x30: {  	s15 =	simm.s32 $0x2900  }
0x31: {  	[tilespmem:s15], [sflag:$0x1] =	stream.indirect_vreg.gather [hbm4b:s7+s3], $0x80, v4, vm0, $0xb8;
	[tilespmem:$0x10100] =	vst v63  }
0x32: {  	s1 =	simm.s32 $0x3100  }
0x33: {  	[tilespmem:s1], [sflag:$0x1] =	stream.indirect_vreg.gather [hbm4b:s8+s3], $0x80, v4, vm0, $0xb8;
	[tilespmem:$0x10100] =	vst v63  }
0x34: {  	s13 =	simm.s32 $0x3900  }
0x35: {  	[tilespmem:s13], [sflag:$0x1] =	stream.indirect_vreg.gather [hbm4b:s9+s3], $0x80, v4, vm0, $0xb8;
	[tilespmem:$0x10100] =	vst v63  }
0x36: {  	v4 =	vld [tilespmem:$0x10];
	_ =	sdelay $0x4  }
0x37: {  	v5 =	vshll.u32 v4, $0x3  }
0x38: {  	v4 =	vand.u32 $0x7, v4;
	v5 =	vand.u32 $0xFFFFFFC0, v5  }
0x39: {  	v4 =	vor.u32 v4, v5  }
0x3a: {  	v5 =	vperm.xlane v4, v1;
	_ =	sdelay $0x1  }
0x3b: {  	v5 =	vadd.s32 v2, v5;
	_ =	sdelay $0x3  }
0x3c: {  	s15 =	simm.s32 $0x4100  }
0x3d: {  	[tilespmem:s15], [sflag:$0x1] =	stream.indirect_vreg.gather [hbm4b:s2+s3], $0x80, v5, vm0, $0xb8;
	[tilespmem:$0x10100] =	vst v63  }
0x3e: {  	s1 =	simm.s32 $0x4900;
	v4 =	vperm.xlane v4, v3  }
0x3f: {  	[tilespmem:s1], [sflag:$0x1] =	stream.indirect_vreg.gather [hbm4b:s7+s3], $0x80, v5, vm0, $0xb8;
	[tilespmem:$0x10100] =	vst v63  }
0x40: {  	s13 =	simm.s32 $0x5100;
	v4 =	vadd.s32 v2, v4  }
0x41: {  	[tilespmem:s13], [sflag:$0x1] =	stream.indirect_vreg.gather [hbm4b:s8+s3], $0x80, v5, vm0, $0xb8;
	[tilespmem:$0x10100] =	vst v63  }
0x42: {  	s15 =	simm.s32 $0x5900  }
0x43: {  	[tilespmem:s15], [sflag:$0x1] =	stream.indirect_vreg.gather [hbm4b:s9+s3], $0x80, v5, vm0, $0xb8;
	[tilespmem:$0x10100] =	vst v63  }
0x44: {  	s1 =	simm.s32 $0x6100  }
0x45: {  	[tilespmem:s1], [sflag:$0x1] =	stream.indirect_vreg.gather [hbm4b:s2+s3], $0x80, v4, vm0, $0xb8;
	[tilespmem:$0x10100] =	vst v63  }
0x46: {  	s13 =	simm.s32 $0x6900  }
0x47: {  	[tilespmem:s13], [sflag:$0x1] =	stream.indirect_vreg.gather [hbm4b:s7+s3], $0x80, v4, vm0, $0xb8;
	[tilespmem:$0x10100] =	vst v63  }
0x48: {  	s15 =	simm.s32 $0x7100  }
0x49: {  	[tilespmem:s15], [sflag:$0x1] =	stream.indirect_vreg.gather [hbm4b:s8+s3], $0x80, v4, vm0, $0xb8;
	[tilespmem:$0x10100] =	vst v63  }
0x4a: {  	s1 =	simm.s32 $0x7900  }
0x4b: {  	[tilespmem:s1], [sflag:$0x1] =	stream.indirect_vreg.gather [hbm4b:s9+s3], $0x80, v4, vm0, $0xb8;
	[tilespmem:$0x10100] =	vst v63  }
0x4c: {  	v4 =	vld [tilespmem:$0x80];
	_ =	sdelay $0x4  }
0x4d: {  	v5 =	vshll.u32 v4, $0x3  }
0x4e: {  	v4 =	vand.u32 $0x7, v4;
	v5 =	vand.u32 $0xFFFFFFC0, v5  }
0x4f: {  	v4 =	vor.u32 v4, v5  }
0x50: {  	v5 =	vperm.xlane v4, v1;
	_ =	sdelay $0x1  }
0x51: {  	v5 =	vadd.s32 v2, v5;
	_ =	sdelay $0x3  }
0x52: {  	s13 =	simm.s32 $0x8100  }
0x53: {  	[tilespmem:s13], [sflag:$0x1] =	stream.indirect_vreg.gather [hbm4b:s2+s3], $0x80, v5, vm0, $0xb8;
	[tilespmem:$0x10100] =	vst v63  }
0x54: {  	s15 =	simm.s32 $0x8900;
	v4 =	vperm.xlane v4, v3  }
0x55: {  	[tilespmem:s15], [sflag:$0x1] =	stream.indirect_vreg.gather [hbm4b:s7+s3], $0x80, v5, vm0, $0xb8;
	[tilespmem:$0x10100] =	vst v63  }
0x56: {  	s1 =	simm.s32 $0x9100;
	v4 =	vadd.s32 v2, v4  }
0x57: {  	[tilespmem:s1], [sflag:$0x1] =	stream.indirect_vreg.gather [hbm4b:s8+s3], $0x80, v5, vm0, $0xb8;
	[tilespmem:$0x10100] =	vst v63  }
0x58: {  	s13 =	simm.s32 $0x9900  }
0x59: {  	[tilespmem:s13], [sflag:$0x1] =	stream.indirect_vreg.gather [hbm4b:s9+s3], $0x80, v5, vm0, $0xb8;
	[tilespmem:$0x10100] =	vst v63  }
0x5a: {  	s15 =	simm.s32 $0xA100  }
0x5b: {  	[tilespmem:s15], [sflag:$0x1] =	stream.indirect_vreg.gather [hbm4b:s2+s3], $0x80, v4, vm0, $0xb8;
	[tilespmem:$0x10100] =	vst v63  }
0x5c: {  	_ = 	snop  }
0x5d: {  	[tilespmem:s16], [sflag:$0x1] =	stream.indirect_vreg.gather [hbm4b:s7+s3], $0x80, v4, vm0, $0xb8;
	[tilespmem:$0x10100] =	vst v63  }
0x5e: {  	_ = 	snop  }
0x5f: {  	[tilespmem:s17], [sflag:$0x1] =	stream.indirect_vreg.gather [hbm4b:s8+s3], $0x80, v4, vm0, $0xb8;
	[tilespmem:$0x10100] =	vst v63  }
0x60: {  	_ = 	snop  }
0x61: {  	[tilespmem:s18], [sflag:$0x1] =	stream.indirect_vreg.gather [hbm4b:s9+s3], $0x80, v4, vm0, $0xb8;
	[tilespmem:$0x10100] =	vst v63  }
0x62: {  	v4 =	vld [tilespmem:$0x90];
	_ =	sdelay $0x4  }
0x63: {  	v5 =	vshll.u32 v4, $0x3  }
0x64: {  	v4 =	vand.u32 $0x7, v4;
	v5 =	vand.u32 $0xFFFFFFC0, v5  }
0x65: {  	v4 =	vor.u32 v4, v5  }
0x66: {  	v5 =	vperm.xlane v4, v1;
	_ =	sdelay $0x1  }
0x67: {  	v5 =	vadd.s32 v2, v5;
	_ =	sdelay $0x4  }
0x68: {  	[tilespmem:s19], [sflag:$0x1] =	stream.indirect_vreg.gather [hbm4b:s2+s3], $0x80, v5, vm0, $0xb8;
	[tilespmem:$0x10100] =	vst v63  }
0x69: {  	v4 =	vperm.xlane v4, v3  }
0x6a: {  	[tilespmem:s20], [sflag:$0x1] =	stream.indirect_vreg.gather [hbm4b:s7+s3], $0x80, v5, vm0, $0xb8;
	[tilespmem:$0x10100] =	vst v63  }
0x6b: {  	v4 =	vadd.s32 v2, v4  }
0x6c: {  	[tilespmem:s21], [sflag:$0x1] =	stream.indirect_vreg.gather [hbm4b:s8+s3], $0x80, v5, vm0, $0xb8;
	[tilespmem:$0x10100] =	vst v63  }
0x6d: {  	_ = 	snop  }
0x6e: {  	[tilespmem:s22], [sflag:$0x1] =	stream.indirect_vreg.gather [hbm4b:s9+s3], $0x80, v5, vm0, $0xb8;
	[tilespmem:$0x10100] =	vst v63  }
0x6f: {  	_ = 	snop  }
0x70: {  	[tilespmem:s23], [sflag:$0x1] =	stream.indirect_vreg.gather [hbm4b:s2+s3], $0x80, v4, vm0, $0xb8;
	[tilespmem:$0x10100] =	vst v63  }
0x71: {  	_ = 	snop  }
0x72: {  	[tilespmem:s24], [sflag:$0x1] =	stream.indirect_vreg.gather [hbm4b:s7+s3], $0x80, v4, vm0, $0xb8;
	[tilespmem:$0x10100] =	vst v63  }
0x73: {  	_ = 	snop  }
0x74: {  	[tilespmem:s25], [sflag:$0x1] =	stream.indirect_vreg.gather [hbm4b:s8+s3], $0x80, v4, vm0, $0xb8;
	[tilespmem:$0x10100] =	vst v63  }
0x75: {  	_ = 	snop  }
0x76: {  	[tilespmem:s26], [sflag:$0x1] =	stream.indirect_vreg.gather [hbm4b:s9+s3], $0x80, v4, vm0, $0xb8;
	[tilespmem:$0x10100] =	vst v63  }
0x77: {  	_ =	swait.ge [sflag:s6], $0x8000  }
0x78: {  	[sflag:s6] =	ssyncset.done $0x0  }
0x79: {  	[sflag:s6] =	ssyncadd.s32 $0xFFFF8000  }
0x7a: {  	_ =	swait.ge [sflag:s6], $0x8000  }
0x7b: {  	s29 =	simm.s32 $0xFFFF8000;
	s30 =	simm.s32 $0x0;
	[sflag:s6] =	ssyncset.done $0x0  }
0x7c: {  	s31 =	simm.s32 $0x0;
	s0 =	simm.s32 $0x0;
	[sflag:s6] =	ssyncadd.s32 $0xFFFF8000  }
.LBB2_2:
0x7d: {  	s1 =	sadd.s32 $0x8000, s29  }
0x7e: {  	s13 =	sand.u32 $0x380, s0;
	s1 =	sand.u32 $0x6000, s1  }
0x7f: {  	s1 =	sor.u32 s13, s1  }
0x80: {  	v4 =	vld [tilespmem:s1+$0x100]  }
0x81: {  	v5 =	vld [tilespmem:s1+$0x8100]  }
0x82: {  	v6 =	vld [tilespmem:s1+$0x110]  }
0x83: {  	v7 =	vld [tilespmem:s1+$0x8110]  }
0x84: {  	v8 =	vld [tilespmem:s1+$0x120]  }
0x85: {  	v9 =	vld [tilespmem:s1+$0x8120]  }
0x86: {  	v10 =	vld [tilespmem:s1+$0x130]  }
0x87: {  	v11 =	vld [tilespmem:s1+$0x8130]  }
0x88: {  	v12 =	vld [tilespmem:s1+$0x140]  }
0x89: {  	v13 =	vld [tilespmem:s1+$0x8140]  }
0x8a: {  	v14 =	vld [tilespmem:s1+$0x150]  }
0x8b: {  	v15 =	vld [tilespmem:s1+$0x8150]  }
0x8c: {  	v16 =	vld [tilespmem:s1+$0x160]  }
0x8d: {  	v17 =	vld [tilespmem:s1+$0x8160]  }
0x8e: {  	v18 =	vld [tilespmem:s1+$0x170]  }
0x8f: {  	v19 =	vld [tilespmem:s1+$0x8170]  }
0x90: {  	v20 =	vld [tilespmem:s1+$0x500]  }
0x91: {  	v21 =	vld [tilespmem:s1+$0x8500]  }
0x92: {  	v22 =	vld [tilespmem:s1+$0x510]  }
0x93: {  	v23 =	vld [tilespmem:s1+$0x8510]  }
0x94: {  	v24 =	vld [tilespmem:s1+$0x520]  }
0x95: {  	v25 =	vld [tilespmem:s1+$0x8520]  }
0x96: {  	v26 =	vld [tilespmem:s1+$0x530]  }
0x97: {  	v27 =	vld [tilespmem:s1+$0x8530]  }
0x98: {  	v28 =	vld [tilespmem:s1+$0x540]  }
0x99: {  	v29 =	vld [tilespmem:s1+$0x8540]  }
0x9a: {  	v30 =	vld [tilespmem:s1+$0x550]  }
0x9b: {  	v31 =	vld [tilespmem:s1+$0x8550]  }
0x9c: {  	v32 =	vld [tilespmem:s1+$0x560]  }
0x9d: {  	v33 =	vld [tilespmem:s1+$0x8560]  }
0x9e: {  	v34 =	vld [tilespmem:s1+$0x570]  }
0x9f: {  	v35 =	vld [tilespmem:s1+$0x8570]  }
0xa0: {  	v36 =	vld [tilespmem:s1+$0x900]  }
0xa1: {  	v37 =	vld [tilespmem:s1+$0x8900]  }
0xa2: {  	v38 =	vld [tilespmem:s1+$0x910]  }
0xa3: {  	v39 =	vld [tilespmem:s1+$0x8910]  }
0xa4: {  	v40 =	vld [tilespmem:s1+$0x920]  }
0xa5: {  	v41 =	vld [tilespmem:s1+$0x8920]  }
0xa6: {  	v42 =	vld [tilespmem:s1+$0x930]  }
0xa7: {  	v43 =	vld [tilespmem:s1+$0x8930]  }
0xa8: {  	v44 =	vld [tilespmem:s1+$0x940]  }
0xa9: {  	v45 =	vld [tilespmem:s1+$0x8940]  }
0xaa: {  	v46 =	vld [tilespmem:s1+$0x950]  }
0xab: {  	v47 =	vld [tilespmem:s1+$0x8950]  }
0xac: {  	v48 =	vld [tilespmem:s1+$0x960]  }
0xad: {  	v49 =	vld [tilespmem:s1+$0x8960]  }
0xae: {  	v50 =	vld [tilespmem:s1+$0x970]  }
0xaf: {  	v51 =	vld [tilespmem:s1+$0x8970]  }
0xb0: {  	v52 =	vld [tilespmem:s1+$0xD00]  }
0xb1: {  	v53 =	vld [tilespmem:s1+$0x8D00]  }
0xb2: {  	v54 =	vld [tilespmem:s1+$0xD10]  }
0xb3: {  	v55 =	vld [tilespmem:s1+$0x8D10]  }
0xb4: {  	v56 =	vld [tilespmem:s1+$0xD20]  }
0xb5: {  	v57 =	vld [tilespmem:s1+$0x8D20]  }
0xb6: {  	v58 =	vld [tilespmem:s1+$0xD30]  }
0xb7: {  	v59 =	vld [tilespmem:s1+$0x8D30]  }
0xb8: {  	v60 =	vld [tilespmem:s1+$0xD40]  }
0xb9: {  	v61 =	vld [tilespmem:s1+$0x8D40]  }
0xba: {  	v62 =	vld [tilespmem:s1+$0xD50]  }
0xbb: {  	v63 =	vld [tilespmem:s1+$0x8D50]  }
0xbc: {  	v0 =	vld [tilespmem:s1+$0xD60]  }
0xbd: {  	v4 =	vadd.f32 v5, v4;
	v5 =	vld [tilespmem:s1+$0x8D60]  }
0xbe: {  	v6 =	vadd.f32 v7, v6;
	v7 =	vld [tilespmem:s1+$0xD70]  }
0xbf: {  	v19 =	vadd.f32 v19, v18;
	v18 =	vld [tilespmem:s1+$0x9140];
	[tilespmem:s1+$0x100] =	vst v4  }
0xc0: {  	v23 =	vadd.f32 v23, v22;
	v22 =	vld [tilespmem:s1+$0x9160];
	[tilespmem:s1+$0x110] =	vst v6  }
0xc1: {  	v27 =	vadd.f32 v27, v26;
	v30 =	vadd.f32 v31, v30;
	v26 =	vld [tilespmem:s1+$0x9500];
	[tilespmem:s1+$0x170] =	vst v19  }
0xc2: {  	v31 =	vadd.f32 v35, v34;
	v34 =	vadd.f32 v47, v46;
	v46 =	vld [tilespmem:s1+$0x9560];
	[tilespmem:s1+$0x510] =	vst v23  }
0xc3: {  	v47 =	vld [tilespmem:s1+$0x1570];
	[tilespmem:s1+$0x530] =	vst v27  }
0xc4: {  	v35 =	vadd.f32 v51, v50;
	v50 =	vld [tilespmem:s1+$0x9900];
	[tilespmem:s1+$0x550] =	vst v30  }
0xc5: {  	v4 =	vadd.f32 v9, v8;
	v8 =	vld [tilespmem:s1+$0x8D70];
	[tilespmem:s1+$0x570] =	vst v31  }
0xc6: {  	v9 =	vld [tilespmem:s1+$0x1100];
	[tilespmem:s1+$0x950] =	vst v34  }
0xc7: {  	v6 =	vadd.f32 v11, v10;
	v10 =	vld [tilespmem:s1+$0x9100];
	[tilespmem:s1+$0x970] =	vst v35  }
0xc8: {  	v11 =	vld [tilespmem:s1+$0x1110];
	[tilespmem:s1+$0x120] =	vst v4;
	v4 =	vadd.f32 v13, v12  }
0xc9: {  	[tilespmem:s1+$0x130] =	vst v6;
	v6 =	vadd.f32 v15, v14;
	v12 =	vld [tilespmem:s1+$0x9110]  }
0xca: {  	v13 =	vld [tilespmem:s1+$0x1120];
	v0 =	vadd.f32 v5, v0;
	[tilespmem:s1+$0x140] =	vst v4  }
0xcb: {  	v14 =	vld [tilespmem:s1+$0x9120];
	v4 =	vadd.f32 v17, v16;
	[tilespmem:s1+$0x150] =	vst v6  }
0xcc: {  	v15 =	vld [tilespmem:s1+$0x1130];
	v5 =	vadd.f32 v8, v7;
	[tilespmem:s1+$0xD60] =	vst v0  }
0xcd: {  	v16 =	vld [tilespmem:s1+$0x9130];
	v0 =	vadd.f32 v10, v9;
	[tilespmem:s1+$0x160] =	vst v4  }
0xce: {  	v17 =	vld [tilespmem:s1+$0x1140];
	v4 =	vadd.f32 v21, v20;
	[tilespmem:s1+$0xD70] =	vst v5  }
0xcf: {  	v19 =	vld [tilespmem:s1+$0x1150];
	v5 =	vadd.f32 v12, v11;
	[tilespmem:s1+$0x1100] =	vst v0  }
0xd0: {  	v20 =	vld [tilespmem:s1+$0x9150];
	v0 =	vadd.f32 v14, v13;
	[tilespmem:s1+$0x500] =	vst v4  }
0xd1: {  	v51 =	vld [tilespmem:s1+$0x1910];
	v4 =	vadd.f32 v25, v24;
	[tilespmem:s1+$0x1110] =	vst v5  }
0xd2: {  	v21 =	vld [tilespmem:s1+$0x1160];
	v5 =	vadd.f32 v16, v15;
	[tilespmem:s1+$0x1120] =	vst v0  }
0xd3: {  	v23 =	vld [tilespmem:s1+$0x1170];
	v0 =	vadd.f32 v18, v17;
	[tilespmem:s1+$0x520] =	vst v4  }
0xd4: {  	v27 =	vld [tilespmem:s1+$0x1510];
	v4 =	vadd.f32 v29, v28;
	[tilespmem:s1+$0x1130] =	vst v5  }
0xd5: {  	v24 =	vld [tilespmem:s1+$0x9170];
	v5 =	vadd.f32 v20, v19;
	[tilespmem:s1+$0x1140] =	vst v0  }
0xd6: {  	v25 =	vld [tilespmem:s1+$0x1500];
	[tilespmem:s1+$0x540] =	vst v4;
	v4 =	vadd.f32 v33, v32  }
0xd7: {  	v28 =	vld [tilespmem:s1+$0x9510];
	v0 =	vadd.f32 v22, v21;
	[tilespmem:s1+$0x1150] =	vst v5  }
0xd8: {  	v29 =	vld [tilespmem:s1+$0x1520];
	[tilespmem:s1+$0x560] =	vst v4;
	v4 =	vadd.f32 v37, v36  }
0xd9: {  	v32 =	vadd.f32 v39, v38;
	v38 =	vld [tilespmem:s1+$0x1530];
	[tilespmem:s1+$0x1160] =	vst v0  }
0xda: {  	v39 =	vld [tilespmem:s1+$0x9530];
	[tilespmem:s1+$0x900] =	vst v4;
	v4 =	vadd.f32 v41, v40  }
0xdb: {  	v33 =	vadd.f32 v43, v42;
	v42 =	vld [tilespmem:s1+$0x9540];
	[tilespmem:s1+$0x910] =	vst v32  }
0xdc: {  	v43 =	vadd.f32 v63, v62;
	v62 =	vld [tilespmem:s1+$0x9970];
	[tilespmem:s1+$0x920] =	vst v4;
	v4 =	vadd.f32 v45, v44  }
0xdd: {  	v63 =	vld [tilespmem:s1+$0x9940];
	[tilespmem:s1+$0x930] =	vst v33  }
0xde: {  	v36 =	vld [tilespmem:s1+$0x9520];
	[tilespmem:s1+$0x940] =	vst v4;
	v4 =	vadd.f32 v49, v48  }
0xdf: {  	v5 =	vadd.f32 v24, v23;
	v37 =	vadd.f32 v55, v54;
	[tilespmem:s1+$0xD50] =	vst v43;
	v54 =	vld [tilespmem:s1+$0x9920]  }
0xe0: {  	v55 =	vld [tilespmem:s1+$0x1930];
	[tilespmem:s1+$0x960] =	vst v4;
	v4 =	vadd.f32 v53, v52  }
0xe1: {  	v0 =	vadd.f32 v26, v25;
	[tilespmem:s1+$0x1170] =	vst v5;
	v41 =	vld [tilespmem:s1+$0x1540]  }
0xe2: {  	v40 =	vadd.f32 v59, v58;
	v58 =	vld [tilespmem:s1+$0x1950];
	[tilespmem:s1+$0xD00] =	vst v4;
	v4 =	vadd.f32 v57, v56  }
0xe3: {  	[tilespmem:s1+$0x1500] =	vst v0;
	v59 =	vld [tilespmem:s1+$0x1960]  }
0xe4: {  	v44 =	vld [tilespmem:s1+$0x1550];
	[tilespmem:s1+$0xD20] =	vst v4;
	v4 =	vadd.f32 v61, v60  }
0xe5: {  	v5 =	vadd.f32 v28, v27;
	[tilespmem:s1+$0xD10] =	vst v37;
	v45 =	vld [tilespmem:s1+$0x1560]  }
0xe6: {  	v0 =	vadd.f32 v36, v29;
	[tilespmem:s1+$0xD40] =	vst v4;
	v4 =	vld [tilespmem:s1+$0x9550]  }
0xe7: {  	[tilespmem:s1+$0x1510] =	vst v5;
	v49 =	vld [tilespmem:s1+$0x1900]  }
0xe8: {  	v48 =	vld [tilespmem:s1+$0x9570];
	[tilespmem:s1+$0x1520] =	vst v0;
	v0 =	vadd.f32 v42, v41  }
0xe9: {  	v5 =	vadd.f32 v39, v38;
	[tilespmem:s1+$0xD30] =	vst v40;
	v53 =	vld [tilespmem:s1+$0x1920]  }
0xea: {  	v52 =	vld [tilespmem:s1+$0x9910];
	[tilespmem:s1+$0x1540] =	vst v0;
	v0 =	vadd.f32 v46, v45  }
0xeb: {  	[tilespmem:s1+$0x1530] =	vst v5;
	v5 =	vld [tilespmem:s1+$0x9950];
	v4 =	vadd.f32 v4, v44  }
0xec: {  	v56 =	vld [tilespmem:s1+$0x9930];
	[tilespmem:s1+$0x1560] =	vst v0;
	v0 =	vadd.f32 v50, v49  }
0xed: {  	v61 =	vld [tilespmem:s1+$0x1970];
	[tilespmem:s1+$0x1550] =	vst v4;
	v4 =	vadd.f32 v48, v47  }
0xee: {  	v60 =	vld [tilespmem:s1+$0x9960];
	[tilespmem:s1+$0x1900] =	vst v0;
	v0 =	vadd.f32 v54, v53  }
0xef: {  	v57 =	vld [tilespmem:s1+$0x1940];
	[tilespmem:s1+$0x1570] =	vst v4;
	v4 =	vadd.f32 v52, v51  }
0xf0: {  	[tilespmem:s1+$0x1920] =	vst v0;
	v0 =	vadd.f32 v5, v58  }
0xf1: {  	[tilespmem:s1+$0x1910] =	vst v4;
	v4 =	vadd.f32 v56, v55  }
0xf2: {  	s15 =	sand.u32 $0x7, s30;
	[tilespmem:s1+$0x1950] =	vst v0;
	v0 =	vadd.f32 v62, v61  }
0xf3: {  	s13 =	sshll.u32 s15, $0x7;
	[tilespmem:s1+$0x1930] =	vst v4;
	v4 =	vadd.f32 v60, v59  }
0xf4: {  	s13 =	sadd.s32 s13, s31;
	v5 =	vadd.f32 v63, v57;
	[tilespmem:s1+$0x1970] =	vst v0  }
0xf5: {  	s15 =	sor.u32 $0x1C00, s13;
	[tilespmem:s1+$0x1960] =	vst v4  }
0xf6: {  	[tilespmem:s1+$0x1940] =	vst v5;
	v0 =	vld [tilespmem:s15+$0x100]  }
0xf7: {  	v4 =	vld [tilespmem:s15+$0x8100];
	_ =	sdelay $0x4  }
0xf8: {  	v0 =	vadd.f32 v4, v0;
	_ =	sdelay $0x1  }
0xf9: {  	[tilespmem:s15+$0x100] =	vst v0;
	s15 =	sor.u32 $0x1C10, s13  }
0xfa: {  	v0 =	vld [tilespmem:s15+$0x100]  }
0xfb: {  	v4 =	vld [tilespmem:s15+$0x8100];
	_ =	sdelay $0x4  }
0xfc: {  	v0 =	vadd.f32 v4, v0;
	_ =	sdelay $0x1  }
0xfd: {  	[tilespmem:s15+$0x100] =	vst v0;
	s15 =	sor.u32 $0x1C20, s13  }
0xfe: {  	v0 =	vld [tilespmem:s15+$0x100]  }
0xff: {  	v4 =	vld [tilespmem:s15+$0x8100];
	_ =	sdelay $0x4  }
0x100: {  	v0 =	vadd.f32 v4, v0;
	_ =	sdelay $0x1  }
0x101: {  	[tilespmem:s15+$0x100] =	vst v0;
	s15 =	sor.u32 $0x1C30, s13  }
0x102: {  	v0 =	vld [tilespmem:s15+$0x100]  }
0x103: {  	v4 =	vld [tilespmem:s15+$0x8100];
	_ =	sdelay $0x4  }
0x104: {  	v0 =	vadd.f32 v4, v0;
	_ =	sdelay $0x1  }
0x105: {  	[tilespmem:s15+$0x100] =	vst v0;
	s15 =	sor.u32 $0x1C40, s13  }
0x106: {  	v0 =	vld [tilespmem:s15+$0x100]  }
0x107: {  	v4 =	vld [tilespmem:s15+$0x8100];
	_ =	sdelay $0x4  }
0x108: {  	v0 =	vadd.f32 v4, v0;
	_ =	sdelay $0x1  }
0x109: {  	[tilespmem:s15+$0x100] =	vst v0;
	s15 =	sor.u32 $0x1C50, s13  }
0x10a: {  	v0 =	vld [tilespmem:s15+$0x100]  }
0x10b: {  	v4 =	vld [tilespmem:s15+$0x8100];
	_ =	sdelay $0x4  }
0x10c: {  	v0 =	vadd.f32 v4, v0;
	_ =	sdelay $0x1  }
0x10d: {  	[tilespmem:s15+$0x100] =	vst v0;
	s15 =	sor.u32 $0x1C60, s13  }
0x10e: {  	v0 =	vld [tilespmem:s15+$0x100]  }
0x10f: {  	v4 =	vld [tilespmem:s15+$0x8100];
	_ =	sdelay $0x4  }
0x110: {  	v0 =	vadd.f32 v4, v0;
	_ =	sdelay $0x1  }
0x111: {  	[tilespmem:s15+$0x100] =	vst v0;
	s15 =	sor.u32 $0x1C70, s13  }
0x112: {  	v0 =	vld [tilespmem:s15+$0x100]  }
0x113: {  	v4 =	vld [tilespmem:s15+$0x8100];
	_ =	sdelay $0x1  }
0x114: {  	p0 =	sne.s32 s0, $0xF80  }
.Ltmp0:
0x115: {  	_ = 	snop;
	(pc) =	sbr.rel @p0 .LBB2_2-.Ltmp0, $4  }
0x116: {  	_ = 	snop  }
0x117: {  	v0 =	vadd.f32 v4, v0  }
0x118: {  	s30 =	sadd.s32 $0x1, s30  }
0x119: {  	s29 =	sadd.s32 $0x400, s29;
	s0 =	sadd.s32 $0x80, s0;
	s31 =	sadd.s32 $0x400, s31;
	[tilespmem:s15+$0x100] =	vst v0  }
0x11a: {  	s28 =	sadd.s32 $0x1, s28  }
0x11b: {  	p0 =	sne.s32 s28, s11  }
.Ltmp1:
0x11c: {  	_ = 	snop;
	(pc) =	sbr.rel @p0 .LBB2_1-.Ltmp1, $4  }
0x11d: {  	[hbm4b:s10+s3] =	stream.linear.scatter [tilespmem:s14], [sflag:$0x2], $0x8000, $0x38;
	[tilespmem:$0x10100] =	vst v63  }
0x11e: {  	_ =	swait.ge [sflag:s12], $0x8000  }
0x11f: {  	[sflag:s12] =	ssyncset.done $0x0  }
0x120: {  	[sflag:s12] =	ssyncadd.s32 $0xFFFF8000  }
0x121: {  	_ =	sfence.sel $0x180000  }
0x122: {  	[bflag:$0x0] =	sbarrier.arrive $0xFFFF  }
0x123: {  	_ =	strace $0x90000047  }
0x124: {  	s0 =	stileid.u32;
	[bflag:$0x2] =	sbarrier.arrive $0xFFFF  }
0x125: {  	p0 =	sne.s32 s0, $0x0;
	s0 =	rddreg [dreg:$0x2]  }
0x126: {  	s0 =	sadd.s32 @!p0 $0x100000, s0  }
0x127: {  	[sflag:s0] =	ssyncadd.tile.s32 @!p0 $0x1;
	_ =	shalt  }
.Lfunc_end2:
_tile_overlayer_lowered:
.L_overlay_start_2:
0x128: {  	(tag) =	ssettag $0x2  }
0x129: {  	s0 =	rddreg [dreg:$0x0];
	s2 =	stileid.u32  }
0x12a: {  	s1 =	rddreg [dreg:$0x1];
	p0 =	sne.s32 s2, $0x0  }
0x12b: {  	s3 =	rddreg [dreg:$0x2];
	[bflag:$0x3] =	sbarrier.arrive $0xFFFF;
	s2 =	simm.s32 @!p0 $0x1C02  }
0x12c: {  	[timem:s3], [sflag:s2] =	dma.local @!p0 [hbm:s0], s1  }
0x12d: {  	s0 =	simm.s32 @!p0 $0x2  }
0x12e: {  	_ =	swait.ge @!p0 [sflag:s0], s1  }
0x12f: {  	s1 =	ssub.s32 @!p0 $0x0, s1;
	[sflag:s0] =	ssyncset.done @!p0 $0x0  }
0x130: {  	[sflag:s0] =	ssyncadd.s32 @!p0 s1  }
0x131: {  	[bflag:$0x3] =	sbarrier.arrive $0xFFFF  }
0x132: {  	_ =	shalt  }

</sc_bundles>
